<compile_context>
chip_gen: v7x
topology: tpu7x:2x2x1
jax: 0.10.2.dev20260603
libtpu: 0.0.44.dev20260713+nightly
codegen_flags: <defaults>
</compile_context>

<pallas_src>
import functools

import jax
import jax.numpy as jnp
from jax import lax
from jax.experimental import pallas as pl
from jax.experimental.pallas import tpu as pltpu
from jax.experimental.pallas import tpu_sc as plsc

_NC = 2
_NS = 16
_NW = _NC * _NS
_C = 80


def _pad_nodes(n):
    return (n + 127) // 128 * 128


@functools.lru_cache(maxsize=None)
def _deg_kernel(n_nodes: int, n_edges: int):
    epw = n_edges // _NW
    nch = epw // _C
    n_pad = _pad_nodes(n_nodes)
    rps = n_pad // _NS
    mesh = plsc.VectorSubcoreMesh(core_axis_name="c", subcore_axis_name="s",
                                  num_cores=_NC, num_subcores=_NS)

    @functools.partial(
        pl.kernel, mesh=mesh,
        out_type=jax.ShapeDtypeStruct((_NC, n_pad, 16), jnp.float32),
        scratch_types=[
            pltpu.VMEM((nch, _C), jnp.int32),
            pltpu.VMEM((_C, 16), jnp.float32),
            pltpu.VMEM_SHARED((n_pad, 16), jnp.float32),
        ],
        compiler_params=pltpu.CompilerParams(use_tc_tiling_on_sc=False),
    )
    def deg(ei_hbm, zero_hbm, out_hbm, dst_v, ones_v, acc_sh):
        cid = lax.axis_index("c")
        sid = lax.axis_index("s")
        wid = cid * _NS + sid

        def fill(r, carry):
            ones_v[r, 0:16] = jnp.ones((16,), jnp.float32)
            return carry

        lax.fori_loop(0, _C, fill, 0)
        pltpu.sync_copy(zero_hbm.at[pl.ds(sid * rps, rps)],
                        acc_sh.at[pl.ds(sid * rps, rps)])
        pltpu.sync_copy(ei_hbm.at[1, wid], dst_v)
        plsc.subcore_barrier()

        def body(j, carry):
            pltpu.sync_copy(ones_v, acc_sh.at[dst_v.at[j]], add=True)
            return carry

        lax.fori_loop(0, nch, body, 0)
        plsc.subcore_barrier()
        pltpu.sync_copy(acc_sh.at[pl.ds(sid * rps, rps)],
                        out_hbm.at[cid, pl.ds(sid * rps, rps)])

    return deg


_NB = 5


@functools.lru_cache(maxsize=None)
def _agg_kernel(n_nodes: int, n_edges: int, d: int):
    epw = n_edges // _NW
    nch = epw // _C
    ngr = nch // _NB
    gr_rows = _NB * _C
    n_pad = _pad_nodes(n_nodes)
    rps = n_pad // _NS
    mesh = plsc.VectorSubcoreMesh(core_axis_name="c", subcore_axis_name="s",
                                  num_cores=_NC, num_subcores=_NS)

    @functools.partial(
        pl.kernel, mesh=mesh,
        out_type=jax.ShapeDtypeStruct((_NC, n_pad, d), jnp.float32),
        scratch_types=[
            pltpu.VMEM((nch, _C), jnp.int32),
            pltpu.VMEM((nch, _C), jnp.int32),
            pltpu.VMEM((gr_rows, d), jnp.float32),
            pltpu.VMEM((gr_rows, d), jnp.float32),
            pltpu.VMEM_SHARED((n_pad, d), jnp.float32),
            pltpu.SemaphoreType.DMA,
            pltpu.SemaphoreType.DMA,
        ],
        compiler_params=pltpu.CompilerParams(use_tc_tiling_on_sc=False),
    )
    def agg(hs_hbm, ei_hbm, zero_hbm, out_hbm,
            src_v, dst_v, rows_a, rows_b, acc_sh, sem_a, sem_b):
        cid = lax.axis_index("c")
        sid = lax.axis_index("s")
        wid = cid * _NS + sid

        pltpu.sync_copy(zero_hbm.at[pl.ds(sid * rps, rps)],
                        acc_sh.at[pl.ds(sid * rps, rps)])
        pltpu.sync_copy(ei_hbm.at[0, wid], src_v)
        pltpu.sync_copy(ei_hbm.at[1, wid], dst_v)
        plsc.subcore_barrier()

        def fire(g, buf, sem):
            for b in range(_NB):
                pltpu.async_copy(
                    hs_hbm.at[src_v.at[g * _NB + b]],
                    buf.at[pl.ds(b * _C, _C)], sem)

        def drain(buf, sem):
            pltpu.make_async_copy(hs_hbm.at[pl.ds(0, gr_rows)], buf,
                                  sem).wait()

        def scat(g, buf):
            for b in range(_NB):
                pltpu.sync_copy(buf.at[pl.ds(b * _C, _C)],
                                acc_sh.at[dst_v.at[g * _NB + b]], add=True)

        fire(0, rows_a, sem_a)

        def body(i, carry):
            ga = 2 * i
            fire(ga + 1, rows_b, sem_b)
            drain(rows_a, sem_a)
            scat(ga, rows_a)
            fire(ga + 2, rows_a, sem_a)
            drain(rows_b, sem_b)
            scat(ga + 1, rows_b)
            return carry

        lax.fori_loop(0, (ngr - 1) // 2, body, 0)
        drain(rows_a, sem_a)
        scat(ngr - 1, rows_a)
        plsc.subcore_barrier()
        pltpu.sync_copy(acc_sh.at[pl.ds(sid * rps, rps)],
                        out_hbm.at[cid, pl.ds(sid * rps, rps)])

    return agg


def _dinv_of(deg_ref):
    deg = deg_ref[0, :, 0:1] + deg_ref[1, :, 0:1] + 1.0
    return lax.rsqrt(deg)


def _tc_first(deg_ref, x_ref, w1_ref, hs_ref):
    h = jnp.dot(x_ref[:, :], w1_ref[:, :], preferred_element_type=jnp.float32)
    hs_ref[:, :] = h * _dinv_of(deg_ref)


def _tc_mid(deg_ref, agg_ref, hs_ref, bias_ref, w2_ref, out_ref):
    dinv = _dinv_of(deg_ref)
    z = dinv * (agg_ref[0] + agg_ref[1] + hs_ref[:, :]) + bias_ref[:, :]
    z = jnp.maximum(z, 0.0)
    out_ref[:, :] = jnp.dot(z, w2_ref[:, :],
                            preferred_element_type=jnp.float32) * dinv


def _tc_last(deg_ref, agg_ref, hs_ref, bias_ref, wh_ref, bh_ref,
             logit_ref, value_ref):
    dinv = _dinv_of(deg_ref)
    z = dinv * (agg_ref[0] + agg_ref[1] + hs_ref[:, :]) + bias_ref[:, :]
    z = jnp.maximum(z, 0.0)
    hv = jnp.dot(z, wh_ref[:, :], preferred_element_type=jnp.float32)
    hv = hv + bh_ref[:, :]
    logit_ref[:, :] = hv[:, 0:1]
    value_ref[:, :] = hv[:, 1:2]


_R = 2000


def _row_spec(w):
    return pl.BlockSpec((_R, w), lambda i: (i, 0))


def _part_spec(w):
    return pl.BlockSpec((2, _R, w), lambda i: (0, i, 0))


def _full_spec(h, w):
    return pl.BlockSpec((h, w), lambda i: (0, 0))


def kernel(x, edge_index, W1, b1, W2, b2, actor_w, actor_b, critic_w, critic_b):
    n, d_in = x.shape
    d_hid = W1.shape[1]
    e = edge_index.shape[1]
    epw = e // _NW
    ei4 = edge_index.astype(jnp.int32).reshape(2, _NW, epw // _C, _C)

    n_pad = _pad_nodes(n)
    zero16 = jnp.zeros((n_pad, 16), jnp.float32)
    zerod = jnp.zeros((n_pad, d_hid), jnp.float32)
    deg3 = _deg_kernel(n, e)(ei4, zero16)

    grid = (n // _R,)
    hs1 = pl.pallas_call(
        _tc_first,
        grid=grid,
        in_specs=[_part_spec(16), _row_spec(d_in), _full_spec(d_in, d_hid)],
        out_specs=_row_spec(d_hid),
        out_shape=jax.ShapeDtypeStruct((n, d_hid), jnp.float32),
    )(deg3, x, W1)

    agg_fn = _agg_kernel(n, e, d_hid)
    agg1 = agg_fn(hs1, ei4, zerod)
    hs2 = pl.pallas_call(
        _tc_mid,
        grid=grid,
        in_specs=[_part_spec(16), _part_spec(d_hid), _row_spec(d_hid),
                  _full_spec(1, d_hid), _full_spec(d_hid, d_hid)],
        out_specs=_row_spec(d_hid),
        out_shape=jax.ShapeDtypeStruct((n, d_hid), jnp.float32),
    )(deg3, agg1, hs1, b1.reshape(1, d_hid), W2)

    agg2 = agg_fn(hs2, ei4, zerod)
    wh2 = jnp.concatenate([actor_w, critic_w], axis=1)
    bh = jnp.concatenate([actor_b, critic_b]).reshape(1, 2)
    logits, value = pl.pallas_call(
        _tc_last,
        grid=grid,
        in_specs=[_part_spec(16), _part_spec(d_hid), _row_spec(d_hid),
                  _full_spec(1, d_hid), _full_spec(d_hid, 2),
                  _full_spec(1, 2)],
        out_specs=[pl.BlockSpec((_R, 1), lambda i: (i, 0)),
                   pl.BlockSpec((_R, 1), lambda i: (i, 0))],
        out_shape=[jax.ShapeDtypeStruct((n, 1), jnp.float32),
                   jax.ShapeDtypeStruct((n, 1), jnp.float32)],
    )(deg3, agg2, hs2, b2.reshape(1, d_hid), wh2, bh)

    return logits[:, 0], value

# --- scband reference (transcript-rebuilt; emitter-appended) ---
"""Pipeline reference for scband-actor-critic-gnn-80796924772854 (READ-ONLY COPY).

The authoritative reference and input builder live on the scoring server;
editing this copy changes nothing except your own understanding.
"""

import jax, jax.numpy as jnp
import numpy as np

N_NODES = 10000
N_EDGES = 320000
D_IN = 128
D_HID = 64


def setup_inputs(seed: int = 0) -> dict:
    key = jax.random.key(seed)
    ks = jax.random.split(key, 10)
    x = jax.random.normal(ks[0], (N_NODES, D_IN), dtype=jnp.float32)
    edge_index = jax.random.randint(ks[1], (2, N_EDGES), 0, N_NODES, dtype=jnp.int64 if jax.config.read('jax_enable_x64') else jnp.int32)
    # GCNConv weights (glorot-ish init) and biases
    W1 = jax.random.normal(ks[2], (D_IN, D_HID), dtype=jnp.float32) * (1.0 / np.sqrt(D_IN))
    b1 = jnp.zeros((D_HID,), dtype=jnp.float32)
    W2 = jax.random.normal(ks[3], (D_HID, D_HID), dtype=jnp.float32) * (1.0 / np.sqrt(D_HID))
    b2 = jnp.zeros((D_HID,), dtype=jnp.float32)
    actor_w = jax.random.normal(ks[4], (D_HID, 1), dtype=jnp.float32) * (1.0 / np.sqrt(D_HID))
    actor_b = jnp.zeros((1,), dtype=jnp.float32)
    critic_w = jax.random.normal(ks[5], (D_HID, 1), dtype=jnp.float32) * (1.0 / np.sqrt(D_HID))
    critic_b = jnp.zeros((1,), dtype=jnp.float32)
    return {"x": x, "edge_index": edge_index, "W1": W1, "b1": b1, "W2": W2, "b2": b2,
            "actor_w": actor_w, "actor_b": actor_b, "critic_w": critic_w, "critic_b": critic_b}


def _gcn_conv(x, edge_index, W, b, num_nodes):
    # PyG GCNConv: x' = D^{-1/2} (A + I) D^{-1/2} (x W) + b
    h = x @ W
    loop = jnp.arange(num_nodes, dtype=edge_index.dtype)
    src = jnp.concatenate([edge_index[0], loop])
    dst = jnp.concatenate([edge_index[1], loop])
    deg = jnp.zeros((num_nodes,), dtype=h.dtype).at[dst].add(1.0)
    dinv = jnp.where(deg > 0, deg ** -0.5, 0.0)
    norm = dinv[src] * dinv[dst]
    msg = h[src] * norm[:, None]
    out = jnp.zeros((num_nodes, h.shape[1]), dtype=h.dtype).at[dst].add(msg)
    return out + b


def reference(x, edge_index, W1, b1, W2, b2, actor_w, actor_b, critic_w, critic_b):
    n = x.shape[0]
    h = jax.nn.relu(_gcn_conv(x, edge_index, W1, b1, n))
    h = jax.nn.relu(_gcn_conv(h, edge_index, W2, b2, n))
    action_logits = (h @ actor_w + actor_b).squeeze(-1)
    state_value = h @ critic_w + critic_b
    return (action_logits, state_value)

if __name__ == "__main__":
    import jax
    _d = setup_inputs()
    print(jax.jit(kernel)(*tuple(_d.values())))

</pallas_src>

<mosaic_0001>
#map = affine_map<(d0, d1) -> (0, 0)>
#map1 = affine_map<(d0, d1) -> (0, 0, 0, 0)>
#map2 = affine_map<(d0, d1) -> (0, 0, 0)>
module attributes {stable_mosaic.version = 14 : i64} {
  func.func @agg(%arg0: i32, %arg1: i32, %arg2: memref<10000x64xf32, #tpu.memory_space<hbm>>, %arg3: memref<2x32x125x80xi32, #tpu.memory_space<hbm>>, %arg4: memref<10112x64xf32, #tpu.memory_space<hbm>>, %arg5: memref<2x10112x64xf32, #tpu.memory_space<hbm>>, %arg6: memref<125x80xi32, #tpu.memory_space<vmem>>, %arg7: memref<125x80xi32, #tpu.memory_space<vmem>>, %arg8: memref<400x64xf32, #tpu.memory_space<vmem>>, %arg9: memref<400x64xf32, #tpu.memory_space<vmem>>, %arg10: memref<10112x64xf32, #tpu.memory_space<vmem_shared>>, %arg11: memref<!tpu.dma_semaphore, #tpu.memory_space<semaphore_mem>>, %arg12: memref<!tpu.dma_semaphore, #tpu.memory_space<semaphore_mem>>) attributes {dimension_semantics = [#tpu.dimension_semantics<core_parallel>, #tpu.dimension_semantics<subcore_parallel>], iteration_bounds = array<i64: 2, 16>, scalar_prefetch = 0 : i64, scratch_operands = 7 : i64, tpu.core_type = #tpu.core_type<sc_vector_subcore>, window_params = [{transform_indices = #map}, {transform_indices = #map1}, {transform_indices = #map}, {transform_indices = #map2}]} {
    %mul3A = arith.constant 16 : i32
    %mul3A_0 = arith.muli %arg0, %mul3A : i32
    %add3A = arith.addi %mul3A_0, %arg1 : i32
    %mul3A_1 = arith.constant 632 : i32
    %mul3A_2 = arith.muli %arg1, %mul3A_1 : i32
    %mul3A_3 = arith.constant 632 : i32
    %mul3A_4 = arith.muli %arg1, %mul3A_3 : i32
    "tpu.region"() ({
      %run_scoped3A_75 = tpu.sem_alloc : memref<!tpu.dma_semaphore, #tpu.memory_space<semaphore_mem>>
      %dma_start3A_76 = arith.constant 0 : i32
      %dma_start3A_77 = tpu.memref_slice %arg10[%mul3A_4, %dma_start3A_76] : memref<10112x64xf32, #tpu.memory_space<vmem_shared>> -> memref<632x64xf32, #tpu.memory_space<vmem_shared>>
      %dma_start3A_78 = arith.constant 0 : i32
      %dma_start3A_79 = tpu.memref_slice %arg4[%mul3A_2, %dma_start3A_78] : memref<10112x64xf32, #tpu.memory_space<hbm>> -> memref<632x64xf32, #tpu.memory_space<hbm>>
      tpu.enqueue_dma source(%dma_start3A_79 : memref<632x64xf32, #tpu.memory_space<hbm>>) target(%dma_start3A_77 : memref<632x64xf32, #tpu.memory_space<vmem_shared>>) target_semaphore(%run_scoped3A_75 : memref<!tpu.dma_semaphore, #tpu.memory_space<semaphore_mem>>)
      %dma_wait3A_80 = arith.constant 0 : i32
      %dma_wait3A_81 = tpu.memref_slice %arg10[%mul3A_4, %dma_wait3A_80] : memref<10112x64xf32, #tpu.memory_space<vmem_shared>> -> memref<632x64xf32, #tpu.memory_space<vmem_shared>>
      %dma_wait3A_82 = arith.constant 0 : i32
      %dma_wait3A_83 = tpu.memref_slice %arg4[%mul3A_2, %dma_wait3A_82] : memref<10112x64xf32, #tpu.memory_space<hbm>> -> memref<632x64xf32, #tpu.memory_space<hbm>>
      tpu.wait_dma2 semaphore(%run_scoped3A_75 : memref<!tpu.dma_semaphore, #tpu.memory_space<semaphore_mem>>) src(%dma_wait3A_83 : memref<632x64xf32, #tpu.memory_space<hbm>>) dst(%dma_wait3A_81 : memref<632x64xf32, #tpu.memory_space<vmem_shared>>)
      tpu.yield
    }) : () -> ()
    %run_scoped3A = arith.constant 0 : i32
    "tpu.region"() ({
      %run_scoped3A_75 = tpu.sem_alloc : memref<!tpu.dma_semaphore, #tpu.memory_space<semaphore_mem>>
      %dma_start3A_76 = arith.constant 0 : i32
      %dma_start3A_77 = arith.constant 0 : i32
      %dma_start3A_78 = tpu.memref_slice %arg3[%run_scoped3A, %add3A, %dma_start3A_76, %dma_start3A_77] : memref<2x32x125x80xi32, #tpu.memory_space<hbm>> -> memref<1x1x125x80xi32, #tpu.memory_space<hbm>>
      %dma_start3A_79 = tpu.memref_squeeze %dma_start3A_78 : memref<1x1x125x80xi32, #tpu.memory_space<hbm>> -> memref<125x80xi32, #tpu.memory_space<hbm>>
      %dma_start3A_80 = arith.constant 0 : i32
      %dma_start3A_81 = arith.constant 0 : i32
      %dma_start3A_82 = tpu.memref_slice %arg3[%run_scoped3A, %add3A, %dma_start3A_80, %dma_start3A_81] : memref<2x32x125x80xi32, #tpu.memory_space<hbm>> -> memref<1x1x125x80xi32, #tpu.memory_space<hbm>>
      %dma_start3A_83 = tpu.memref_squeeze %dma_start3A_82 : memref<1x1x125x80xi32, #tpu.memory_space<hbm>> -> memref<125x80xi32, #tpu.memory_space<hbm>>
      tpu.enqueue_dma source(%dma_start3A_83 : memref<125x80xi32, #tpu.memory_space<hbm>>) target(%arg6 : memref<125x80xi32, #tpu.memory_space<vmem>>) target_semaphore(%run_scoped3A_75 : memref<!tpu.dma_semaphore, #tpu.memory_space<semaphore_mem>>)
      %dma_wait3A_84 = arith.constant 0 : i32
      %dma_wait3A_85 = arith.constant 0 : i32
      %dma_wait3A_86 = tpu.memref_slice %arg3[%run_scoped3A, %add3A, %dma_wait3A_84, %dma_wait3A_85] : memref<2x32x125x80xi32, #tpu.memory_space<hbm>> -> memref<1x1x125x80xi32, #tpu.memory_space<hbm>>
      %dma_wait3A_87 = tpu.memref_squeeze %dma_wait3A_86 : memref<1x1x125x80xi32, #tpu.memory_space<hbm>> -> memref<125x80xi32, #tpu.memory_space<hbm>>
      %dma_wait3A_88 = arith.constant 0 : i32
      %dma_wait3A_89 = arith.constant 0 : i32
      %dma_wait3A_90 = tpu.memref_slice %arg3[%run_scoped3A, %add3A, %dma_wait3A_88, %dma_wait3A_89] : memref<2x32x125x80xi32, #tpu.memory_space<hbm>> -> memref<1x1x125x80xi32, #tpu.memory_space<hbm>>
      %dma_wait3A_91 = tpu.memref_squeeze %dma_wait3A_90 : memref<1x1x125x80xi32, #tpu.memory_space<hbm>> -> memref<125x80xi32, #tpu.memory_space<hbm>>
      tpu.wait_dma2 semaphore(%run_scoped3A_75 : memref<!tpu.dma_semaphore, #tpu.memory_space<semaphore_mem>>) src(%dma_wait3A_91 : memref<125x80xi32, #tpu.memory_space<hbm>>) dst(%arg6 : memref<125x80xi32, #tpu.memory_space<vmem>>)
      tpu.yield
    }) : () -> ()
    %run_scoped3A_5 = arith.constant 1 : i32
    "tpu.region"() ({
      %run_scoped3A_75 = tpu.sem_alloc : memref<!tpu.dma_semaphore, #tpu.memory_space<semaphore_mem>>
      %dma_start3A_76 = arith.constant 0 : i32
      %dma_start3A_77 = arith.constant 0 : i32
      %dma_start3A_78 = tpu.memref_slice %arg3[%run_scoped3A_5, %add3A, %dma_start3A_76, %dma_start3A_77] : memref<2x32x125x80xi32, #tpu.memory_space<hbm>> -> memref<1x1x125x80xi32, #tpu.memory_space<hbm>>
      %dma_start3A_79 = tpu.memref_squeeze %dma_start3A_78 : memref<1x1x125x80xi32, #tpu.memory_space<hbm>> -> memref<125x80xi32, #tpu.memory_space<hbm>>
      %dma_start3A_80 = arith.constant 0 : i32
      %dma_start3A_81 = arith.constant 0 : i32
      %dma_start3A_82 = tpu.memref_slice %arg3[%run_scoped3A_5, %add3A, %dma_start3A_80, %dma_start3A_81] : memref<2x32x125x80xi32, #tpu.memory_space<hbm>> -> memref<1x1x125x80xi32, #tpu.memory_space<hbm>>
      %dma_start3A_83 = tpu.memref_squeeze %dma_start3A_82 : memref<1x1x125x80xi32, #tpu.memory_space<hbm>> -> memref<125x80xi32, #tpu.memory_space<hbm>>
      tpu.enqueue_dma source(%dma_start3A_83 : memref<125x80xi32, #tpu.memory_space<hbm>>) target(%arg7 : memref<125x80xi32, #tpu.memory_space<vmem>>) target_semaphore(%run_scoped3A_75 : memref<!tpu.dma_semaphore, #tpu.memory_space<semaphore_mem>>)
      %dma_wait3A_84 = arith.constant 0 : i32
      %dma_wait3A_85 = arith.constant 0 : i32
      %dma_wait3A_86 = tpu.memref_slice %arg3[%run_scoped3A_5, %add3A, %dma_wait3A_84, %dma_wait3A_85] : memref<2x32x125x80xi32, #tpu.memory_space<hbm>> -> memref<1x1x125x80xi32, #tpu.memory_space<hbm>>
      %dma_wait3A_87 = tpu.memref_squeeze %dma_wait3A_86 : memref<1x1x125x80xi32, #tpu.memory_space<hbm>> -> memref<125x80xi32, #tpu.memory_space<hbm>>
      %dma_wait3A_88 = arith.constant 0 : i32
      %dma_wait3A_89 = arith.constant 0 : i32
      %dma_wait3A_90 = tpu.memref_slice %arg3[%run_scoped3A_5, %add3A, %dma_wait3A_88, %dma_wait3A_89] : memref<2x32x125x80xi32, #tpu.memory_space<hbm>> -> memref<1x1x125x80xi32, #tpu.memory_space<hbm>>
      %dma_wait3A_91 = tpu.memref_squeeze %dma_wait3A_90 : memref<1x1x125x80xi32, #tpu.memory_space<hbm>> -> memref<125x80xi32, #tpu.memory_space<hbm>>
      tpu.wait_dma2 semaphore(%run_scoped3A_75 : memref<!tpu.dma_semaphore, #tpu.memory_space<semaphore_mem>>) src(%dma_wait3A_91 : memref<125x80xi32, #tpu.memory_space<hbm>>) dst(%arg7 : memref<125x80xi32, #tpu.memory_space<vmem>>)
      tpu.yield
    }) : () -> ()
    %barrier3A = arith.constant 0 : index
    tpu.barrier barrier_id(%barrier3A)
    %dma_start3A = arith.constant 0 : i32
    %dma_start3A_6 = arith.constant 0 : i32
    %dma_start3A_7 = arith.constant 0 : i32
    %dma_start3A_8 = tpu.memref_slice %arg8[%dma_start3A_6, %dma_start3A_7] : memref<400x64xf32, #tpu.memory_space<vmem>> -> memref<80x64xf32, #tpu.memory_space<vmem>>
    %dma_start3A_9 = arith.constant 0 : i32
    %dma_start3A_10 = tpu.memref_slice %arg6[%dma_start3A, %dma_start3A_9] : memref<125x80xi32, #tpu.memory_space<vmem>> -> memref<1x80xi32, #tpu.memory_space<vmem>>
    %dma_start3A_11 = tpu.memref_squeeze %dma_start3A_10 : memref<1x80xi32, #tpu.memory_space<vmem>> -> memref<80xi32, #tpu.memory_space<vmem>>
    %dma_start3A_12 = arith.constant 0 : i32
    %dma_start3A_13 = arith.constant 0 : i32
    %dma_start3A_14 = tpu.memref_slice %arg2[%dma_start3A_12, %dma_start3A_13] : memref<10000x64xf32, #tpu.memory_space<hbm>> -> memref<10000x64xf32, #tpu.memory_space<hbm>>
    tpu.enqueue_indirect_dma source(%dma_start3A_14 : memref<10000x64xf32, #tpu.memory_space<hbm>>) target(%dma_start3A_8 : memref<80x64xf32, #tpu.memory_space<vmem>>) offsets(%dma_start3A_11 : memref<80xi32, #tpu.memory_space<vmem>>) semaphore(%arg11 : memref<!tpu.dma_semaphore, #tpu.memory_space<semaphore_mem>>)
    %dma_start3A_15 = arith.constant 1 : i32
    %dma_start3A_16 = arith.constant 80 : i32
    %dma_start3A_17 = arith.constant 0 : i32
    %dma_start3A_18 = tpu.memref_slice %arg8[%dma_start3A_16, %dma_start3A_17] : memref<400x64xf32, #tpu.memory_space<vmem>> -> memref<80x64xf32, #tpu.memory_space<vmem>>
    %dma_start3A_19 = arith.constant 0 : i32
    %dma_start3A_20 = tpu.memref_slice %arg6[%dma_start3A_15, %dma_start3A_19] : memref<125x80xi32, #tpu.memory_space<vmem>> -> memref<1x80xi32, #tpu.memory_space<vmem>>
    %dma_start3A_21 = tpu.memref_squeeze %dma_start3A_20 : memref<1x80xi32, #tpu.memory_space<vmem>> -> memref<80xi32, #tpu.memory_space<vmem>>
    %dma_start3A_22 = arith.constant 0 : i32
    %dma_start3A_23 = arith.constant 0 : i32
    %dma_start3A_24 = tpu.memref_slice %arg2[%dma_start3A_22, %dma_start3A_23] : memref<10000x64xf32, #tpu.memory_space<hbm>> -> memref<10000x64xf32, #tpu.memory_space<hbm>>
    tpu.enqueue_indirect_dma source(%dma_start3A_24 : memref<10000x64xf32, #tpu.memory_space<hbm>>) target(%dma_start3A_18 : memref<80x64xf32, #tpu.memory_space<vmem>>) offsets(%dma_start3A_21 : memref<80xi32, #tpu.memory_space<vmem>>) semaphore(%arg11 : memref<!tpu.dma_semaphore, #tpu.memory_space<semaphore_mem>>)
    %dma_start3A_25 = arith.constant 2 : i32
    %dma_start3A_26 = arith.constant 160 : i32
    %dma_start3A_27 = arith.constant 0 : i32
    %dma_start3A_28 = tpu.memref_slice %arg8[%dma_start3A_26, %dma_start3A_27] : memref<400x64xf32, #tpu.memory_space<vmem>> -> memref<80x64xf32, #tpu.memory_space<vmem>>
    %dma_start3A_29 = arith.constant 0 : i32
    %dma_start3A_30 = tpu.memref_slice %arg6[%dma_start3A_25, %dma_start3A_29] : memref<125x80xi32, #tpu.memory_space<vmem>> -> memref<1x80xi32, #tpu.memory_space<vmem>>
    %dma_start3A_31 = tpu.memref_squeeze %dma_start3A_30 : memref<1x80xi32, #tpu.memory_space<vmem>> -> memref<80xi32, #tpu.memory_space<vmem>>
    %dma_start3A_32 = arith.constant 0 : i32
    %dma_start3A_33 = arith.constant 0 : i32
    %dma_start3A_34 = tpu.memref_slice %arg2[%dma_start3A_32, %dma_start3A_33] : memref<10000x64xf32, #tpu.memory_space<hbm>> -> memref<10000x64xf32, #tpu.memory_space<hbm>>
    tpu.enqueue_indirect_dma source(%dma_start3A_34 : memref<10000x64xf32, #tpu.memory_space<hbm>>) target(%dma_start3A_28 : memref<80x64xf32, #tpu.memory_space<vmem>>) offsets(%dma_start3A_31 : memref<80xi32, #tpu.memory_space<vmem>>) semaphore(%arg11 : memref<!tpu.dma_semaphore, #tpu.memory_space<semaphore_mem>>)
    %dma_start3A_35 = arith.constant 3 : i32
    %dma_start3A_36 = arith.constant 240 : i32
    %dma_start3A_37 = arith.constant 0 : i32
    %dma_start3A_38 = tpu.memref_slice %arg8[%dma_start3A_36, %dma_start3A_37] : memref<400x64xf32, #tpu.memory_space<vmem>> -> memref<80x64xf32, #tpu.memory_space<vmem>>
    %dma_start3A_39 = arith.constant 0 : i32
    %dma_start3A_40 = tpu.memref_slice %arg6[%dma_start3A_35, %dma_start3A_39] : memref<125x80xi32, #tpu.memory_space<vmem>> -> memref<1x80xi32, #tpu.memory_space<vmem>>
    %dma_start3A_41 = tpu.memref_squeeze %dma_start3A_40 : memref<1x80xi32, #tpu.memory_space<vmem>> -> memref<80xi32, #tpu.memory_space<vmem>>
    %dma_start3A_42 = arith.constant 0 : i32
    %dma_start3A_43 = arith.constant 0 : i32
    %dma_start3A_44 = tpu.memref_slice %arg2[%dma_start3A_42, %dma_start3A_43] : memref<10000x64xf32, #tpu.memory_space<hbm>> -> memref<10000x64xf32, #tpu.memory_space<hbm>>
    tpu.enqueue_indirect_dma source(%dma_start3A_44 : memref<10000x64xf32, #tpu.memory_space<hbm>>) target(%dma_start3A_38 : memref<80x64xf32, #tpu.memory_space<vmem>>) offsets(%dma_start3A_41 : memref<80xi32, #tpu.memory_space<vmem>>) semaphore(%arg11 : memref<!tpu.dma_semaphore, #tpu.memory_space<semaphore_mem>>)
    %dma_start3A_45 = arith.constant 4 : i32
    %dma_start3A_46 = arith.constant 320 : i32
    %dma_start3A_47 = arith.constant 0 : i32
    %dma_start3A_48 = tpu.memref_slice %arg8[%dma_start3A_46, %dma_start3A_47] : memref<400x64xf32, #tpu.memory_space<vmem>> -> memref<80x64xf32, #tpu.memory_space<vmem>>
    %dma_start3A_49 = arith.constant 0 : i32
    %dma_start3A_50 = tpu.memref_slice %arg6[%dma_start3A_45, %dma_start3A_49] : memref<125x80xi32, #tpu.memory_space<vmem>> -> memref<1x80xi32, #tpu.memory_space<vmem>>
    %dma_start3A_51 = tpu.memref_squeeze %dma_start3A_50 : memref<1x80xi32, #tpu.memory_space<vmem>> -> memref<80xi32, #tpu.memory_space<vmem>>
    %dma_start3A_52 = arith.constant 0 : i32
    %dma_start3A_53 = arith.constant 0 : i32
    %dma_start3A_54 = tpu.memref_slice %arg2[%dma_start3A_52, %dma_start3A_53] : memref<10000x64xf32, #tpu.memory_space<hbm>> -> memref<10000x64xf32, #tpu.memory_space<hbm>>
    tpu.enqueue_indirect_dma source(%dma_start3A_54 : memref<10000x64xf32, #tpu.memory_space<hbm>>) target(%dma_start3A_48 : memref<80x64xf32, #tpu.memory_space<vmem>>) offsets(%dma_start3A_51 : memref<80xi32, #tpu.memory_space<vmem>>) semaphore(%arg11 : memref<!tpu.dma_semaphore, #tpu.memory_space<semaphore_mem>>)
    %scan3A = arith.constant 0 : i32
    %scan3A_55 = arith.constant 0 : i32
    %scan3A_56 = arith.constant 12 : i32
    %scan3A_57 = arith.addi %scan3A_55, %scan3A_56 : i32
    %scan3A_58 = arith.constant 1 : i32
    scf.for %scan3A_75 = %scan3A_55 to %scan3A_57 step %scan3A_58  : i32 {
      %mul3A_76 = arith.constant 2 : i32
      %mul3A_77 = arith.muli %mul3A_76, %scan3A_75 : i32
      %add3A_78 = arith.constant 1 : i32
      %add3A_79 = arith.addi %mul3A_77, %add3A_78 : i32
      %mul3A_80 = arith.constant 5 : i32
      %mul3A_81 = arith.muli %add3A_79, %mul3A_80 : i32
      %add3A_82 = arith.constant 0 : i32
      %add3A_83 = arith.addi %mul3A_81, %add3A_82 : i32
      %dma_start3A_84 = arith.constant 0 : i32
      %dma_start3A_85 = arith.constant 0 : i32
      %dma_start3A_86 = tpu.memref_slice %arg9[%dma_start3A_84, %dma_start3A_85] : memref<400x64xf32, #tpu.memory_space<vmem>> -> memref<80x64xf32, #tpu.memory_space<vmem>>
      %dma_start3A_87 = arith.constant 0 : i32
      %dma_start3A_88 = tpu.memref_slice %arg6[%add3A_83, %dma_start3A_87] : memref<125x80xi32, #tpu.memory_space<vmem>> -> memref<1x80xi32, #tpu.memory_space<vmem>>
      %dma_start3A_89 = tpu.memref_squeeze %dma_start3A_88 : memref<1x80xi32, #tpu.memory_space<vmem>> -> memref<80xi32, #tpu.memory_space<vmem>>
      %dma_start3A_90 = arith.constant 0 : i32
      %dma_start3A_91 = arith.constant 0 : i32
      %dma_start3A_92 = tpu.memref_slice %arg2[%dma_start3A_90, %dma_start3A_91] : memref<10000x64xf32, #tpu.memory_space<hbm>> -> memref<10000x64xf32, #tpu.memory_space<hbm>>
      tpu.enqueue_indirect_dma source(%dma_start3A_92 : memref<10000x64xf32, #tpu.memory_space<hbm>>) target(%dma_start3A_86 : memref<80x64xf32, #tpu.memory_space<vmem>>) offsets(%dma_start3A_89 : memref<80xi32, #tpu.memory_space<vmem>>) semaphore(%arg12 : memref<!tpu.dma_semaphore, #tpu.memory_space<semaphore_mem>>)
      %mul3A_93 = arith.constant 5 : i32
      %mul3A_94 = arith.muli %add3A_79, %mul3A_93 : i32
      %add3A_95 = arith.constant 1 : i32
      %add3A_96 = arith.addi %mul3A_94, %add3A_95 : i32
      %dma_start3A_97 = arith.constant 80 : i32
      %dma_start3A_98 = arith.constant 0 : i32
      %dma_start3A_99 = tpu.memref_slice %arg9[%dma_start3A_97, %dma_start3A_98] : memref<400x64xf32, #tpu.memory_space<vmem>> -> memref<80x64xf32, #tpu.memory_space<vmem>>
      %dma_start3A_100 = arith.constant 0 : i32
      %dma_start3A_101 = tpu.memref_slice %arg6[%add3A_96, %dma_start3A_100] : memref<125x80xi32, #tpu.memory_space<vmem>> -> memref<1x80xi32, #tpu.memory_space<vmem>>
      %dma_start3A_102 = tpu.memref_squeeze %dma_start3A_101 : memref<1x80xi32, #tpu.memory_space<vmem>> -> memref<80xi32, #tpu.memory_space<vmem>>
      %dma_start3A_103 = arith.constant 0 : i32
      %dma_start3A_104 = arith.constant 0 : i32
      %dma_start3A_105 = tpu.memref_slice %arg2[%dma_start3A_103, %dma_start3A_104] : memref<10000x64xf32, #tpu.memory_space<hbm>> -> memref<10000x64xf32, #tpu.memory_space<hbm>>
      tpu.enqueue_indirect_dma source(%dma_start3A_105 : memref<10000x64xf32, #tpu.memory_space<hbm>>) target(%dma_start3A_99 : memref<80x64xf32, #tpu.memory_space<vmem>>) offsets(%dma_start3A_102 : memref<80xi32, #tpu.memory_space<vmem>>) semaphore(%arg12 : memref<!tpu.dma_semaphore, #tpu.memory_space<semaphore_mem>>)
      %mul3A_106 = arith.constant 5 : i32
      %mul3A_107 = arith.muli %add3A_79, %mul3A_106 : i32
      %add3A_108 = arith.constant 2 : i32
      %add3A_109 = arith.addi %mul3A_107, %add3A_108 : i32
      %dma_start3A_110 = arith.constant 160 : i32
      %dma_start3A_111 = arith.constant 0 : i32
      %dma_start3A_112 = tpu.memref_slice %arg9[%dma_start3A_110, %dma_start3A_111] : memref<400x64xf32, #tpu.memory_space<vmem>> -> memref<80x64xf32, #tpu.memory_space<vmem>>
      %dma_start3A_113 = arith.constant 0 : i32
      %dma_start3A_114 = tpu.memref_slice %arg6[%add3A_109, %dma_start3A_113] : memref<125x80xi32, #tpu.memory_space<vmem>> -> memref<1x80xi32, #tpu.memory_space<vmem>>
      %dma_start3A_115 = tpu.memref_squeeze %dma_start3A_114 : memref<1x80xi32, #tpu.memory_space<vmem>> -> memref<80xi32, #tpu.memory_space<vmem>>
      %dma_start3A_116 = arith.constant 0 : i32
      %dma_start3A_117 = arith.constant 0 : i32
      %dma_start3A_118 = tpu.memref_slice %arg2[%dma_start3A_116, %dma_start3A_117] : memref<10000x64xf32, #tpu.memory_space<hbm>> -> memref<10000x64xf32, #tpu.memory_space<hbm>>
      tpu.enqueue_indirect_dma source(%dma_start3A_118 : memref<10000x64xf32, #tpu.memory_space<hbm>>) target(%dma_start3A_112 : memref<80x64xf32, #tpu.memory_space<vmem>>) offsets(%dma_start3A_115 : memref<80xi32, #tpu.memory_space<vmem>>) semaphore(%arg12 : memref<!tpu.dma_semaphore, #tpu.memory_space<semaphore_mem>>)
      %mul3A_119 = arith.constant 5 : i32
      %mul3A_120 = arith.muli %add3A_79, %mul3A_119 : i32
      %add3A_121 = arith.constant 3 : i32
      %add3A_122 = arith.addi %mul3A_120, %add3A_121 : i32
      %dma_start3A_123 = arith.constant 240 : i32
      %dma_start3A_124 = arith.constant 0 : i32
      %dma_start3A_125 = tpu.memref_slice %arg9[%dma_start3A_123, %dma_start3A_124] : memref<400x64xf32, #tpu.memory_space<vmem>> -> memref<80x64xf32, #tpu.memory_space<vmem>>
      %dma_start3A_126 = arith.constant 0 : i32
      %dma_start3A_127 = tpu.memref_slice %arg6[%add3A_122, %dma_start3A_126] : memref<125x80xi32, #tpu.memory_space<vmem>> -> memref<1x80xi32, #tpu.memory_space<vmem>>
      %dma_start3A_128 = tpu.memref_squeeze %dma_start3A_127 : memref<1x80xi32, #tpu.memory_space<vmem>> -> memref<80xi32, #tpu.memory_space<vmem>>
      %dma_start3A_129 = arith.constant 0 : i32
      %dma_start3A_130 = arith.constant 0 : i32
      %dma_start3A_131 = tpu.memref_slice %arg2[%dma_start3A_129, %dma_start3A_130] : memref<10000x64xf32, #tpu.memory_space<hbm>> -> memref<10000x64xf32, #tpu.memory_space<hbm>>
      tpu.enqueue_indirect_dma source(%dma_start3A_131 : memref<10000x64xf32, #tpu.memory_space<hbm>>) target(%dma_start3A_125 : memref<80x64xf32, #tpu.memory_space<vmem>>) offsets(%dma_start3A_128 : memref<80xi32, #tpu.memory_space<vmem>>) semaphore(%arg12 : memref<!tpu.dma_semaphore, #tpu.memory_space<semaphore_mem>>)
      %mul3A_132 = arith.constant 5 : i32
      %mul3A_133 = arith.muli %add3A_79, %mul3A_132 : i32
      %add3A_134 = arith.constant 4 : i32
      %add3A_135 = arith.addi %mul3A_133, %add3A_134 : i32
      %dma_start3A_136 = arith.constant 320 : i32
      %dma_start3A_137 = arith.constant 0 : i32
      %dma_start3A_138 = tpu.memref_slice %arg9[%dma_start3A_136, %dma_start3A_137] : memref<400x64xf32, #tpu.memory_space<vmem>> -> memref<80x64xf32, #tpu.memory_space<vmem>>
      %dma_start3A_139 = arith.constant 0 : i32
      %dma_start3A_140 = tpu.memref_slice %arg6[%add3A_135, %dma_start3A_139] : memref<125x80xi32, #tpu.memory_space<vmem>> -> memref<1x80xi32, #tpu.memory_space<vmem>>
      %dma_start3A_141 = tpu.memref_squeeze %dma_start3A_140 : memref<1x80xi32, #tpu.memory_space<vmem>> -> memref<80xi32, #tpu.memory_space<vmem>>
      %dma_start3A_142 = arith.constant 0 : i32
      %dma_start3A_143 = arith.constant 0 : i32
      %dma_start3A_144 = tpu.memref_slice %arg2[%dma_start3A_142, %dma_start3A_143] : memref<10000x64xf32, #tpu.memory_space<hbm>> -> memref<10000x64xf32, #tpu.memory_space<hbm>>
      tpu.enqueue_indirect_dma source(%dma_start3A_144 : memref<10000x64xf32, #tpu.memory_space<hbm>>) target(%dma_start3A_138 : memref<80x64xf32, #tpu.memory_space<vmem>>) offsets(%dma_start3A_141 : memref<80xi32, #tpu.memory_space<vmem>>) semaphore(%arg12 : memref<!tpu.dma_semaphore, #tpu.memory_space<semaphore_mem>>)
      %dma_wait3A_145 = arith.constant 0 : i32
      %dma_wait3A_146 = arith.constant 0 : i32
      %dma_wait3A_147 = tpu.memref_slice %arg2[%dma_wait3A_145, %dma_wait3A_146] : memref<10000x64xf32, #tpu.memory_space<hbm>> -> memref<400x64xf32, #tpu.memory_space<hbm>>
      %dma_wait3A_148 = arith.constant 0 : i32
      %dma_wait3A_149 = arith.constant 0 : i32
      %dma_wait3A_150 = tpu.memref_slice %arg2[%dma_wait3A_148, %dma_wait3A_149] : memref<10000x64xf32, #tpu.memory_space<hbm>> -> memref<400x64xf32, #tpu.memory_space<hbm>>
      tpu.wait_dma2 semaphore(%arg11 : memref<!tpu.dma_semaphore, #tpu.memory_space<semaphore_mem>>) src(%dma_wait3A_150 : memref<400x64xf32, #tpu.memory_space<hbm>>) dst(%arg8 : memref<400x64xf32, #tpu.memory_space<vmem>>)
      %mul3A_151 = arith.constant 5 : i32
      %mul3A_152 = arith.muli %mul3A_77, %mul3A_151 : i32
      %add3A_153 = arith.constant 0 : i32
      %add3A_154 = arith.addi %mul3A_152, %add3A_153 : i32
      "tpu.region"() ({
        %run_scoped3A_266 = tpu.sem_alloc : memref<!tpu.dma_semaphore, #tpu.memory_space<semaphore_mem>>
        %dma_start3A_267 = arith.constant 0 : i32
        %dma_start3A_268 = arith.constant 0 : i32
        %dma_start3A_269 = tpu.memref_slice %arg8[%dma_start3A_267, %dma_start3A_268] : memref<400x64xf32, #tpu.memory_space<vmem>> -> memref<80x64xf32, #tpu.memory_space<vmem>>
        %dma_start3A_270 = arith.constant 0 : i32
        %dma_start3A_271 = tpu.memref_slice %arg7[%add3A_154, %dma_start3A_270] : memref<125x80xi32, #tpu.memory_space<vmem>> -> memref<1x80xi32, #tpu.memory_space<vmem>>
        %dma_start3A_272 = tpu.memref_squeeze %dma_start3A_271 : memref<1x80xi32, #tpu.memory_space<vmem>> -> memref<80xi32, #tpu.memory_space<vmem>>
        %dma_start3A_273 = arith.constant 0 : i32
        %dma_start3A_274 = arith.constant 0 : i32
        %dma_start3A_275 = tpu.memref_slice %arg10[%dma_start3A_273, %dma_start3A_274] : memref<10112x64xf32, #tpu.memory_space<vmem_shared>> -> memref<10112x64xf32, #tpu.memory_space<vmem_shared>>
        tpu.enqueue_indirect_dma source(%dma_start3A_269 : memref<80x64xf32, #tpu.memory_space<vmem>>) target(%dma_start3A_275 : memref<10112x64xf32, #tpu.memory_space<vmem_shared>>) offsets(%dma_start3A_272 : memref<80xi32, #tpu.memory_space<vmem>>) semaphore(%run_scoped3A_266 : memref<!tpu.dma_semaphore, #tpu.memory_space<semaphore_mem>>) {add = true}
        %dma_wait3A_276 = arith.constant 0 : i32
        %dma_wait3A_277 = arith.constant 0 : i32
        %dma_wait3A_278 = tpu.memref_slice %arg8[%dma_wait3A_276, %dma_wait3A_277] : memref<400x64xf32, #tpu.memory_space<vmem>> -> memref<80x64xf32, #tpu.memory_space<vmem>>
        %dma_wait3A_279 = arith.constant 0 : i32
        %dma_wait3A_280 = tpu.memref_slice %arg7[%add3A_154, %dma_wait3A_279] : memref<125x80xi32, #tpu.memory_space<vmem>> -> memref<1x80xi32, #tpu.memory_space<vmem>>
        %dma_wait3A_281 = tpu.memref_squeeze %dma_wait3A_280 : memref<1x80xi32, #tpu.memory_space<vmem>> -> memref<80xi32, #tpu.memory_space<vmem>>
        %dma_wait3A_282 = arith.constant 0 : i32
        %dma_wait3A_283 = arith.constant 0 : i32
        %dma_wait3A_284 = tpu.memref_slice %arg10[%dma_wait3A_282, %dma_wait3A_283] : memref<10112x64xf32, #tpu.memory_space<vmem_shared>> -> memref<10112x64xf32, #tpu.memory_space<vmem_shared>>
        tpu.wait_indirect_dma semaphore(%run_scoped3A_266 : memref<!tpu.dma_semaphore, #tpu.memory_space<semaphore_mem>>) src(%dma_wait3A_278 : memref<80x64xf32, #tpu.memory_space<vmem>>) dst(%dma_wait3A_284 : memref<10112x64xf32, #tpu.memory_space<vmem_shared>>)
        tpu.yield
      }) : () -> ()
      %mul3A_155 = arith.constant 5 : i32
      %mul3A_156 = arith.muli %mul3A_77, %mul3A_155 : i32
      %add3A_157 = arith.constant 1 : i32
      %add3A_158 = arith.addi %mul3A_156, %add3A_157 : i32
      "tpu.region"() ({
        %run_scoped3A_266 = tpu.sem_alloc : memref<!tpu.dma_semaphore, #tpu.memory_space<semaphore_mem>>
        %dma_start3A_267 = arith.constant 80 : i32
        %dma_start3A_268 = arith.constant 0 : i32
        %dma_start3A_269 = tpu.memref_slice %arg8[%dma_start3A_267, %dma_start3A_268] : memref<400x64xf32, #tpu.memory_space<vmem>> -> memref<80x64xf32, #tpu.memory_space<vmem>>
        %dma_start3A_270 = arith.constant 0 : i32
        %dma_start3A_271 = tpu.memref_slice %arg7[%add3A_158, %dma_start3A_270] : memref<125x80xi32, #tpu.memory_space<vmem>> -> memref<1x80xi32, #tpu.memory_space<vmem>>
        %dma_start3A_272 = tpu.memref_squeeze %dma_start3A_271 : memref<1x80xi32, #tpu.memory_space<vmem>> -> memref<80xi32, #tpu.memory_space<vmem>>
        %dma_start3A_273 = arith.constant 0 : i32
        %dma_start3A_274 = arith.constant 0 : i32
        %dma_start3A_275 = tpu.memref_slice %arg10[%dma_start3A_273, %dma_start3A_274] : memref<10112x64xf32, #tpu.memory_space<vmem_shared>> -> memref<10112x64xf32, #tpu.memory_space<vmem_shared>>
        tpu.enqueue_indirect_dma source(%dma_start3A_269 : memref<80x64xf32, #tpu.memory_space<vmem>>) target(%dma_start3A_275 : memref<10112x64xf32, #tpu.memory_space<vmem_shared>>) offsets(%dma_start3A_272 : memref<80xi32, #tpu.memory_space<vmem>>) semaphore(%run_scoped3A_266 : memref<!tpu.dma_semaphore, #tpu.memory_space<semaphore_mem>>) {add = true}
        %dma_wait3A_276 = arith.constant 80 : i32
        %dma_wait3A_277 = arith.constant 0 : i32
        %dma_wait3A_278 = tpu.memref_slice %arg8[%dma_wait3A_276, %dma_wait3A_277] : memref<400x64xf32, #tpu.memory_space<vmem>> -> memref<80x64xf32, #tpu.memory_space<vmem>>
        %dma_wait3A_279 = arith.constant 0 : i32
        %dma_wait3A_280 = tpu.memref_slice %arg7[%add3A_158, %dma_wait3A_279] : memref<125x80xi32, #tpu.memory_space<vmem>> -> memref<1x80xi32, #tpu.memory_space<vmem>>
        %dma_wait3A_281 = tpu.memref_squeeze %dma_wait3A_280 : memref<1x80xi32, #tpu.memory_space<vmem>> -> memref<80xi32, #tpu.memory_space<vmem>>
        %dma_wait3A_282 = arith.constant 0 : i32
        %dma_wait3A_283 = arith.constant 0 : i32
        %dma_wait3A_284 = tpu.memref_slice %arg10[%dma_wait3A_282, %dma_wait3A_283] : memref<10112x64xf32, #tpu.memory_space<vmem_shared>> -> memref<10112x64xf32, #tpu.memory_space<vmem_shared>>
        tpu.wait_indirect_dma semaphore(%run_scoped3A_266 : memref<!tpu.dma_semaphore, #tpu.memory_space<semaphore_mem>>) src(%dma_wait3A_278 : memref<80x64xf32, #tpu.memory_space<vmem>>) dst(%dma_wait3A_284 : memref<10112x64xf32, #tpu.memory_space<vmem_shared>>)
        tpu.yield
      }) : () -> ()
      %mul3A_159 = arith.constant 5 : i32
      %mul3A_160 = arith.muli %mul3A_77, %mul3A_159 : i32
      %add3A_161 = arith.constant 2 : i32
      %add3A_162 = arith.addi %mul3A_160, %add3A_161 : i32
      "tpu.region"() ({
        %run_scoped3A_266 = tpu.sem_alloc : memref<!tpu.dma_semaphore, #tpu.memory_space<semaphore_mem>>
        %dma_start3A_267 = arith.constant 160 : i32
        %dma_start3A_268 = arith.constant 0 : i32
        %dma_start3A_269 = tpu.memref_slice %arg8[%dma_start3A_267, %dma_start3A_268] : memref<400x64xf32, #tpu.memory_space<vmem>> -> memref<80x64xf32, #tpu.memory_space<vmem>>
        %dma_start3A_270 = arith.constant 0 : i32
        %dma_start3A_271 = tpu.memref_slice %arg7[%add3A_162, %dma_start3A_270] : memref<125x80xi32, #tpu.memory_space<vmem>> -> memref<1x80xi32, #tpu.memory_space<vmem>>
        %dma_start3A_272 = tpu.memref_squeeze %dma_start3A_271 : memref<1x80xi32, #tpu.memory_space<vmem>> -> memref<80xi32, #tpu.memory_space<vmem>>
        %dma_start3A_273 = arith.constant 0 : i32
        %dma_start3A_274 = arith.constant 0 : i32
        %dma_start3A_275 = tpu.memref_slice %arg10[%dma_start3A_273, %dma_start3A_274] : memref<10112x64xf32, #tpu.memory_space<vmem_shared>> -> memref<10112x64xf32, #tpu.memory_space<vmem_shared>>
        tpu.enqueue_indirect_dma source(%dma_start3A_269 : memref<80x64xf32, #tpu.memory_space<vmem>>) target(%dma_start3A_275 : memref<10112x64xf32, #tpu.memory_space<vmem_shared>>) offsets(%dma_start3A_272 : memref<80xi32, #tpu.memory_space<vmem>>) semaphore(%run_scoped3A_266 : memref<!tpu.dma_semaphore, #tpu.memory_space<semaphore_mem>>) {add = true}
        %dma_wait3A_276 = arith.constant 160 : i32
        %dma_wait3A_277 = arith.constant 0 : i32
        %dma_wait3A_278 = tpu.memref_slice %arg8[%dma_wait3A_276, %dma_wait3A_277] : memref<400x64xf32, #tpu.memory_space<vmem>> -> memref<80x64xf32, #tpu.memory_space<vmem>>
        %dma_wait3A_279 = arith.constant 0 : i32
        %dma_wait3A_280 = tpu.memref_slice %arg7[%add3A_162, %dma_wait3A_279] : memref<125x80xi32, #tpu.memory_space<vmem>> -> memref<1x80xi32, #tpu.memory_space<vmem>>
        %dma_wait3A_281 = tpu.memref_squeeze %dma_wait3A_280 : memref<1x80xi32, #tpu.memory_space<vmem>> -> memref<80xi32, #tpu.memory_space<vmem>>
        %dma_wait3A_282 = arith.constant 0 : i32
        %dma_wait3A_283 = arith.constant 0 : i32
        %dma_wait3A_284 = tpu.memref_slice %arg10[%dma_wait3A_282, %dma_wait3A_283] : memref<10112x64xf32, #tpu.memory_space<vmem_shared>> -> memref<10112x64xf32, #tpu.memory_space<vmem_shared>>
        tpu.wait_indirect_dma semaphore(%run_scoped3A_266 : memref<!tpu.dma_semaphore, #tpu.memory_space<semaphore_mem>>) src(%dma_wait3A_278 : memref<80x64xf32, #tpu.memory_space<vmem>>) dst(%dma_wait3A_284 : memref<10112x64xf32, #tpu.memory_space<vmem_shared>>)
        tpu.yield
      }) : () -> ()
      %mul3A_163 = arith.constant 5 : i32
      %mul3A_164 = arith.muli %mul3A_77, %mul3A_163 : i32
      %add3A_165 = arith.constant 3 : i32
      %add3A_166 = arith.addi %mul3A_164, %add3A_165 : i32
      "tpu.region"() ({
        %run_scoped3A_266 = tpu.sem_alloc : memref<!tpu.dma_semaphore, #tpu.memory_space<semaphore_mem>>
        %dma_start3A_267 = arith.constant 240 : i32
        %dma_start3A_268 = arith.constant 0 : i32
        %dma_start3A_269 = tpu.memref_slice %arg8[%dma_start3A_267, %dma_start3A_268] : memref<400x64xf32, #tpu.memory_space<vmem>> -> memref<80x64xf32, #tpu.memory_space<vmem>>
        %dma_start3A_270 = arith.constant 0 : i32
        %dma_start3A_271 = tpu.memref_slice %arg7[%add3A_166, %dma_start3A_270] : memref<125x80xi32, #tpu.memory_space<vmem>> -> memref<1x80xi32, #tpu.memory_space<vmem>>
        %dma_start3A_272 = tpu.memref_squeeze %dma_start3A_271 : memref<1x80xi32, #tpu.memory_space<vmem>> -> memref<80xi32, #tpu.memory_space<vmem>>
        %dma_start3A_273 = arith.constant 0 : i32
        %dma_start3A_274 = arith.constant 0 : i32
        %dma_start3A_275 = tpu.memref_slice %arg10[%dma_start3A_273, %dma_start3A_274] : memref<10112x64xf32, #tpu.memory_space<vmem_shared>> -> memref<10112x64xf32, #tpu.memory_space<vmem_shared>>
        tpu.enqueue_indirect_dma source(%dma_start3A_269 : memref<80x64xf32, #tpu.memory_space<vmem>>) target(%dma_start3A_275 : memref<10112x64xf32, #tpu.memory_space<vmem_shared>>) offsets(%dma_start3A_272 : memref<80xi32, #tpu.memory_space<vmem>>) semaphore(%run_scoped3A_266 : memref<!tpu.dma_semaphore, #tpu.memory_space<semaphore_mem>>) {add = true}
        %dma_wait3A_276 = arith.constant 240 : i32
        %dma_wait3A_277 = arith.constant 0 : i32
        %dma_wait3A_278 = tpu.memref_slice %arg8[%dma_wait3A_276, %dma_wait3A_277] : memref<400x64xf32, #tpu.memory_space<vmem>> -> memref<80x64xf32, #tpu.memory_space<vmem>>
        %dma_wait3A_279 = arith.constant 0 : i32
        %dma_wait3A_280 = tpu.memref_slice %arg7[%add3A_166, %dma_wait3A_279] : memref<125x80xi32, #tpu.memory_space<vmem>> -> memref<1x80xi32, #tpu.memory_space<vmem>>
        %dma_wait3A_281 = tpu.memref_squeeze %dma_wait3A_280 : memref<1x80xi32, #tpu.memory_space<vmem>> -> memref<80xi32, #tpu.memory_space<vmem>>
        %dma_wait3A_282 = arith.constant 0 : i32
        %dma_wait3A_283 = arith.constant 0 : i32
        %dma_wait3A_284 = tpu.memref_slice %arg10[%dma_wait3A_282, %dma_wait3A_283] : memref<10112x64xf32, #tpu.memory_space<vmem_shared>> -> memref<10112x64xf32, #tpu.memory_space<vmem_shared>>
        tpu.wait_indirect_dma semaphore(%run_scoped3A_266 : memref<!tpu.dma_semaphore, #tpu.memory_space<semaphore_mem>>) src(%dma_wait3A_278 : memref<80x64xf32, #tpu.memory_space<vmem>>) dst(%dma_wait3A_284 : memref<10112x64xf32, #tpu.memory_space<vmem_shared>>)
        tpu.yield
      }) : () -> ()
      %mul3A_167 = arith.constant 5 : i32
      %mul3A_168 = arith.muli %mul3A_77, %mul3A_167 : i32
      %add3A_169 = arith.constant 4 : i32
      %add3A_170 = arith.addi %mul3A_168, %add3A_169 : i32
      "tpu.region"() ({
        %run_scoped3A_266 = tpu.sem_alloc : memref<!tpu.dma_semaphore, #tpu.memory_space<semaphore_mem>>
        %dma_start3A_267 = arith.constant 320 : i32
        %dma_start3A_268 = arith.constant 0 : i32
        %dma_start3A_269 = tpu.memref_slice %arg8[%dma_start3A_267, %dma_start3A_268] : memref<400x64xf32, #tpu.memory_space<vmem>> -> memref<80x64xf32, #tpu.memory_space<vmem>>
        %dma_start3A_270 = arith.constant 0 : i32
        %dma_start3A_271 = tpu.memref_slice %arg7[%add3A_170, %dma_start3A_270] : memref<125x80xi32, #tpu.memory_space<vmem>> -> memref<1x80xi32, #tpu.memory_space<vmem>>
        %dma_start3A_272 = tpu.memref_squeeze %dma_start3A_271 : memref<1x80xi32, #tpu.memory_space<vmem>> -> memref<80xi32, #tpu.memory_space<vmem>>
        %dma_start3A_273 = arith.constant 0 : i32
        %dma_start3A_274 = arith.constant 0 : i32
        %dma_start3A_275 = tpu.memref_slice %arg10[%dma_start3A_273, %dma_start3A_274] : memref<10112x64xf32, #tpu.memory_space<vmem_shared>> -> memref<10112x64xf32, #tpu.memory_space<vmem_shared>>
        tpu.enqueue_indirect_dma source(%dma_start3A_269 : memref<80x64xf32, #tpu.memory_space<vmem>>) target(%dma_start3A_275 : memref<10112x64xf32, #tpu.memory_space<vmem_shared>>) offsets(%dma_start3A_272 : memref<80xi32, #tpu.memory_space<vmem>>) semaphore(%run_scoped3A_266 : memref<!tpu.dma_semaphore, #tpu.memory_space<semaphore_mem>>) {add = true}
        %dma_wait3A_276 = arith.constant 320 : i32
        %dma_wait3A_277 = arith.constant 0 : i32
        %dma_wait3A_278 = tpu.memref_slice %arg8[%dma_wait3A_276, %dma_wait3A_277] : memref<400x64xf32, #tpu.memory_space<vmem>> -> memref<80x64xf32, #tpu.memory_space<vmem>>
        %dma_wait3A_279 = arith.constant 0 : i32
        %dma_wait3A_280 = tpu.memref_slice %arg7[%add3A_170, %dma_wait3A_279] : memref<125x80xi32, #tpu.memory_space<vmem>> -> memref<1x80xi32, #tpu.memory_space<vmem>>
        %dma_wait3A_281 = tpu.memref_squeeze %dma_wait3A_280 : memref<1x80xi32, #tpu.memory_space<vmem>> -> memref<80xi32, #tpu.memory_space<vmem>>
        %dma_wait3A_282 = arith.constant 0 : i32
        %dma_wait3A_283 = arith.constant 0 : i32
        %dma_wait3A_284 = tpu.memref_slice %arg10[%dma_wait3A_282, %dma_wait3A_283] : memref<10112x64xf32, #tpu.memory_space<vmem_shared>> -> memref<10112x64xf32, #tpu.memory_space<vmem_shared>>
        tpu.wait_indirect_dma semaphore(%run_scoped3A_266 : memref<!tpu.dma_semaphore, #tpu.memory_space<semaphore_mem>>) src(%dma_wait3A_278 : memref<80x64xf32, #tpu.memory_space<vmem>>) dst(%dma_wait3A_284 : memref<10112x64xf32, #tpu.memory_space<vmem_shared>>)
        tpu.yield
      }) : () -> ()
      %add3A_171 = arith.constant 2 : i32
      %add3A_172 = arith.addi %mul3A_77, %add3A_171 : i32
      %mul3A_173 = arith.constant 5 : i32
      %mul3A_174 = arith.muli %add3A_172, %mul3A_173 : i32
      %add3A_175 = arith.constant 0 : i32
      %add3A_176 = arith.addi %mul3A_174, %add3A_175 : i32
      %dma_start3A_177 = arith.constant 0 : i32
      %dma_start3A_178 = arith.constant 0 : i32
      %dma_start3A_179 = tpu.memref_slice %arg8[%dma_start3A_177, %dma_start3A_178] : memref<400x64xf32, #tpu.memory_space<vmem>> -> memref<80x64xf32, #tpu.memory_space<vmem>>
      %dma_start3A_180 = arith.constant 0 : i32
      %dma_start3A_181 = tpu.memref_slice %arg6[%add3A_176, %dma_start3A_180] : memref<125x80xi32, #tpu.memory_space<vmem>> -> memref<1x80xi32, #tpu.memory_space<vmem>>
      %dma_start3A_182 = tpu.memref_squeeze %dma_start3A_181 : memref<1x80xi32, #tpu.memory_space<vmem>> -> memref<80xi32, #tpu.memory_space<vmem>>
      %dma_start3A_183 = arith.constant 0 : i32
      %dma_start3A_184 = arith.constant 0 : i32
      %dma_start3A_185 = tpu.memref_slice %arg2[%dma_start3A_183, %dma_start3A_184] : memref<10000x64xf32, #tpu.memory_space<hbm>> -> memref<10000x64xf32, #tpu.memory_space<hbm>>
      tpu.enqueue_indirect_dma source(%dma_start3A_185 : memref<10000x64xf32, #tpu.memory_space<hbm>>) target(%dma_start3A_179 : memref<80x64xf32, #tpu.memory_space<vmem>>) offsets(%dma_start3A_182 : memref<80xi32, #tpu.memory_space<vmem>>) semaphore(%arg11 : memref<!tpu.dma_semaphore, #tpu.memory_space<semaphore_mem>>)
      %mul3A_186 = arith.constant 5 : i32
      %mul3A_187 = arith.muli %add3A_172, %mul3A_186 : i32
      %add3A_188 = arith.constant 1 : i32
      %add3A_189 = arith.addi %mul3A_187, %add3A_188 : i32
      %dma_start3A_190 = arith.constant 80 : i32
      %dma_start3A_191 = arith.constant 0 : i32
      %dma_start3A_192 = tpu.memref_slice %arg8[%dma_start3A_190, %dma_start3A_191] : memref<400x64xf32, #tpu.memory_space<vmem>> -> memref<80x64xf32, #tpu.memory_space<vmem>>
      %dma_start3A_193 = arith.constant 0 : i32
      %dma_start3A_194 = tpu.memref_slice %arg6[%add3A_189, %dma_start3A_193] : memref<125x80xi32, #tpu.memory_space<vmem>> -> memref<1x80xi32, #tpu.memory_space<vmem>>
      %dma_start3A_195 = tpu.memref_squeeze %dma_start3A_194 : memref<1x80xi32, #tpu.memory_space<vmem>> -> memref<80xi32, #tpu.memory_space<vmem>>
      %dma_start3A_196 = arith.constant 0 : i32
      %dma_start3A_197 = arith.constant 0 : i32
      %dma_start3A_198 = tpu.memref_slice %arg2[%dma_start3A_196, %dma_start3A_197] : memref<10000x64xf32, #tpu.memory_space<hbm>> -> memref<10000x64xf32, #tpu.memory_space<hbm>>
      tpu.enqueue_indirect_dma source(%dma_start3A_198 : memref<10000x64xf32, #tpu.memory_space<hbm>>) target(%dma_start3A_192 : memref<80x64xf32, #tpu.memory_space<vmem>>) offsets(%dma_start3A_195 : memref<80xi32, #tpu.memory_space<vmem>>) semaphore(%arg11 : memref<!tpu.dma_semaphore, #tpu.memory_space<semaphore_mem>>)
      %mul3A_199 = arith.constant 5 : i32
      %mul3A_200 = arith.muli %add3A_172, %mul3A_199 : i32
      %add3A_201 = arith.constant 2 : i32
      %add3A_202 = arith.addi %mul3A_200, %add3A_201 : i32
      %dma_start3A_203 = arith.constant 160 : i32
      %dma_start3A_204 = arith.constant 0 : i32
      %dma_start3A_205 = tpu.memref_slice %arg8[%dma_start3A_203, %dma_start3A_204] : memref<400x64xf32, #tpu.memory_space<vmem>> -> memref<80x64xf32, #tpu.memory_space<vmem>>
      %dma_start3A_206 = arith.constant 0 : i32
      %dma_start3A_207 = tpu.memref_slice %arg6[%add3A_202, %dma_start3A_206] : memref<125x80xi32, #tpu.memory_space<vmem>> -> memref<1x80xi32, #tpu.memory_space<vmem>>
      %dma_start3A_208 = tpu.memref_squeeze %dma_start3A_207 : memref<1x80xi32, #tpu.memory_space<vmem>> -> memref<80xi32, #tpu.memory_space<vmem>>
      %dma_start3A_209 = arith.constant 0 : i32
      %dma_start3A_210 = arith.constant 0 : i32
      %dma_start3A_211 = tpu.memref_slice %arg2[%dma_start3A_209, %dma_start3A_210] : memref<10000x64xf32, #tpu.memory_space<hbm>> -> memref<10000x64xf32, #tpu.memory_space<hbm>>
      tpu.enqueue_indirect_dma source(%dma_start3A_211 : memref<10000x64xf32, #tpu.memory_space<hbm>>) target(%dma_start3A_205 : memref<80x64xf32, #tpu.memory_space<vmem>>) offsets(%dma_start3A_208 : memref<80xi32, #tpu.memory_space<vmem>>) semaphore(%arg11 : memref<!tpu.dma_semaphore, #tpu.memory_space<semaphore_mem>>)
      %mul3A_212 = arith.constant 5 : i32
      %mul3A_213 = arith.muli %add3A_172, %mul3A_212 : i32
      %add3A_214 = arith.constant 3 : i32
      %add3A_215 = arith.addi %mul3A_213, %add3A_214 : i32
      %dma_start3A_216 = arith.constant 240 : i32
      %dma_start3A_217 = arith.constant 0 : i32
      %dma_start3A_218 = tpu.memref_slice %arg8[%dma_start3A_216, %dma_start3A_217] : memref<400x64xf32, #tpu.memory_space<vmem>> -> memref<80x64xf32, #tpu.memory_space<vmem>>
      %dma_start3A_219 = arith.constant 0 : i32
      %dma_start3A_220 = tpu.memref_slice %arg6[%add3A_215, %dma_start3A_219] : memref<125x80xi32, #tpu.memory_space<vmem>> -> memref<1x80xi32, #tpu.memory_space<vmem>>
      %dma_start3A_221 = tpu.memref_squeeze %dma_start3A_220 : memref<1x80xi32, #tpu.memory_space<vmem>> -> memref<80xi32, #tpu.memory_space<vmem>>
      %dma_start3A_222 = arith.constant 0 : i32
      %dma_start3A_223 = arith.constant 0 : i32
      %dma_start3A_224 = tpu.memref_slice %arg2[%dma_start3A_222, %dma_start3A_223] : memref<10000x64xf32, #tpu.memory_space<hbm>> -> memref<10000x64xf32, #tpu.memory_space<hbm>>
      tpu.enqueue_indirect_dma source(%dma_start3A_224 : memref<10000x64xf32, #tpu.memory_space<hbm>>) target(%dma_start3A_218 : memref<80x64xf32, #tpu.memory_space<vmem>>) offsets(%dma_start3A_221 : memref<80xi32, #tpu.memory_space<vmem>>) semaphore(%arg11 : memref<!tpu.dma_semaphore, #tpu.memory_space<semaphore_mem>>)
      %mul3A_225 = arith.constant 5 : i32
      %mul3A_226 = arith.muli %add3A_172, %mul3A_225 : i32
      %add3A_227 = arith.constant 4 : i32
      %add3A_228 = arith.addi %mul3A_226, %add3A_227 : i32
      %dma_start3A_229 = arith.constant 320 : i32
      %dma_start3A_230 = arith.constant 0 : i32
      %dma_start3A_231 = tpu.memref_slice %arg8[%dma_start3A_229, %dma_start3A_230] : memref<400x64xf32, #tpu.memory_space<vmem>> -> memref<80x64xf32, #tpu.memory_space<vmem>>
      %dma_start3A_232 = arith.constant 0 : i32
      %dma_start3A_233 = tpu.memref_slice %arg6[%add3A_228, %dma_start3A_232] : memref<125x80xi32, #tpu.memory_space<vmem>> -> memref<1x80xi32, #tpu.memory_space<vmem>>
      %dma_start3A_234 = tpu.memref_squeeze %dma_start3A_233 : memref<1x80xi32, #tpu.memory_space<vmem>> -> memref<80xi32, #tpu.memory_space<vmem>>
      %dma_start3A_235 = arith.constant 0 : i32
      %dma_start3A_236 = arith.constant 0 : i32
      %dma_start3A_237 = tpu.memref_slice %arg2[%dma_start3A_235, %dma_start3A_236] : memref<10000x64xf32, #tpu.memory_space<hbm>> -> memref<10000x64xf32, #tpu.memory_space<hbm>>
      tpu.enqueue_indirect_dma source(%dma_start3A_237 : memref<10000x64xf32, #tpu.memory_space<hbm>>) target(%dma_start3A_231 : memref<80x64xf32, #tpu.memory_space<vmem>>) offsets(%dma_start3A_234 : memref<80xi32, #tpu.memory_space<vmem>>) semaphore(%arg11 : memref<!tpu.dma_semaphore, #tpu.memory_space<semaphore_mem>>)
      %dma_wait3A_238 = arith.constant 0 : i32
      %dma_wait3A_239 = arith.constant 0 : i32
      %dma_wait3A_240 = tpu.memref_slice %arg2[%dma_wait3A_238, %dma_wait3A_239] : memref<10000x64xf32, #tpu.memory_space<hbm>> -> memref<400x64xf32, #tpu.memory_space<hbm>>
      %dma_wait3A_241 = arith.constant 0 : i32
      %dma_wait3A_242 = arith.constant 0 : i32
      %dma_wait3A_243 = tpu.memref_slice %arg2[%dma_wait3A_241, %dma_wait3A_242] : memref<10000x64xf32, #tpu.memory_space<hbm>> -> memref<400x64xf32, #tpu.memory_space<hbm>>
      tpu.wait_dma2 semaphore(%arg12 : memref<!tpu.dma_semaphore, #tpu.memory_space<semaphore_mem>>) src(%dma_wait3A_243 : memref<400x64xf32, #tpu.memory_space<hbm>>) dst(%arg9 : memref<400x64xf32, #tpu.memory_space<vmem>>)
      %add3A_244 = arith.constant 1 : i32
      %add3A_245 = arith.addi %mul3A_77, %add3A_244 : i32
      %mul3A_246 = arith.constant 5 : i32
      %mul3A_247 = arith.muli %add3A_245, %mul3A_246 : i32
      %add3A_248 = arith.constant 0 : i32
      %add3A_249 = arith.addi %mul3A_247, %add3A_248 : i32
      "tpu.region"() ({
        %run_scoped3A_266 = tpu.sem_alloc : memref<!tpu.dma_semaphore, #tpu.memory_space<semaphore_mem>>
        %dma_start3A_267 = arith.constant 0 : i32
        %dma_start3A_268 = arith.constant 0 : i32
        %dma_start3A_269 = tpu.memref_slice %arg9[%dma_start3A_267, %dma_start3A_268] : memref<400x64xf32, #tpu.memory_space<vmem>> -> memref<80x64xf32, #tpu.memory_space<vmem>>
        %dma_start3A_270 = arith.constant 0 : i32
        %dma_start3A_271 = tpu.memref_slice %arg7[%add3A_249, %dma_start3A_270] : memref<125x80xi32, #tpu.memory_space<vmem>> -> memref<1x80xi32, #tpu.memory_space<vmem>>
        %dma_start3A_272 = tpu.memref_squeeze %dma_start3A_271 : memref<1x80xi32, #tpu.memory_space<vmem>> -> memref<80xi32, #tpu.memory_space<vmem>>
        %dma_start3A_273 = arith.constant 0 : i32
        %dma_start3A_274 = arith.constant 0 : i32
        %dma_start3A_275 = tpu.memref_slice %arg10[%dma_start3A_273, %dma_start3A_274] : memref<10112x64xf32, #tpu.memory_space<vmem_shared>> -> memref<10112x64xf32, #tpu.memory_space<vmem_shared>>
        tpu.enqueue_indirect_dma source(%dma_start3A_269 : memref<80x64xf32, #tpu.memory_space<vmem>>) target(%dma_start3A_275 : memref<10112x64xf32, #tpu.memory_space<vmem_shared>>) offsets(%dma_start3A_272 : memref<80xi32, #tpu.memory_space<vmem>>) semaphore(%run_scoped3A_266 : memref<!tpu.dma_semaphore, #tpu.memory_space<semaphore_mem>>) {add = true}
        %dma_wait3A_276 = arith.constant 0 : i32
        %dma_wait3A_277 = arith.constant 0 : i32
        %dma_wait3A_278 = tpu.memref_slice %arg9[%dma_wait3A_276, %dma_wait3A_277] : memref<400x64xf32, #tpu.memory_space<vmem>> -> memref<80x64xf32, #tpu.memory_space<vmem>>
        %dma_wait3A_279 = arith.constant 0 : i32
        %dma_wait3A_280 = tpu.memref_slice %arg7[%add3A_249, %dma_wait3A_279] : memref<125x80xi32, #tpu.memory_space<vmem>> -> memref<1x80xi32, #tpu.memory_space<vmem>>
        %dma_wait3A_281 = tpu.memref_squeeze %dma_wait3A_280 : memref<1x80xi32, #tpu.memory_space<vmem>> -> memref<80xi32, #tpu.memory_space<vmem>>
        %dma_wait3A_282 = arith.constant 0 : i32
        %dma_wait3A_283 = arith.constant 0 : i32
        %dma_wait3A_284 = tpu.memref_slice %arg10[%dma_wait3A_282, %dma_wait3A_283] : memref<10112x64xf32, #tpu.memory_space<vmem_shared>> -> memref<10112x64xf32, #tpu.memory_space<vmem_shared>>
        tpu.wait_indirect_dma semaphore(%run_scoped3A_266 : memref<!tpu.dma_semaphore, #tpu.memory_space<semaphore_mem>>) src(%dma_wait3A_278 : memref<80x64xf32, #tpu.memory_space<vmem>>) dst(%dma_wait3A_284 : memref<10112x64xf32, #tpu.memory_space<vmem_shared>>)
        tpu.yield
      }) : () -> ()
      %mul3A_250 = arith.constant 5 : i32
      %mul3A_251 = arith.muli %add3A_245, %mul3A_250 : i32
      %add3A_252 = arith.constant 1 : i32
      %add3A_253 = arith.addi %mul3A_251, %add3A_252 : i32
      "tpu.region"() ({
        %run_scoped3A_266 = tpu.sem_alloc : memref<!tpu.dma_semaphore, #tpu.memory_space<semaphore_mem>>
        %dma_start3A_267 = arith.constant 80 : i32
        %dma_start3A_268 = arith.constant 0 : i32
        %dma_start3A_269 = tpu.memref_slice %arg9[%dma_start3A_267, %dma_start3A_268] : memref<400x64xf32, #tpu.memory_space<vmem>> -> memref<80x64xf32, #tpu.memory_space<vmem>>
        %dma_start3A_270 = arith.constant 0 : i32
        %dma_start3A_271 = tpu.memref_slice %arg7[%add3A_253, %dma_start3A_270] : memref<125x80xi32, #tpu.memory_space<vmem>> -> memref<1x80xi32, #tpu.memory_space<vmem>>
        %dma_start3A_272 = tpu.memref_squeeze %dma_start3A_271 : memref<1x80xi32, #tpu.memory_space<vmem>> -> memref<80xi32, #tpu.memory_space<vmem>>
        %dma_start3A_273 = arith.constant 0 : i32
        %dma_start3A_274 = arith.constant 0 : i32
        %dma_start3A_275 = tpu.memref_slice %arg10[%dma_start3A_273, %dma_start3A_274] : memref<10112x64xf32, #tpu.memory_space<vmem_shared>> -> memref<10112x64xf32, #tpu.memory_space<vmem_shared>>
        tpu.enqueue_indirect_dma source(%dma_start3A_269 : memref<80x64xf32, #tpu.memory_space<vmem>>) target(%dma_start3A_275 : memref<10112x64xf32, #tpu.memory_space<vmem_shared>>) offsets(%dma_start3A_272 : memref<80xi32, #tpu.memory_space<vmem>>) semaphore(%run_scoped3A_266 : memref<!tpu.dma_semaphore, #tpu.memory_space<semaphore_mem>>) {add = true}
        %dma_wait3A_276 = arith.constant 80 : i32
        %dma_wait3A_277 = arith.constant 0 : i32
        %dma_wait3A_278 = tpu.memref_slice %arg9[%dma_wait3A_276, %dma_wait3A_277] : memref<400x64xf32, #tpu.memory_space<vmem>> -> memref<80x64xf32, #tpu.memory_space<vmem>>
        %dma_wait3A_279 = arith.constant 0 : i32
        %dma_wait3A_280 = tpu.memref_slice %arg7[%add3A_253, %dma_wait3A_279] : memref<125x80xi32, #tpu.memory_space<vmem>> -> memref<1x80xi32, #tpu.memory_space<vmem>>
        %dma_wait3A_281 = tpu.memref_squeeze %dma_wait3A_280 : memref<1x80xi32, #tpu.memory_space<vmem>> -> memref<80xi32, #tpu.memory_space<vmem>>
        %dma_wait3A_282 = arith.constant 0 : i32
        %dma_wait3A_283 = arith.constant 0 : i32
        %dma_wait3A_284 = tpu.memref_slice %arg10[%dma_wait3A_282, %dma_wait3A_283] : memref<10112x64xf32, #tpu.memory_space<vmem_shared>> -> memref<10112x64xf32, #tpu.memory_space<vmem_shared>>
        tpu.wait_indirect_dma semaphore(%run_scoped3A_266 : memref<!tpu.dma_semaphore, #tpu.memory_space<semaphore_mem>>) src(%dma_wait3A_278 : memref<80x64xf32, #tpu.memory_space<vmem>>) dst(%dma_wait3A_284 : memref<10112x64xf32, #tpu.memory_space<vmem_shared>>)
        tpu.yield
      }) : () -> ()
      %mul3A_254 = arith.constant 5 : i32
      %mul3A_255 = arith.muli %add3A_245, %mul3A_254 : i32
      %add3A_256 = arith.constant 2 : i32
      %add3A_257 = arith.addi %mul3A_255, %add3A_256 : i32
      "tpu.region"() ({
        %run_scoped3A_266 = tpu.sem_alloc : memref<!tpu.dma_semaphore, #tpu.memory_space<semaphore_mem>>
        %dma_start3A_267 = arith.constant 160 : i32
        %dma_start3A_268 = arith.constant 0 : i32
        %dma_start3A_269 = tpu.memref_slice %arg9[%dma_start3A_267, %dma_start3A_268] : memref<400x64xf32, #tpu.memory_space<vmem>> -> memref<80x64xf32, #tpu.memory_space<vmem>>
        %dma_start3A_270 = arith.constant 0 : i32
        %dma_start3A_271 = tpu.memref_slice %arg7[%add3A_257, %dma_start3A_270] : memref<125x80xi32, #tpu.memory_space<vmem>> -> memref<1x80xi32, #tpu.memory_space<vmem>>
        %dma_start3A_272 = tpu.memref_squeeze %dma_start3A_271 : memref<1x80xi32, #tpu.memory_space<vmem>> -> memref<80xi32, #tpu.memory_space<vmem>>
        %dma_start3A_273 = arith.constant 0 : i32
        %dma_start3A_274 = arith.constant 0 : i32
        %dma_start3A_275 = tpu.memref_slice %arg10[%dma_start3A_273, %dma_start3A_274] : memref<10112x64xf32, #tpu.memory_space<vmem_shared>> -> memref<10112x64xf32, #tpu.memory_space<vmem_shared>>
        tpu.enqueue_indirect_dma source(%dma_start3A_269 : memref<80x64xf32, #tpu.memory_space<vmem>>) target(%dma_start3A_275 : memref<10112x64xf32, #tpu.memory_space<vmem_shared>>) offsets(%dma_start3A_272 : memref<80xi32, #tpu.memory_space<vmem>>) semaphore(%run_scoped3A_266 : memref<!tpu.dma_semaphore, #tpu.memory_space<semaphore_mem>>) {add = true}
        %dma_wait3A_276 = arith.constant 160 : i32
        %dma_wait3A_277 = arith.constant 0 : i32
        %dma_wait3A_278 = tpu.memref_slice %arg9[%dma_wait3A_276, %dma_wait3A_277] : memref<400x64xf32, #tpu.memory_space<vmem>> -> memref<80x64xf32, #tpu.memory_space<vmem>>
        %dma_wait3A_279 = arith.constant 0 : i32
        %dma_wait3A_280 = tpu.memref_slice %arg7[%add3A_257, %dma_wait3A_279] : memref<125x80xi32, #tpu.memory_space<vmem>> -> memref<1x80xi32, #tpu.memory_space<vmem>>
        %dma_wait3A_281 = tpu.memref_squeeze %dma_wait3A_280 : memref<1x80xi32, #tpu.memory_space<vmem>> -> memref<80xi32, #tpu.memory_space<vmem>>
        %dma_wait3A_282 = arith.constant 0 : i32
        %dma_wait3A_283 = arith.constant 0 : i32
        %dma_wait3A_284 = tpu.memref_slice %arg10[%dma_wait3A_282, %dma_wait3A_283] : memref<10112x64xf32, #tpu.memory_space<vmem_shared>> -> memref<10112x64xf32, #tpu.memory_space<vmem_shared>>
        tpu.wait_indirect_dma semaphore(%run_scoped3A_266 : memref<!tpu.dma_semaphore, #tpu.memory_space<semaphore_mem>>) src(%dma_wait3A_278 : memref<80x64xf32, #tpu.memory_space<vmem>>) dst(%dma_wait3A_284 : memref<10112x64xf32, #tpu.memory_space<vmem_shared>>)
        tpu.yield
      }) : () -> ()
      %mul3A_258 = arith.constant 5 : i32
      %mul3A_259 = arith.muli %add3A_245, %mul3A_258 : i32
      %add3A_260 = arith.constant 3 : i32
      %add3A_261 = arith.addi %mul3A_259, %add3A_260 : i32
      "tpu.region"() ({
        %run_scoped3A_266 = tpu.sem_alloc : memref<!tpu.dma_semaphore, #tpu.memory_space<semaphore_mem>>
        %dma_start3A_267 = arith.constant 240 : i32
        %dma_start3A_268 = arith.constant 0 : i32
        %dma_start3A_269 = tpu.memref_slice %arg9[%dma_start3A_267, %dma_start3A_268] : memref<400x64xf32, #tpu.memory_space<vmem>> -> memref<80x64xf32, #tpu.memory_space<vmem>>
        %dma_start3A_270 = arith.constant 0 : i32
        %dma_start3A_271 = tpu.memref_slice %arg7[%add3A_261, %dma_start3A_270] : memref<125x80xi32, #tpu.memory_space<vmem>> -> memref<1x80xi32, #tpu.memory_space<vmem>>
        %dma_start3A_272 = tpu.memref_squeeze %dma_start3A_271 : memref<1x80xi32, #tpu.memory_space<vmem>> -> memref<80xi32, #tpu.memory_space<vmem>>
        %dma_start3A_273 = arith.constant 0 : i32
        %dma_start3A_274 = arith.constant 0 : i32
        %dma_start3A_275 = tpu.memref_slice %arg10[%dma_start3A_273, %dma_start3A_274] : memref<10112x64xf32, #tpu.memory_space<vmem_shared>> -> memref<10112x64xf32, #tpu.memory_space<vmem_shared>>
        tpu.enqueue_indirect_dma source(%dma_start3A_269 : memref<80x64xf32, #tpu.memory_space<vmem>>) target(%dma_start3A_275 : memref<10112x64xf32, #tpu.memory_space<vmem_shared>>) offsets(%dma_start3A_272 : memref<80xi32, #tpu.memory_space<vmem>>) semaphore(%run_scoped3A_266 : memref<!tpu.dma_semaphore, #tpu.memory_space<semaphore_mem>>) {add = true}
        %dma_wait3A_276 = arith.constant 240 : i32
        %dma_wait3A_277 = arith.constant 0 : i32
        %dma_wait3A_278 = tpu.memref_slice %arg9[%dma_wait3A_276, %dma_wait3A_277] : memref<400x64xf32, #tpu.memory_space<vmem>> -> memref<80x64xf32, #tpu.memory_space<vmem>>
        %dma_wait3A_279 = arith.constant 0 : i32
        %dma_wait3A_280 = tpu.memref_slice %arg7[%add3A_261, %dma_wait3A_279] : memref<125x80xi32, #tpu.memory_space<vmem>> -> memref<1x80xi32, #tpu.memory_space<vmem>>
        %dma_wait3A_281 = tpu.memref_squeeze %dma_wait3A_280 : memref<1x80xi32, #tpu.memory_space<vmem>> -> memref<80xi32, #tpu.memory_space<vmem>>
        %dma_wait3A_282 = arith.constant 0 : i32
        %dma_wait3A_283 = arith.constant 0 : i32
        %dma_wait3A_284 = tpu.memref_slice %arg10[%dma_wait3A_282, %dma_wait3A_283] : memref<10112x64xf32, #tpu.memory_space<vmem_shared>> -> memref<10112x64xf32, #tpu.memory_space<vmem_shared>>
        tpu.wait_indirect_dma semaphore(%run_scoped3A_266 : memref<!tpu.dma_semaphore, #tpu.memory_space<semaphore_mem>>) src(%dma_wait3A_278 : memref<80x64xf32, #tpu.memory_space<vmem>>) dst(%dma_wait3A_284 : memref<10112x64xf32, #tpu.memory_space<vmem_shared>>)
        tpu.yield
      }) : () -> ()
      %mul3A_262 = arith.constant 5 : i32
      %mul3A_263 = arith.muli %add3A_245, %mul3A_262 : i32
      %add3A_264 = arith.constant 4 : i32
      %add3A_265 = arith.addi %mul3A_263, %add3A_264 : i32
      "tpu.region"() ({
        %run_scoped3A_266 = tpu.sem_alloc : memref<!tpu.dma_semaphore, #tpu.memory_space<semaphore_mem>>
        %dma_start3A_267 = arith.constant 320 : i32
        %dma_start3A_268 = arith.constant 0 : i32
        %dma_start3A_269 = tpu.memref_slice %arg9[%dma_start3A_267, %dma_start3A_268] : memref<400x64xf32, #tpu.memory_space<vmem>> -> memref<80x64xf32, #tpu.memory_space<vmem>>
        %dma_start3A_270 = arith.constant 0 : i32
        %dma_start3A_271 = tpu.memref_slice %arg7[%add3A_265, %dma_start3A_270] : memref<125x80xi32, #tpu.memory_space<vmem>> -> memref<1x80xi32, #tpu.memory_space<vmem>>
        %dma_start3A_272 = tpu.memref_squeeze %dma_start3A_271 : memref<1x80xi32, #tpu.memory_space<vmem>> -> memref<80xi32, #tpu.memory_space<vmem>>
        %dma_start3A_273 = arith.constant 0 : i32
        %dma_start3A_274 = arith.constant 0 : i32
        %dma_start3A_275 = tpu.memref_slice %arg10[%dma_start3A_273, %dma_start3A_274] : memref<10112x64xf32, #tpu.memory_space<vmem_shared>> -> memref<10112x64xf32, #tpu.memory_space<vmem_shared>>
        tpu.enqueue_indirect_dma source(%dma_start3A_269 : memref<80x64xf32, #tpu.memory_space<vmem>>) target(%dma_start3A_275 : memref<10112x64xf32, #tpu.memory_space<vmem_shared>>) offsets(%dma_start3A_272 : memref<80xi32, #tpu.memory_space<vmem>>) semaphore(%run_scoped3A_266 : memref<!tpu.dma_semaphore, #tpu.memory_space<semaphore_mem>>) {add = true}
        %dma_wait3A_276 = arith.constant 320 : i32
        %dma_wait3A_277 = arith.constant 0 : i32
        %dma_wait3A_278 = tpu.memref_slice %arg9[%dma_wait3A_276, %dma_wait3A_277] : memref<400x64xf32, #tpu.memory_space<vmem>> -> memref<80x64xf32, #tpu.memory_space<vmem>>
        %dma_wait3A_279 = arith.constant 0 : i32
        %dma_wait3A_280 = tpu.memref_slice %arg7[%add3A_265, %dma_wait3A_279] : memref<125x80xi32, #tpu.memory_space<vmem>> -> memref<1x80xi32, #tpu.memory_space<vmem>>
        %dma_wait3A_281 = tpu.memref_squeeze %dma_wait3A_280 : memref<1x80xi32, #tpu.memory_space<vmem>> -> memref<80xi32, #tpu.memory_space<vmem>>
        %dma_wait3A_282 = arith.constant 0 : i32
        %dma_wait3A_283 = arith.constant 0 : i32
        %dma_wait3A_284 = tpu.memref_slice %arg10[%dma_wait3A_282, %dma_wait3A_283] : memref<10112x64xf32, #tpu.memory_space<vmem_shared>> -> memref<10112x64xf32, #tpu.memory_space<vmem_shared>>
        tpu.wait_indirect_dma semaphore(%run_scoped3A_266 : memref<!tpu.dma_semaphore, #tpu.memory_space<semaphore_mem>>) src(%dma_wait3A_278 : memref<80x64xf32, #tpu.memory_space<vmem>>) dst(%dma_wait3A_284 : memref<10112x64xf32, #tpu.memory_space<vmem_shared>>)
        tpu.yield
      }) : () -> ()
    }
    %scan3A_59 = arith.constant 12 : i32
    %dma_wait3A = arith.constant 0 : i32
    %dma_wait3A_60 = arith.constant 0 : i32
    %dma_wait3A_61 = tpu.memref_slice %arg2[%dma_wait3A, %dma_wait3A_60] : memref<10000x64xf32, #tpu.memory_space<hbm>> -> memref<400x64xf32, #tpu.memory_space<hbm>>
    %dma_wait3A_62 = arith.constant 0 : i32
    %dma_wait3A_63 = arith.constant 0 : i32
    %dma_wait3A_64 = tpu.memref_slice %arg2[%dma_wait3A_62, %dma_wait3A_63] : memref<10000x64xf32, #tpu.memory_space<hbm>> -> memref<400x64xf32, #tpu.memory_space<hbm>>
    tpu.wait_dma2 semaphore(%arg11 : memref<!tpu.dma_semaphore, #tpu.memory_space<semaphore_mem>>) src(%dma_wait3A_64 : memref<400x64xf32, #tpu.memory_space<hbm>>) dst(%arg8 : memref<400x64xf32, #tpu.memory_space<vmem>>)
    %run_scoped3A_65 = arith.constant 120 : i32
    "tpu.region"() ({
      %run_scoped3A_75 = tpu.sem_alloc : memref<!tpu.dma_semaphore, #tpu.memory_space<semaphore_mem>>
      %dma_start3A_76 = arith.constant 0 : i32
      %dma_start3A_77 = arith.constant 0 : i32
      %dma_start3A_78 = tpu.memref_slice %arg8[%dma_start3A_76, %dma_start3A_77] : memref<400x64xf32, #tpu.memory_space<vmem>> -> memref<80x64xf32, #tpu.memory_space<vmem>>
      %dma_start3A_79 = arith.constant 0 : i32
      %dma_start3A_80 = tpu.memref_slice %arg7[%run_scoped3A_65, %dma_start3A_79] : memref<125x80xi32, #tpu.memory_space<vmem>> -> memref<1x80xi32, #tpu.memory_space<vmem>>
      %dma_start3A_81 = tpu.memref_squeeze %dma_start3A_80 : memref<1x80xi32, #tpu.memory_space<vmem>> -> memref<80xi32, #tpu.memory_space<vmem>>
      %dma_start3A_82 = arith.constant 0 : i32
      %dma_start3A_83 = arith.constant 0 : i32
      %dma_start3A_84 = tpu.memref_slice %arg10[%dma_start3A_82, %dma_start3A_83] : memref<10112x64xf32, #tpu.memory_space<vmem_shared>> -> memref<10112x64xf32, #tpu.memory_space<vmem_shared>>
      tpu.enqueue_indirect_dma source(%dma_start3A_78 : memref<80x64xf32, #tpu.memory_space<vmem>>) target(%dma_start3A_84 : memref<10112x64xf32, #tpu.memory_space<vmem_shared>>) offsets(%dma_start3A_81 : memref<80xi32, #tpu.memory_space<vmem>>) semaphore(%run_scoped3A_75 : memref<!tpu.dma_semaphore, #tpu.memory_space<semaphore_mem>>) {add = true}
      %dma_wait3A_85 = arith.constant 0 : i32
      %dma_wait3A_86 = arith.constant 0 : i32
      %dma_wait3A_87 = tpu.memref_slice %arg8[%dma_wait3A_85, %dma_wait3A_86] : memref<400x64xf32, #tpu.memory_space<vmem>> -> memref<80x64xf32, #tpu.memory_space<vmem>>
      %dma_wait3A_88 = arith.constant 0 : i32
      %dma_wait3A_89 = tpu.memref_slice %arg7[%run_scoped3A_65, %dma_wait3A_88] : memref<125x80xi32, #tpu.memory_space<vmem>> -> memref<1x80xi32, #tpu.memory_space<vmem>>
      %dma_wait3A_90 = tpu.memref_squeeze %dma_wait3A_89 : memref<1x80xi32, #tpu.memory_space<vmem>> -> memref<80xi32, #tpu.memory_space<vmem>>
      %dma_wait3A_91 = arith.constant 0 : i32
      %dma_wait3A_92 = arith.constant 0 : i32
      %dma_wait3A_93 = tpu.memref_slice %arg10[%dma_wait3A_91, %dma_wait3A_92] : memref<10112x64xf32, #tpu.memory_space<vmem_shared>> -> memref<10112x64xf32, #tpu.memory_space<vmem_shared>>
      tpu.wait_indirect_dma semaphore(%run_scoped3A_75 : memref<!tpu.dma_semaphore, #tpu.memory_space<semaphore_mem>>) src(%dma_wait3A_87 : memref<80x64xf32, #tpu.memory_space<vmem>>) dst(%dma_wait3A_93 : memref<10112x64xf32, #tpu.memory_space<vmem_shared>>)
      tpu.yield
    }) : () -> ()
    %run_scoped3A_66 = arith.constant 121 : i32
    "tpu.region"() ({
      %run_scoped3A_75 = tpu.sem_alloc : memref<!tpu.dma_semaphore, #tpu.memory_space<semaphore_mem>>
      %dma_start3A_76 = arith.constant 80 : i32
      %dma_start3A_77 = arith.constant 0 : i32
      %dma_start3A_78 = tpu.memref_slice %arg8[%dma_start3A_76, %dma_start3A_77] : memref<400x64xf32, #tpu.memory_space<vmem>> -> memref<80x64xf32, #tpu.memory_space<vmem>>
      %dma_start3A_79 = arith.constant 0 : i32
      %dma_start3A_80 = tpu.memref_slice %arg7[%run_scoped3A_66, %dma_start3A_79] : memref<125x80xi32, #tpu.memory_space<vmem>> -> memref<1x80xi32, #tpu.memory_space<vmem>>
      %dma_start3A_81 = tpu.memref_squeeze %dma_start3A_80 : memref<1x80xi32, #tpu.memory_space<vmem>> -> memref<80xi32, #tpu.memory_space<vmem>>
      %dma_start3A_82 = arith.constant 0 : i32
      %dma_start3A_83 = arith.constant 0 : i32
      %dma_start3A_84 = tpu.memref_slice %arg10[%dma_start3A_82, %dma_start3A_83] : memref<10112x64xf32, #tpu.memory_space<vmem_shared>> -> memref<10112x64xf32, #tpu.memory_space<vmem_shared>>
      tpu.enqueue_indirect_dma source(%dma_start3A_78 : memref<80x64xf32, #tpu.memory_space<vmem>>) target(%dma_start3A_84 : memref<10112x64xf32, #tpu.memory_space<vmem_shared>>) offsets(%dma_start3A_81 : memref<80xi32, #tpu.memory_space<vmem>>) semaphore(%run_scoped3A_75 : memref<!tpu.dma_semaphore, #tpu.memory_space<semaphore_mem>>) {add = true}
      %dma_wait3A_85 = arith.constant 80 : i32
      %dma_wait3A_86 = arith.constant 0 : i32
      %dma_wait3A_87 = tpu.memref_slice %arg8[%dma_wait3A_85, %dma_wait3A_86] : memref<400x64xf32, #tpu.memory_space<vmem>> -> memref<80x64xf32, #tpu.memory_space<vmem>>
      %dma_wait3A_88 = arith.constant 0 : i32
      %dma_wait3A_89 = tpu.memref_slice %arg7[%run_scoped3A_66, %dma_wait3A_88] : memref<125x80xi32, #tpu.memory_space<vmem>> -> memref<1x80xi32, #tpu.memory_space<vmem>>
      %dma_wait3A_90 = tpu.memref_squeeze %dma_wait3A_89 : memref<1x80xi32, #tpu.memory_space<vmem>> -> memref<80xi32, #tpu.memory_space<vmem>>
      %dma_wait3A_91 = arith.constant 0 : i32
      %dma_wait3A_92 = arith.constant 0 : i32
      %dma_wait3A_93 = tpu.memref_slice %arg10[%dma_wait3A_91, %dma_wait3A_92] : memref<10112x64xf32, #tpu.memory_space<vmem_shared>> -> memref<10112x64xf32, #tpu.memory_space<vmem_shared>>
      tpu.wait_indirect_dma semaphore(%run_scoped3A_75 : memref<!tpu.dma_semaphore, #tpu.memory_space<semaphore_mem>>) src(%dma_wait3A_87 : memref<80x64xf32, #tpu.memory_space<vmem>>) dst(%dma_wait3A_93 : memref<10112x64xf32, #tpu.memory_space<vmem_shared>>)
      tpu.yield
    }) : () -> ()
    %run_scoped3A_67 = arith.constant 122 : i32
    "tpu.region"() ({
      %run_scoped3A_75 = tpu.sem_alloc : memref<!tpu.dma_semaphore, #tpu.memory_space<semaphore_mem>>
      %dma_start3A_76 = arith.constant 160 : i32
      %dma_start3A_77 = arith.constant 0 : i32
      %dma_start3A_78 = tpu.memref_slice %arg8[%dma_start3A_76, %dma_start3A_77] : memref<400x64xf32, #tpu.memory_space<vmem>> -> memref<80x64xf32, #tpu.memory_space<vmem>>
      %dma_start3A_79 = arith.constant 0 : i32
      %dma_start3A_80 = tpu.memref_slice %arg7[%run_scoped3A_67, %dma_start3A_79] : memref<125x80xi32, #tpu.memory_space<vmem>> -> memref<1x80xi32, #tpu.memory_space<vmem>>
      %dma_start3A_81 = tpu.memref_squeeze %dma_start3A_80 : memref<1x80xi32, #tpu.memory_space<vmem>> -> memref<80xi32, #tpu.memory_space<vmem>>
      %dma_start3A_82 = arith.constant 0 : i32
      %dma_start3A_83 = arith.constant 0 : i32
      %dma_start3A_84 = tpu.memref_slice %arg10[%dma_start3A_82, %dma_start3A_83] : memref<10112x64xf32, #tpu.memory_space<vmem_shared>> -> memref<10112x64xf32, #tpu.memory_space<vmem_shared>>
      tpu.enqueue_indirect_dma source(%dma_start3A_78 : memref<80x64xf32, #tpu.memory_space<vmem>>) target(%dma_start3A_84 : memref<10112x64xf32, #tpu.memory_space<vmem_shared>>) offsets(%dma_start3A_81 : memref<80xi32, #tpu.memory_space<vmem>>) semaphore(%run_scoped3A_75 : memref<!tpu.dma_semaphore, #tpu.memory_space<semaphore_mem>>) {add = true}
      %dma_wait3A_85 = arith.constant 160 : i32
      %dma_wait3A_86 = arith.constant 0 : i32
      %dma_wait3A_87 = tpu.memref_slice %arg8[%dma_wait3A_85, %dma_wait3A_86] : memref<400x64xf32, #tpu.memory_space<vmem>> -> memref<80x64xf32, #tpu.memory_space<vmem>>
      %dma_wait3A_88 = arith.constant 0 : i32
      %dma_wait3A_89 = tpu.memref_slice %arg7[%run_scoped3A_67, %dma_wait3A_88] : memref<125x80xi32, #tpu.memory_space<vmem>> -> memref<1x80xi32, #tpu.memory_space<vmem>>
      %dma_wait3A_90 = tpu.memref_squeeze %dma_wait3A_89 : memref<1x80xi32, #tpu.memory_space<vmem>> -> memref<80xi32, #tpu.memory_space<vmem>>
      %dma_wait3A_91 = arith.constant 0 : i32
      %dma_wait3A_92 = arith.constant 0 : i32
      %dma_wait3A_93 = tpu.memref_slice %arg10[%dma_wait3A_91, %dma_wait3A_92] : memref<10112x64xf32, #tpu.memory_space<vmem_shared>> -> memref<10112x64xf32, #tpu.memory_space<vmem_shared>>
      tpu.wait_indirect_dma semaphore(%run_scoped3A_75 : memref<!tpu.dma_semaphore, #tpu.memory_space<semaphore_mem>>) src(%dma_wait3A_87 : memref<80x64xf32, #tpu.memory_space<vmem>>) dst(%dma_wait3A_93 : memref<10112x64xf32, #tpu.memory_space<vmem_shared>>)
      tpu.yield
    }) : () -> ()
    %run_scoped3A_68 = arith.constant 123 : i32
    "tpu.region"() ({
      %run_scoped3A_75 = tpu.sem_alloc : memref<!tpu.dma_semaphore, #tpu.memory_space<semaphore_mem>>
      %dma_start3A_76 = arith.constant 240 : i32
      %dma_start3A_77 = arith.constant 0 : i32
      %dma_start3A_78 = tpu.memref_slice %arg8[%dma_start3A_76, %dma_start3A_77] : memref<400x64xf32, #tpu.memory_space<vmem>> -> memref<80x64xf32, #tpu.memory_space<vmem>>
      %dma_start3A_79 = arith.constant 0 : i32
      %dma_start3A_80 = tpu.memref_slice %arg7[%run_scoped3A_68, %dma_start3A_79] : memref<125x80xi32, #tpu.memory_space<vmem>> -> memref<1x80xi32, #tpu.memory_space<vmem>>
      %dma_start3A_81 = tpu.memref_squeeze %dma_start3A_80 : memref<1x80xi32, #tpu.memory_space<vmem>> -> memref<80xi32, #tpu.memory_space<vmem>>
      %dma_start3A_82 = arith.constant 0 : i32
      %dma_start3A_83 = arith.constant 0 : i32
      %dma_start3A_84 = tpu.memref_slice %arg10[%dma_start3A_82, %dma_start3A_83] : memref<10112x64xf32, #tpu.memory_space<vmem_shared>> -> memref<10112x64xf32, #tpu.memory_space<vmem_shared>>
      tpu.enqueue_indirect_dma source(%dma_start3A_78 : memref<80x64xf32, #tpu.memory_space<vmem>>) target(%dma_start3A_84 : memref<10112x64xf32, #tpu.memory_space<vmem_shared>>) offsets(%dma_start3A_81 : memref<80xi32, #tpu.memory_space<vmem>>) semaphore(%run_scoped3A_75 : memref<!tpu.dma_semaphore, #tpu.memory_space<semaphore_mem>>) {add = true}
      %dma_wait3A_85 = arith.constant 240 : i32
      %dma_wait3A_86 = arith.constant 0 : i32
      %dma_wait3A_87 = tpu.memref_slice %arg8[%dma_wait3A_85, %dma_wait3A_86] : memref<400x64xf32, #tpu.memory_space<vmem>> -> memref<80x64xf32, #tpu.memory_space<vmem>>
      %dma_wait3A_88 = arith.constant 0 : i32
      %dma_wait3A_89 = tpu.memref_slice %arg7[%run_scoped3A_68, %dma_wait3A_88] : memref<125x80xi32, #tpu.memory_space<vmem>> -> memref<1x80xi32, #tpu.memory_space<vmem>>
      %dma_wait3A_90 = tpu.memref_squeeze %dma_wait3A_89 : memref<1x80xi32, #tpu.memory_space<vmem>> -> memref<80xi32, #tpu.memory_space<vmem>>
      %dma_wait3A_91 = arith.constant 0 : i32
      %dma_wait3A_92 = arith.constant 0 : i32
      %dma_wait3A_93 = tpu.memref_slice %arg10[%dma_wait3A_91, %dma_wait3A_92] : memref<10112x64xf32, #tpu.memory_space<vmem_shared>> -> memref<10112x64xf32, #tpu.memory_space<vmem_shared>>
      tpu.wait_indirect_dma semaphore(%run_scoped3A_75 : memref<!tpu.dma_semaphore, #tpu.memory_space<semaphore_mem>>) src(%dma_wait3A_87 : memref<80x64xf32, #tpu.memory_space<vmem>>) dst(%dma_wait3A_93 : memref<10112x64xf32, #tpu.memory_space<vmem_shared>>)
      tpu.yield
    }) : () -> ()
    %run_scoped3A_69 = arith.constant 124 : i32
    "tpu.region"() ({
      %run_scoped3A_75 = tpu.sem_alloc : memref<!tpu.dma_semaphore, #tpu.memory_space<semaphore_mem>>
      %dma_start3A_76 = arith.constant 320 : i32
      %dma_start3A_77 = arith.constant 0 : i32
      %dma_start3A_78 = tpu.memref_slice %arg8[%dma_start3A_76, %dma_start3A_77] : memref<400x64xf32, #tpu.memory_space<vmem>> -> memref<80x64xf32, #tpu.memory_space<vmem>>
      %dma_start3A_79 = arith.constant 0 : i32
      %dma_start3A_80 = tpu.memref_slice %arg7[%run_scoped3A_69, %dma_start3A_79] : memref<125x80xi32, #tpu.memory_space<vmem>> -> memref<1x80xi32, #tpu.memory_space<vmem>>
      %dma_start3A_81 = tpu.memref_squeeze %dma_start3A_80 : memref<1x80xi32, #tpu.memory_space<vmem>> -> memref<80xi32, #tpu.memory_space<vmem>>
      %dma_start3A_82 = arith.constant 0 : i32
      %dma_start3A_83 = arith.constant 0 : i32
      %dma_start3A_84 = tpu.memref_slice %arg10[%dma_start3A_82, %dma_start3A_83] : memref<10112x64xf32, #tpu.memory_space<vmem_shared>> -> memref<10112x64xf32, #tpu.memory_space<vmem_shared>>
      tpu.enqueue_indirect_dma source(%dma_start3A_78 : memref<80x64xf32, #tpu.memory_space<vmem>>) target(%dma_start3A_84 : memref<10112x64xf32, #tpu.memory_space<vmem_shared>>) offsets(%dma_start3A_81 : memref<80xi32, #tpu.memory_space<vmem>>) semaphore(%run_scoped3A_75 : memref<!tpu.dma_semaphore, #tpu.memory_space<semaphore_mem>>) {add = true}
      %dma_wait3A_85 = arith.constant 320 : i32
      %dma_wait3A_86 = arith.constant 0 : i32
      %dma_wait3A_87 = tpu.memref_slice %arg8[%dma_wait3A_85, %dma_wait3A_86] : memref<400x64xf32, #tpu.memory_space<vmem>> -> memref<80x64xf32, #tpu.memory_space<vmem>>
      %dma_wait3A_88 = arith.constant 0 : i32
      %dma_wait3A_89 = tpu.memref_slice %arg7[%run_scoped3A_69, %dma_wait3A_88] : memref<125x80xi32, #tpu.memory_space<vmem>> -> memref<1x80xi32, #tpu.memory_space<vmem>>
      %dma_wait3A_90 = tpu.memref_squeeze %dma_wait3A_89 : memref<1x80xi32, #tpu.memory_space<vmem>> -> memref<80xi32, #tpu.memory_space<vmem>>
      %dma_wait3A_91 = arith.constant 0 : i32
      %dma_wait3A_92 = arith.constant 0 : i32
      %dma_wait3A_93 = tpu.memref_slice %arg10[%dma_wait3A_91, %dma_wait3A_92] : memref<10112x64xf32, #tpu.memory_space<vmem_shared>> -> memref<10112x64xf32, #tpu.memory_space<vmem_shared>>
      tpu.wait_indirect_dma semaphore(%run_scoped3A_75 : memref<!tpu.dma_semaphore, #tpu.memory_space<semaphore_mem>>) src(%dma_wait3A_87 : memref<80x64xf32, #tpu.memory_space<vmem>>) dst(%dma_wait3A_93 : memref<10112x64xf32, #tpu.memory_space<vmem_shared>>)
      tpu.yield
    }) : () -> ()
    %barrier3A_70 = arith.constant 0 : index
    tpu.barrier barrier_id(%barrier3A_70)
    %mul3A_71 = arith.constant 632 : i32
    %mul3A_72 = arith.muli %arg1, %mul3A_71 : i32
    %mul3A_73 = arith.constant 632 : i32
    %mul3A_74 = arith.muli %arg1, %mul3A_73 : i32
    "tpu.region"() ({
      %run_scoped3A_75 = tpu.sem_alloc : memref<!tpu.dma_semaphore, #tpu.memory_space<semaphore_mem>>
      %dma_start3A_76 = arith.constant 0 : i32
      %dma_start3A_77 = tpu.memref_slice %arg5[%arg0, %mul3A_74, %dma_start3A_76] : memref<2x10112x64xf32, #tpu.memory_space<hbm>> -> memref<1x632x64xf32, #tpu.memory_space<hbm>>
      %dma_start3A_78 = tpu.memref_squeeze %dma_start3A_77 : memref<1x632x64xf32, #tpu.memory_space<hbm>> -> memref<632x64xf32, #tpu.memory_space<hbm>>
      %dma_start3A_79 = arith.constant 0 : i32
      %dma_start3A_80 = tpu.memref_slice %arg10[%mul3A_72, %dma_start3A_79] : memref<10112x64xf32, #tpu.memory_space<vmem_shared>> -> memref<632x64xf32, #tpu.memory_space<vmem_shared>>
      tpu.enqueue_dma source(%dma_start3A_80 : memref<632x64xf32, #tpu.memory_space<vmem_shared>>) target(%dma_start3A_78 : memref<632x64xf32, #tpu.memory_space<hbm>>) target_semaphore(%run_scoped3A_75 : memref<!tpu.dma_semaphore, #tpu.memory_space<semaphore_mem>>)
      %dma_wait3A_81 = arith.constant 0 : i32
      %dma_wait3A_82 = tpu.memref_slice %arg5[%arg0, %mul3A_74, %dma_wait3A_81] : memref<2x10112x64xf32, #tpu.memory_space<hbm>> -> memref<1x632x64xf32, #tpu.memory_space<hbm>>
      %dma_wait3A_83 = tpu.memref_squeeze %dma_wait3A_82 : memref<1x632x64xf32, #tpu.memory_space<hbm>> -> memref<632x64xf32, #tpu.memory_space<hbm>>
      %dma_wait3A_84 = arith.constant 0 : i32
      %dma_wait3A_85 = tpu.memref_slice %arg10[%mul3A_72, %dma_wait3A_84] : memref<10112x64xf32, #tpu.memory_space<vmem_shared>> -> memref<632x64xf32, #tpu.memory_space<vmem_shared>>
      tpu.wait_dma2 semaphore(%run_scoped3A_75 : memref<!tpu.dma_semaphore, #tpu.memory_space<semaphore_mem>>) src(%dma_wait3A_85 : memref<632x64xf32, #tpu.memory_space<vmem_shared>>) dst(%dma_wait3A_83 : memref<632x64xf32, #tpu.memory_space<hbm>>)
      tpu.yield
    }) : () -> ()
    return
  }
}

#map = affine_map<(d0, d1) -> (0, 0)>
#map1 = affine_map<(d0, d1) -> (0, 0, 0, 0)>
#map2 = affine_map<(d0, d1) -> (0, 0, 0)>
module attributes {stable_mosaic.version = 14 : i64} {
  func.func @agg(%arg0: i32, %arg1: i32, %arg2: memref<10000x64xf32, #tpu.memory_space<hbm>>, %arg3: memref<2x32x125x80xi32, #tpu.memory_space<hbm>>, %arg4: memref<10112x64xf32, #tpu.memory_space<hbm>>, %arg5: memref<2x10112x64xf32, #tpu.memory_space<hbm>>, %arg6: memref<125x80xi32, #tpu.memory_space<vmem>>, %arg7: memref<125x80xi32, #tpu.memory_space<vmem>>, %arg8: memref<400x64xf32, #tpu.memory_space<vmem>>, %arg9: memref<400x64xf32, #tpu.memory_space<vmem>>, %arg10: memref<10112x64xf32, #tpu.memory_space<vmem_shared>>, %arg11: memref<!tpu.dma_semaphore, #tpu.memory_space<semaphore_mem>>, %arg12: memref<!tpu.dma_semaphore, #tpu.memory_space<semaphore_mem>>) attributes {dimension_semantics = [#tpu.dimension_semantics<core_parallel>, #tpu.dimension_semantics<subcore_parallel>], iteration_bounds = array<i64: 2, 16>, scalar_prefetch = 0 : i64, scratch_operands = 7 : i64, tpu.core_type = #tpu.core_type<sc_vector_subcore>, window_params = [{transform_indices = #map}, {transform_indices = #map1}, {transform_indices = #map}, {transform_indices = #map2}]} {
    %mul3A = arith.constant 16 : i32
    %mul3A_0 = arith.muli %arg0, %mul3A : i32
    %add3A = arith.addi %mul3A_0, %arg1 : i32
    %mul3A_1 = arith.constant 632 : i32
    %mul3A_2 = arith.muli %arg1, %mul3A_1 : i32
    %mul3A_3 = arith.constant 632 : i32
    %mul3A_4 = arith.muli %arg1, %mul3A_3 : i32
    "tpu.region"() ({
      %run_scoped3A_75 = tpu.sem_alloc : memref<!tpu.dma_semaphore, #tpu.memory_space<semaphore_mem>>
      %dma_start3A_76 = arith.constant 0 : i32
      %dma_start3A_77 = tpu.memref_slice %arg10[%mul3A_4, %dma_start3A_76] : memref<10112x64xf32, #tpu.memory_space<vmem_shared>> -> memref<632x64xf32, #tpu.memory_space<vmem_shared>>
      %dma_start3A_78 = arith.constant 0 : i32
      %dma_start3A_79 = tpu.memref_slice %arg4[%mul3A_2, %dma_start3A_78] : memref<10112x64xf32, #tpu.memory_space<hbm>> -> memref<632x64xf32, #tpu.memory_space<hbm>>
      tpu.enqueue_dma source(%dma_start3A_79 : memref<632x64xf32, #tpu.memory_space<hbm>>) target(%dma_start3A_77 : memref<632x64xf32, #tpu.memory_space<vmem_shared>>) target_semaphore(%run_scoped3A_75 : memref<!tpu.dma_semaphore, #tpu.memory_space<semaphore_mem>>)
      %dma_wait3A_80 = arith.constant 0 : i32
      %dma_wait3A_81 = tpu.memref_slice %arg10[%mul3A_4, %dma_wait3A_80] : memref<10112x64xf32, #tpu.memory_space<vmem_shared>> -> memref<632x64xf32, #tpu.memory_space<vmem_shared>>
      %dma_wait3A_82 = arith.constant 0 : i32
      %dma_wait3A_83 = tpu.memref_slice %arg4[%mul3A_2, %dma_wait3A_82] : memref<10112x64xf32, #tpu.memory_space<hbm>> -> memref<632x64xf32, #tpu.memory_space<hbm>>
      tpu.wait_dma2 semaphore(%run_scoped3A_75 : memref<!tpu.dma_semaphore, #tpu.memory_space<semaphore_mem>>) src(%dma_wait3A_83 : memref<632x64xf32, #tpu.memory_space<hbm>>) dst(%dma_wait3A_81 : memref<632x64xf32, #tpu.memory_space<vmem_shared>>)
      tpu.yield
    }) : () -> ()
    %run_scoped3A = arith.constant 0 : i32
    "tpu.region"() ({
      %run_scoped3A_75 = tpu.sem_alloc : memref<!tpu.dma_semaphore, #tpu.memory_space<semaphore_mem>>
      %dma_start3A_76 = arith.constant 0 : i32
      %dma_start3A_77 = arith.constant 0 : i32
      %dma_start3A_78 = tpu.memref_slice %arg3[%run_scoped3A, %add3A, %dma_start3A_76, %dma_start3A_77] : memref<2x32x125x80xi32, #tpu.memory_space<hbm>> -> memref<1x1x125x80xi32, #tpu.memory_space<hbm>>
      %dma_start3A_79 = tpu.memref_squeeze %dma_start3A_78 : memref<1x1x125x80xi32, #tpu.memory_space<hbm>> -> memref<125x80xi32, #tpu.memory_space<hbm>>
      %dma_start3A_80 = arith.constant 0 : i32
      %dma_start3A_81 = arith.constant 0 : i32
      %dma_start3A_82 = tpu.memref_slice %arg3[%run_scoped3A, %add3A, %dma_start3A_80, %dma_start3A_81] : memref<2x32x125x80xi32, #tpu.memory_space<hbm>> -> memref<1x1x125x80xi32, #tpu.memory_space<hbm>>
      %dma_start3A_83 = tpu.memref_squeeze %dma_start3A_82 : memref<1x1x125x80xi32, #tpu.memory_space<hbm>> -> memref<125x80xi32, #tpu.memory_space<hbm>>
      tpu.enqueue_dma source(%dma_start3A_83 : memref<125x80xi32, #tpu.memory_space<hbm>>) target(%arg6 : memref<125x80xi32, #tpu.memory_space<vmem>>) target_semaphore(%run_scoped3A_75 : memref<!tpu.dma_semaphore, #tpu.memory_space<semaphore_mem>>)
      %dma_wait3A_84 = arith.constant 0 : i32
      %dma_wait3A_85 = arith.constant 0 : i32
      %dma_wait3A_86 = tpu.memref_slice %arg3[%run_scoped3A, %add3A, %dma_wait3A_84, %dma_wait3A_85] : memref<2x32x125x80xi32, #tpu.memory_space<hbm>> -> memref<1x1x125x80xi32, #tpu.memory_space<hbm>>
      %dma_wait3A_87 = tpu.memref_squeeze %dma_wait3A_86 : memref<1x1x125x80xi32, #tpu.memory_space<hbm>> -> memref<125x80xi32, #tpu.memory_space<hbm>>
      %dma_wait3A_88 = arith.constant 0 : i32
      %dma_wait3A_89 = arith.constant 0 : i32
      %dma_wait3A_90 = tpu.memref_slice %arg3[%run_scoped3A, %add3A, %dma_wait3A_88, %dma_wait3A_89] : memref<2x32x125x80xi32, #tpu.memory_space<hbm>> -> memref<1x1x125x80xi32, #tpu.memory_space<hbm>>
      %dma_wait3A_91 = tpu.memref_squeeze %dma_wait3A_90 : memref<1x1x125x80xi32, #tpu.memory_space<hbm>> -> memref<125x80xi32, #tpu.memory_space<hbm>>
      tpu.wait_dma2 semaphore(%run_scoped3A_75 : memref<!tpu.dma_semaphore, #tpu.memory_space<semaphore_mem>>) src(%dma_wait3A_91 : memref<125x80xi32, #tpu.memory_space<hbm>>) dst(%arg6 : memref<125x80xi32, #tpu.memory_space<vmem>>)
      tpu.yield
    }) : () -> ()
    %run_scoped3A_5 = arith.constant 1 : i32
    "tpu.region"() ({
      %run_scoped3A_75 = tpu.sem_alloc : memref<!tpu.dma_semaphore, #tpu.memory_space<semaphore_mem>>
      %dma_start3A_76 = arith.constant 0 : i32
      %dma_start3A_77 = arith.constant 0 : i32
      %dma_start3A_78 = tpu.memref_slice %arg3[%run_scoped3A_5, %add3A, %dma_start3A_76, %dma_start3A_77] : memref<2x32x125x80xi32, #tpu.memory_space<hbm>> -> memref<1x1x125x80xi32, #tpu.memory_space<hbm>>
      %dma_start3A_79 = tpu.memref_squeeze %dma_start3A_78 : memref<1x1x125x80xi32, #tpu.memory_space<hbm>> -> memref<125x80xi32, #tpu.memory_space<hbm>>
      %dma_start3A_80 = arith.constant 0 : i32
      %dma_start3A_81 = arith.constant 0 : i32
      %dma_start3A_82 = tpu.memref_slice %arg3[%run_scoped3A_5, %add3A, %dma_start3A_80, %dma_start3A_81] : memref<2x32x125x80xi32, #tpu.memory_space<hbm>> -> memref<1x1x125x80xi32, #tpu.memory_space<hbm>>
      %dma_start3A_83 = tpu.memref_squeeze %dma_start3A_82 : memref<1x1x125x80xi32, #tpu.memory_space<hbm>> -> memref<125x80xi32, #tpu.memory_space<hbm>>
      tpu.enqueue_dma source(%dma_start3A_83 : memref<125x80xi32, #tpu.memory_space<hbm>>) target(%arg7 : memref<125x80xi32, #tpu.memory_space<vmem>>) target_semaphore(%run_scoped3A_75 : memref<!tpu.dma_semaphore, #tpu.memory_space<semaphore_mem>>)
      %dma_wait3A_84 = arith.constant 0 : i32
      %dma_wait3A_85 = arith.constant 0 : i32
      %dma_wait3A_86 = tpu.memref_slice %arg3[%run_scoped3A_5, %add3A, %dma_wait3A_84, %dma_wait3A_85] : memref<2x32x125x80xi32, #tpu.memory_space<hbm>> -> memref<1x1x125x80xi32, #tpu.memory_space<hbm>>
      %dma_wait3A_87 = tpu.memref_squeeze %dma_wait3A_86 : memref<1x1x125x80xi32, #tpu.memory_space<hbm>> -> memref<125x80xi32, #tpu.memory_space<hbm>>
      %dma_wait3A_88 = arith.constant 0 : i32
      %dma_wait3A_89 = arith.constant 0 : i32
      %dma_wait3A_90 = tpu.memref_slice %arg3[%run_scoped3A_5, %add3A, %dma_wait3A_88, %dma_wait3A_89] : memref<2x32x125x80xi32, #tpu.memory_space<hbm>> -> memref<1x1x125x80xi32, #tpu.memory_space<hbm>>
      %dma_wait3A_91 = tpu.memref_squeeze %dma_wait3A_90 : memref<1x1x125x80xi32, #tpu.memory_space<hbm>> -> memref<125x80xi32, #tpu.memory_space<hbm>>
      tpu.wait_dma2 semaphore(%run_scoped3A_75 : memref<!tpu.dma_semaphore, #tpu.memory_space<semaphore_mem>>) src(%dma_wait3A_91 : memref<125x80xi32, #tpu.memory_space<hbm>>) dst(%arg7 : memref<125x80xi32, #tpu.memory_space<vmem>>)
      tpu.yield
    }) : () -> ()
    %barrier3A = arith.constant 0 : index
    tpu.barrier barrier_id(%barrier3A)
    %dma_start3A = arith.constant 0 : i32
    %dma_start3A_6 = arith.constant 0 : i32
    %dma_start3A_7 = arith.constant 0 : i32
    %dma_start3A_8 = tpu.memref_slice %arg8[%dma_start3A_6, %dma_start3A_7] : memref<400x64xf32, #tpu.memory_space<vmem>> -> memref<80x64xf32, #tpu.memory_space<vmem>>
    %dma_start3A_9 = arith.constant 0 : i32
    %dma_start3A_10 = tpu.memref_slice %arg6[%dma_start3A, %dma_start3A_9] : memref<125x80xi32, #tpu.memory_space<vmem>> -> memref<1x80xi32, #tpu.memory_space<vmem>>
    %dma_start3A_11 = tpu.memref_squeeze %dma_start3A_10 : memref<1x80xi32, #tpu.memory_space<vmem>> -> memref<80xi32, #tpu.memory_space<vmem>>
    %dma_start3A_12 = arith.constant 0 : i32
    %dma_start3A_13 = arith.constant 0 : i32
    %dma_start3A_14 = tpu.memref_slice %arg2[%dma_start3A_12, %dma_start3A_13] : memref<10000x64xf32, #tpu.memory_space<hbm>> -> memref<10000x64xf32, #tpu.memory_space<hbm>>
    tpu.enqueue_indirect_dma source(%dma_start3A_14 : memref<10000x64xf32, #tpu.memory_space<hbm>>) target(%dma_start3A_8 : memref<80x64xf32, #tpu.memory_space<vmem>>) offsets(%dma_start3A_11 : memref<80xi32, #tpu.memory_space<vmem>>) semaphore(%arg11 : memref<!tpu.dma_semaphore, #tpu.memory_space<semaphore_mem>>)
    %dma_start3A_15 = arith.constant 1 : i32
    %dma_start3A_16 = arith.constant 80 : i32
    %dma_start3A_17 = arith.constant 0 : i32
    %dma_start3A_18 = tpu.memref_slice %arg8[%dma_start3A_16, %dma_start3A_17] : memref<400x64xf32, #tpu.memory_space<vmem>> -> memref<80x64xf32, #tpu.memory_space<vmem>>
    %dma_start3A_19 = arith.constant 0 : i32
    %dma_start3A_20 = tpu.memref_slice %arg6[%dma_start3A_15, %dma_start3A_19] : memref<125x80xi32, #tpu.memory_space<vmem>> -> memref<1x80xi32, #tpu.memory_space<vmem>>
    %dma_start3A_21 = tpu.memref_squeeze %dma_start3A_20 : memref<1x80xi32, #tpu.memory_space<vmem>> -> memref<80xi32, #tpu.memory_space<vmem>>
    %dma_start3A_22 = arith.constant 0 : i32
    %dma_start3A_23 = arith.constant 0 : i32
    %dma_start3A_24 = tpu.memref_slice %arg2[%dma_start3A_22, %dma_start3A_23] : memref<10000x64xf32, #tpu.memory_space<hbm>> -> memref<10000x64xf32, #tpu.memory_space<hbm>>
    tpu.enqueue_indirect_dma source(%dma_start3A_24 : memref<10000x64xf32, #tpu.memory_space<hbm>>) target(%dma_start3A_18 : memref<80x64xf32, #tpu.memory_space<vmem>>) offsets(%dma_start3A_21 : memref<80xi32, #tpu.memory_space<vmem>>) semaphore(%arg11 : memref<!tpu.dma_semaphore, #tpu.memory_space<semaphore_mem>>)
    %dma_start3A_25 = arith.constant 2 : i32
    %dma_start3A_26 = arith.constant 160 : i32
    %dma_start3A_27 = arith.constant 0 : i32
    %dma_start3A_28 = tpu.memref_slice %arg8[%dma_start3A_26, %dma_start3A_27] : memref<400x64xf32, #tpu.memory_space<vmem>> -> memref<80x64xf32, #tpu.memory_space<vmem>>
    %dma_start3A_29 = arith.constant 0 : i32
    %dma_start3A_30 = tpu.memref_slice %arg6[%dma_start3A_25, %dma_start3A_29] : memref<125x80xi32, #tpu.memory_space<vmem>> -> memref<1x80xi32, #tpu.memory_space<vmem>>
    %dma_start3A_31 = tpu.memref_squeeze %dma_start3A_30 : memref<1x80xi32, #tpu.memory_space<vmem>> -> memref<80xi32, #tpu.memory_space<vmem>>
    %dma_start3A_32 = arith.constant 0 : i32
    %dma_start3A_33 = arith.constant 0 : i32
    %dma_start3A_34 = tpu.memref_slice %arg2[%dma_start3A_32, %dma_start3A_33] : memref<10000x64xf32, #tpu.memory_space<hbm>> -> memref<10000x64xf32, #tpu.memory_space<hbm>>
    tpu.enqueue_indirect_dma source(%dma_start3A_34 : memref<10000x64xf32, #tpu.memory_space<hbm>>) target(%dma_start3A_28 : memref<80x64xf32, #tpu.memory_space<vmem>>) offsets(%dma_start3A_31 : memref<80xi32, #tpu.memory_space<vmem>>) semaphore(%arg11 : memref<!tpu.dma_semaphore, #tpu.memory_space<semaphore_mem>>)
    %dma_start3A_35 = arith.constant 3 : i32
    %dma_start3A_36 = arith.constant 240 : i32
    %dma_start3A_37 = arith.constant 0 : i32
    %dma_start3A_38 = tpu.memref_slice %arg8[%dma_start3A_36, %dma_start3A_37] : memref<400x64xf32, #tpu.memory_space<vmem>> -> memref<80x64xf32, #tpu.memory_space<vmem>>
    %dma_start3A_39 = arith.constant 0 : i32
    %dma_start3A_40 = tpu.memref_slice %arg6[%dma_start3A_35, %dma_start3A_39] : memref<125x80xi32, #tpu.memory_space<vmem>> -> memref<1x80xi32, #tpu.memory_space<vmem>>
    %dma_start3A_41 = tpu.memref_squeeze %dma_start3A_40 : memref<1x80xi32, #tpu.memory_space<vmem>> -> memref<80xi32, #tpu.memory_space<vmem>>
    %dma_start3A_42 = arith.constant 0 : i32
    %dma_start3A_43 = arith.constant 0 : i32
    %dma_start3A_44 = tpu.memref_slice %arg2[%dma_start3A_42, %dma_start3A_43] : memref<10000x64xf32, #tpu.memory_space<hbm>> -> memref<10000x64xf32, #tpu.memory_space<hbm>>
    tpu.enqueue_indirect_dma source(%dma_start3A_44 : memref<10000x64xf32, #tpu.memory_space<hbm>>) target(%dma_start3A_38 : memref<80x64xf32, #tpu.memory_space<vmem>>) offsets(%dma_start3A_41 : memref<80xi32, #tpu.memory_space<vmem>>) semaphore(%arg11 : memref<!tpu.dma_semaphore, #tpu.memory_space<semaphore_mem>>)
    %dma_start3A_45 = arith.constant 4 : i32
    %dma_start3A_46 = arith.constant 320 : i32
    %dma_start3A_47 = arith.constant 0 : i32
    %dma_start3A_48 = tpu.memref_slice %arg8[%dma_start3A_46, %dma_start3A_47] : memref<400x64xf32, #tpu.memory_space<vmem>> -> memref<80x64xf32, #tpu.memory_space<vmem>>
    %dma_start3A_49 = arith.constant 0 : i32
    %dma_start3A_50 = tpu.memref_slice %arg6[%dma_start3A_45, %dma_start3A_49] : memref<125x80xi32, #tpu.memory_space<vmem>> -> memref<1x80xi32, #tpu.memory_space<vmem>>
    %dma_start3A_51 = tpu.memref_squeeze %dma_start3A_50 : memref<1x80xi32, #tpu.memory_space<vmem>> -> memref<80xi32, #tpu.memory_space<vmem>>
    %dma_start3A_52 = arith.constant 0 : i32
    %dma_start3A_53 = arith.constant 0 : i32
    %dma_start3A_54 = tpu.memref_slice %arg2[%dma_start3A_52, %dma_start3A_53] : memref<10000x64xf32, #tpu.memory_space<hbm>> -> memref<10000x64xf32, #tpu.memory_space<hbm>>
    tpu.enqueue_indirect_dma source(%dma_start3A_54 : memref<10000x64xf32, #tpu.memory_space<hbm>>) target(%dma_start3A_48 : memref<80x64xf32, #tpu.memory_space<vmem>>) offsets(%dma_start3A_51 : memref<80xi32, #tpu.memory_space<vmem>>) semaphore(%arg11 : memref<!tpu.dma_semaphore, #tpu.memory_space<semaphore_mem>>)
    %scan3A = arith.constant 0 : i32
    %scan3A_55 = arith.constant 0 : i32
    %scan3A_56 = arith.constant 12 : i32
    %scan3A_57 = arith.addi %scan3A_55, %scan3A_56 : i32
    %scan3A_58 = arith.constant 1 : i32
    scf.for %scan3A_75 = %scan3A_55 to %scan3A_57 step %scan3A_58  : i32 {
      %mul3A_76 = arith.constant 2 : i32
      %mul3A_77 = arith.muli %mul3A_76, %scan3A_75 : i32
      %add3A_78 = arith.constant 1 : i32
      %add3A_79 = arith.addi %mul3A_77, %add3A_78 : i32
      %mul3A_80 = arith.constant 5 : i32
      %mul3A_81 = arith.muli %add3A_79, %mul3A_80 : i32
      %add3A_82 = arith.constant 0 : i32
      %add3A_83 = arith.addi %mul3A_81, %add3A_82 : i32
      %dma_start3A_84 = arith.constant 0 : i32
      %dma_start3A_85 = arith.constant 0 : i32
      %dma_start3A_86 = tpu.memref_slice %arg9[%dma_start3A_84, %dma_start3A_85] : memref<400x64xf32, #tpu.memory_space<vmem>> -> memref<80x64xf32, #tpu.memory_space<vmem>>
      %dma_start3A_87 = arith.constant 0 : i32
      %dma_start3A_88 = tpu.memref_slice %arg6[%add3A_83, %dma_start3A_87] : memref<125x80xi32, #tpu.memory_space<vmem>> -> memref<1x80xi32, #tpu.memory_space<vmem>>
      %dma_start3A_89 = tpu.memref_squeeze %dma_start3A_88 : memref<1x80xi32, #tpu.memory_space<vmem>> -> memref<80xi32, #tpu.memory_space<vmem>>
      %dma_start3A_90 = arith.constant 0 : i32
      %dma_start3A_91 = arith.constant 0 : i32
      %dma_start3A_92 = tpu.memref_slice %arg2[%dma_start3A_90, %dma_start3A_91] : memref<10000x64xf32, #tpu.memory_space<hbm>> -> memref<10000x64xf32, #tpu.memory_space<hbm>>
      tpu.enqueue_indirect_dma source(%dma_start3A_92 : memref<10000x64xf32, #tpu.memory_space<hbm>>) target(%dma_start3A_86 : memref<80x64xf32, #tpu.memory_space<vmem>>) offsets(%dma_start3A_89 : memref<80xi32, #tpu.memory_space<vmem>>) semaphore(%arg12 : memref<!tpu.dma_semaphore, #tpu.memory_space<semaphore_mem>>)
      %mul3A_93 = arith.constant 5 : i32
      %mul3A_94 = arith.muli %add3A_79, %mul3A_93 : i32
      %add3A_95 = arith.constant 1 : i32
      %add3A_96 = arith.addi %mul3A_94, %add3A_95 : i32
      %dma_start3A_97 = arith.constant 80 : i32
      %dma_start3A_98 = arith.constant 0 : i32
      %dma_start3A_99 = tpu.memref_slice %arg9[%dma_start3A_97, %dma_start3A_98] : memref<400x64xf32, #tpu.memory_space<vmem>> -> memref<80x64xf32, #tpu.memory_space<vmem>>
      %dma_start3A_100 = arith.constant 0 : i32
      %dma_start3A_101 = tpu.memref_slice %arg6[%add3A_96, %dma_start3A_100] : memref<125x80xi32, #tpu.memory_space<vmem>> -> memref<1x80xi32, #tpu.memory_space<vmem>>
      %dma_start3A_102 = tpu.memref_squeeze %dma_start3A_101 : memref<1x80xi32, #tpu.memory_space<vmem>> -> memref<80xi32, #tpu.memory_space<vmem>>
      %dma_start3A_103 = arith.constant 0 : i32
      %dma_start3A_104 = arith.constant 0 : i32
      %dma_start3A_105 = tpu.memref_slice %arg2[%dma_start3A_103, %dma_start3A_104] : memref<10000x64xf32, #tpu.memory_space<hbm>> -> memref<10000x64xf32, #tpu.memory_space<hbm>>
      tpu.enqueue_indirect_dma source(%dma_start3A_105 : memref<10000x64xf32, #tpu.memory_space<hbm>>) target(%dma_start3A_99 : memref<80x64xf32, #tpu.memory_space<vmem>>) offsets(%dma_start3A_102 : memref<80xi32, #tpu.memory_space<vmem>>) semaphore(%arg12 : memref<!tpu.dma_semaphore, #tpu.memory_space<semaphore_mem>>)
      %mul3A_106 = arith.constant 5 : i32
      %mul3A_107 = arith.muli %add3A_79, %mul3A_106 : i32
      %add3A_108 = arith.constant 2 : i32
      %add3A_109 = arith.addi %mul3A_107, %add3A_108 : i32
      %dma_start3A_110 = arith.constant 160 : i32
      %dma_start3A_111 = arith.constant 0 : i32
      %dma_start3A_112 = tpu.memref_slice %arg9[%dma_start3A_110, %dma_start3A_111] : memref<400x64xf32, #tpu.memory_space<vmem>> -> memref<80x64xf32, #tpu.memory_space<vmem>>
      %dma_start3A_113 = arith.constant 0 : i32
      %dma_start3A_114 = tpu.memref_slice %arg6[%add3A_109, %dma_start3A_113] : memref<125x80xi32, #tpu.memory_space<vmem>> -> memref<1x80xi32, #tpu.memory_space<vmem>>
      %dma_start3A_115 = tpu.memref_squeeze %dma_start3A_114 : memref<1x80xi32, #tpu.memory_space<vmem>> -> memref<80xi32, #tpu.memory_space<vmem>>
      %dma_start3A_116 = arith.constant 0 : i32
      %dma_start3A_117 = arith.constant 0 : i32
      %dma_start3A_118 = tpu.memref_slice %arg2[%dma_start3A_116, %dma_start3A_117] : memref<10000x64xf32, #tpu.memory_space<hbm>> -> memref<10000x64xf32, #tpu.memory_space<hbm>>
      tpu.enqueue_indirect_dma source(%dma_start3A_118 : memref<10000x64xf32, #tpu.memory_space<hbm>>) target(%dma_start3A_112 : memref<80x64xf32, #tpu.memory_space<vmem>>) offsets(%dma_start3A_115 : memref<80xi32, #tpu.memory_space<vmem>>) semaphore(%arg12 : memref<!tpu.dma_semaphore, #tpu.memory_space<semaphore_mem>>)
      %mul3A_119 = arith.constant 5 : i32
      %mul3A_120 = arith.muli %add3A_79, %mul3A_119 : i32
      %add3A_121 = arith.constant 3 : i32
      %add3A_122 = arith.addi %mul3A_120, %add3A_121 : i32
      %dma_start3A_123 = arith.constant 240 : i32
      %dma_start3A_124 = arith.constant 0 : i32
      %dma_start3A_125 = tpu.memref_slice %arg9[%dma_start3A_123, %dma_start3A_124] : memref<400x64xf32, #tpu.memory_space<vmem>> -> memref<80x64xf32, #tpu.memory_space<vmem>>
      %dma_start3A_126 = arith.constant 0 : i32
      %dma_start3A_127 = tpu.memref_slice %arg6[%add3A_122, %dma_start3A_126] : memref<125x80xi32, #tpu.memory_space<vmem>> -> memref<1x80xi32, #tpu.memory_space<vmem>>
      %dma_start3A_128 = tpu.memref_squeeze %dma_start3A_127 : memref<1x80xi32, #tpu.memory_space<vmem>> -> memref<80xi32, #tpu.memory_space<vmem>>
      %dma_start3A_129 = arith.constant 0 : i32
      %dma_start3A_130 = arith.constant 0 : i32
      %dma_start3A_131 = tpu.memref_slice %arg2[%dma_start3A_129, %dma_start3A_130] : memref<10000x64xf32, #tpu.memory_space<hbm>> -> memref<10000x64xf32, #tpu.memory_space<hbm>>
      tpu.enqueue_indirect_dma source(%dma_start3A_131 : memref<10000x64xf32, #tpu.memory_space<hbm>>) target(%dma_start3A_125 : memref<80x64xf32, #tpu.memory_space<vmem>>) offsets(%dma_start3A_128 : memref<80xi32, #tpu.memory_space<vmem>>) semaphore(%arg12 : memref<!tpu.dma_semaphore, #tpu.memory_space<semaphore_mem>>)
      %mul3A_132 = arith.constant 5 : i32
      %mul3A_133 = arith.muli %add3A_79, %mul3A_132 : i32
      %add3A_134 = arith.constant 4 : i32
      %add3A_135 = arith.addi %mul3A_133, %add3A_134 : i32
      %dma_start3A_136 = arith.constant 320 : i32
      %dma_start3A_137 = arith.constant 0 : i32
      %dma_start3A_138 = tpu.memref_slice %arg9[%dma_start3A_136, %dma_start3A_137] : memref<400x64xf32, #tpu.memory_space<vmem>> -> memref<80x64xf32, #tpu.memory_space<vmem>>
      %dma_start3A_139 = arith.constant 0 : i32
      %dma_start3A_140 = tpu.memref_slice %arg6[%add3A_135, %dma_start3A_139] : memref<125x80xi32, #tpu.memory_space<vmem>> -> memref<1x80xi32, #tpu.memory_space<vmem>>
      %dma_start3A_141 = tpu.memref_squeeze %dma_start3A_140 : memref<1x80xi32, #tpu.memory_space<vmem>> -> memref<80xi32, #tpu.memory_space<vmem>>
      %dma_start3A_142 = arith.constant 0 : i32
      %dma_start3A_143 = arith.constant 0 : i32
      %dma_start3A_144 = tpu.memref_slice %arg2[%dma_start3A_142, %dma_start3A_143] : memref<10000x64xf32, #tpu.memory_space<hbm>> -> memref<10000x64xf32, #tpu.memory_space<hbm>>
      tpu.enqueue_indirect_dma source(%dma_start3A_144 : memref<10000x64xf32, #tpu.memory_space<hbm>>) target(%dma_start3A_138 : memref<80x64xf32, #tpu.memory_space<vmem>>) offsets(%dma_start3A_141 : memref<80xi32, #tpu.memory_space<vmem>>) semaphore(%arg12 : memref<!tpu.dma_semaphore, #tpu.memory_space<semaphore_mem>>)
      %dma_wait3A_145 = arith.constant 0 : i32
      %dma_wait3A_146 = arith.constant 0 : i32
      %dma_wait3A_147 = tpu.memref_slice %arg2[%dma_wait3A_145, %dma_wait3A_146] : memref<10000x64xf32, #tpu.memory_space<hbm>> -> memref<400x64xf32, #tpu.memory_space<hbm>>
      %dma_wait3A_148 = arith.constant 0 : i32
      %dma_wait3A_149 = arith.constant 0 : i32
      %dma_wait3A_150 = tpu.memref_slice %arg2[%dma_wait3A_148, %dma_wait3A_149] : memref<10000x64xf32, #tpu.memory_space<hbm>> -> memref<400x64xf32, #tpu.memory_space<hbm>>
      tpu.wait_dma2 semaphore(%arg11 : memref<!tpu.dma_semaphore, #tpu.memory_space<semaphore_mem>>) src(%dma_wait3A_150 : memref<400x64xf32, #tpu.memory_space<hbm>>) dst(%arg8 : memref<400x64xf32, #tpu.memory_space<vmem>>)
      %mul3A_151 = arith.constant 5 : i32
      %mul3A_152 = arith.muli %mul3A_77, %mul3A_151 : i32
      %add3A_153 = arith.constant 0 : i32
      %add3A_154 = arith.addi %mul3A_152, %add3A_153 : i32
      "tpu.region"() ({
        %run_scoped3A_266 = tpu.sem_alloc : memref<!tpu.dma_semaphore, #tpu.memory_space<semaphore_mem>>
        %dma_start3A_267 = arith.constant 0 : i32
        %dma_start3A_268 = arith.constant 0 : i32
        %dma_start3A_269 = tpu.memref_slice %arg8[%dma_start3A_267, %dma_start3A_268] : memref<400x64xf32, #tpu.memory_space<vmem>> -> memref<80x64xf32, #tpu.memory_space<vmem>>
        %dma_start3A_270 = arith.constant 0 : i32
        %dma_start3A_271 = tpu.memref_slice %arg7[%add3A_154, %dma_start3A_270] : memref<125x80xi32, #tpu.memory_space<vmem>> -> memref<1x80xi32, #tpu.memory_space<vmem>>
        %dma_start3A_272 = tpu.memref_squeeze %dma_start3A_271 : memref<1x80xi32, #tpu.memory_space<vmem>> -> memref<80xi32, #tpu.memory_space<vmem>>
        %dma_start3A_273 = arith.constant 0 : i32
        %dma_start3A_274 = arith.constant 0 : i32
        %dma_start3A_275 = tpu.memref_slice %arg10[%dma_start3A_273, %dma_start3A_274] : memref<10112x64xf32, #tpu.memory_space<vmem_shared>> -> memref<10112x64xf32, #tpu.memory_space<vmem_shared>>
        tpu.enqueue_indirect_dma source(%dma_start3A_269 : memref<80x64xf32, #tpu.memory_space<vmem>>) target(%dma_start3A_275 : memref<10112x64xf32, #tpu.memory_space<vmem_shared>>) offsets(%dma_start3A_272 : memref<80xi32, #tpu.memory_space<vmem>>) semaphore(%run_scoped3A_266 : memref<!tpu.dma_semaphore, #tpu.memory_space<semaphore_mem>>) {add = true}
        %dma_wait3A_276 = arith.constant 0 : i32
        %dma_wait3A_277 = arith.constant 0 : i32
        %dma_wait3A_278 = tpu.memref_slice %arg8[%dma_wait3A_276, %dma_wait3A_277] : memref<400x64xf32, #tpu.memory_space<vmem>> -> memref<80x64xf32, #tpu.memory_space<vmem>>
        %dma_wait3A_279 = arith.constant 0 : i32
        %dma_wait3A_280 = tpu.memref_slice %arg7[%add3A_154, %dma_wait3A_279] : memref<125x80xi32, #tpu.memory_space<vmem>> -> memref<1x80xi32, #tpu.memory_space<vmem>>
        %dma_wait3A_281 = tpu.memref_squeeze %dma_wait3A_280 : memref<1x80xi32, #tpu.memory_space<vmem>> -> memref<80xi32, #tpu.memory_space<vmem>>
        %dma_wait3A_282 = arith.constant 0 : i32
        %dma_wait3A_283 = arith.constant 0 : i32
        %dma_wait3A_284 = tpu.memref_slice %arg10[%dma_wait3A_282, %dma_wait3A_283] : memref<10112x64xf32, #tpu.memory_space<vmem_shared>> -> memref<10112x64xf32, #tpu.memory_space<vmem_shared>>
        tpu.wait_indirect_dma semaphore(%run_scoped3A_266 : memref<!tpu.dma_semaphore, #tpu.memory_space<semaphore_mem>>) src(%dma_wait3A_278 : memref<80x64xf32, #tpu.memory_space<vmem>>) dst(%dma_wait3A_284 : memref<10112x64xf32, #tpu.memory_space<vmem_shared>>)
        tpu.yield
      }) : () -> ()
      %mul3A_155 = arith.constant 5 : i32
      %mul3A_156 = arith.muli %mul3A_77, %mul3A_155 : i32
      %add3A_157 = arith.constant 1 : i32
      %add3A_158 = arith.addi %mul3A_156, %add3A_157 : i32
      "tpu.region"() ({
        %run_scoped3A_266 = tpu.sem_alloc : memref<!tpu.dma_semaphore, #tpu.memory_space<semaphore_mem>>
        %dma_start3A_267 = arith.constant 80 : i32
        %dma_start3A_268 = arith.constant 0 : i32
        %dma_start3A_269 = tpu.memref_slice %arg8[%dma_start3A_267, %dma_start3A_268] : memref<400x64xf32, #tpu.memory_space<vmem>> -> memref<80x64xf32, #tpu.memory_space<vmem>>
        %dma_start3A_270 = arith.constant 0 : i32
        %dma_start3A_271 = tpu.memref_slice %arg7[%add3A_158, %dma_start3A_270] : memref<125x80xi32, #tpu.memory_space<vmem>> -> memref<1x80xi32, #tpu.memory_space<vmem>>
        %dma_start3A_272 = tpu.memref_squeeze %dma_start3A_271 : memref<1x80xi32, #tpu.memory_space<vmem>> -> memref<80xi32, #tpu.memory_space<vmem>>
        %dma_start3A_273 = arith.constant 0 : i32
        %dma_start3A_274 = arith.constant 0 : i32
        %dma_start3A_275 = tpu.memref_slice %arg10[%dma_start3A_273, %dma_start3A_274] : memref<10112x64xf32, #tpu.memory_space<vmem_shared>> -> memref<10112x64xf32, #tpu.memory_space<vmem_shared>>
        tpu.enqueue_indirect_dma source(%dma_start3A_269 : memref<80x64xf32, #tpu.memory_space<vmem>>) target(%dma_start3A_275 : memref<10112x64xf32, #tpu.memory_space<vmem_shared>>) offsets(%dma_start3A_272 : memref<80xi32, #tpu.memory_space<vmem>>) semaphore(%run_scoped3A_266 : memref<!tpu.dma_semaphore, #tpu.memory_space<semaphore_mem>>) {add = true}
        %dma_wait3A_276 = arith.constant 80 : i32
        %dma_wait3A_277 = arith.constant 0 : i32
        %dma_wait3A_278 = tpu.memref_slice %arg8[%dma_wait3A_276, %dma_wait3A_277] : memref<400x64xf32, #tpu.memory_space<vmem>> -> memref<80x64xf32, #tpu.memory_space<vmem>>
        %dma_wait3A_279 = arith.constant 0 : i32
        %dma_wait3A_280 = tpu.memref_slice %arg7[%add3A_158, %dma_wait3A_279] : memref<125x80xi32, #tpu.memory_space<vmem>> -> memref<1x80xi32, #tpu.memory_space<vmem>>
        %dma_wait3A_281 = tpu.memref_squeeze %dma_wait3A_280 : memref<1x80xi32, #tpu.memory_space<vmem>> -> memref<80xi32, #tpu.memory_space<vmem>>
        %dma_wait3A_282 = arith.constant 0 : i32
        %dma_wait3A_283 = arith.constant 0 : i32
        %dma_wait3A_284 = tpu.memref_slice %arg10[%dma_wait3A_282, %dma_wait3A_283] : memref<10112x64xf32, #tpu.memory_space<vmem_shared>> -> memref<10112x64xf32, #tpu.memory_space<vmem_shared>>
        tpu.wait_indirect_dma semaphore(%run_scoped3A_266 : memref<!tpu.dma_semaphore, #tpu.memory_space<semaphore_mem>>) src(%dma_wait3A_278 : memref<80x64xf32, #tpu.memory_space<vmem>>) dst(%dma_wait3A_284 : memref<10112x64xf32, #tpu.memory_space<vmem_shared>>)
        tpu.yield
      }) : () -> ()
      %mul3A_159 = arith.constant 5 : i32
      %mul3A_160 = arith.muli %mul3A_77, %mul3A_159 : i32
      %add3A_161 = arith.constant 2 : i32
      %add3A_162 = arith.addi %mul3A_160, %add3A_161 : i32
      "tpu.region"() ({
        %run_scoped3A_266 = tpu.sem_alloc : memref<!tpu.dma_semaphore, #tpu.memory_space<semaphore_mem>>
        %dma_start3A_267 = arith.constant 160 : i32
        %dma_start3A_268 = arith.constant 0 : i32
        %dma_start3A_269 = tpu.memref_slice %arg8[%dma_start3A_267, %dma_start3A_268] : memref<400x64xf32, #tpu.memory_space<vmem>> -> memref<80x64xf32, #tpu.memory_space<vmem>>
        %dma_start3A_270 = arith.constant 0 : i32
        %dma_start3A_271 = tpu.memref_slice %arg7[%add3A_162, %dma_start3A_270] : memref<125x80xi32, #tpu.memory_space<vmem>> -> memref<1x80xi32, #tpu.memory_space<vmem>>
        %dma_start3A_272 = tpu.memref_squeeze %dma_start3A_271 : memref<1x80xi32, #tpu.memory_space<vmem>> -> memref<80xi32, #tpu.memory_space<vmem>>
        %dma_start3A_273 = arith.constant 0 : i32
        %dma_start3A_274 = arith.constant 0 : i32
        %dma_start3A_275 = tpu.memref_slice %arg10[%dma_start3A_273, %dma_start3A_274] : memref<10112x64xf32, #tpu.memory_space<vmem_shared>> -> memref<10112x64xf32, #tpu.memory_space<vmem_shared>>
        tpu.enqueue_indirect_dma source(%dma_start3A_269 : memref<80x64xf32, #tpu.memory_space<vmem>>) target(%dma_start3A_275 : memref<10112x64xf32, #tpu.memory_space<vmem_shared>>) offsets(%dma_start3A_272 : memref<80xi32, #tpu.memory_space<vmem>>) semaphore(%run_scoped3A_266 : memref<!tpu.dma_semaphore, #tpu.memory_space<semaphore_mem>>) {add = true}
        %dma_wait3A_276 = arith.constant 160 : i32
        %dma_wait3A_277 = arith.constant 0 : i32
        %dma_wait3A_278 = tpu.memref_slice %arg8[%dma_wait3A_276, %dma_wait3A_277] : memref<400x64xf32, #tpu.memory_space<vmem>> -> memref<80x64xf32, #tpu.memory_space<vmem>>
        %dma_wait3A_279 = arith.constant 0 : i32
        %dma_wait3A_280 = tpu.memref_slice %arg7[%add3A_162, %dma_wait3A_279] : memref<125x80xi32, #tpu.memory_space<vmem>> -> memref<1x80xi32, #tpu.memory_space<vmem>>
        %dma_wait3A_281 = tpu.memref_squeeze %dma_wait3A_280 : memref<1x80xi32, #tpu.memory_space<vmem>> -> memref<80xi32, #tpu.memory_space<vmem>>
        %dma_wait3A_282 = arith.constant 0 : i32
        %dma_wait3A_283 = arith.constant 0 : i32
        %dma_wait3A_284 = tpu.memref_slice %arg10[%dma_wait3A_282, %dma_wait3A_283] : memref<10112x64xf32, #tpu.memory_space<vmem_shared>> -> memref<10112x64xf32, #tpu.memory_space<vmem_shared>>
        tpu.wait_indirect_dma semaphore(%run_scoped3A_266 : memref<!tpu.dma_semaphore, #tpu.memory_space<semaphore_mem>>) src(%dma_wait3A_278 : memref<80x64xf32, #tpu.memory_space<vmem>>) dst(%dma_wait3A_284 : memref<10112x64xf32, #tpu.memory_space<vmem_shared>>)
        tpu.yield
      }) : () -> ()
      %mul3A_163 = arith.constant 5 : i32
      %mul3A_164 = arith.muli %mul3A_77, %mul3A_163 : i32
      %add3A_165 = arith.constant 3 : i32
      %add3A_166 = arith.addi %mul3A_164, %add3A_165 : i32
      "tpu.region"() ({
        %run_scoped3A_266 = tpu.sem_alloc : memref<!tpu.dma_semaphore, #tpu.memory_space<semaphore_mem>>
        %dma_start3A_267 = arith.constant 240 : i32
        %dma_start3A_268 = arith.constant 0 : i32
        %dma_start3A_269 = tpu.memref_slice %arg8[%dma_start3A_267, %dma_start3A_268] : memref<400x64xf32, #tpu.memory_space<vmem>> -> memref<80x64xf32, #tpu.memory_space<vmem>>
        %dma_start3A_270 = arith.constant 0 : i32
        %dma_start3A_271 = tpu.memref_slice %arg7[%add3A_166, %dma_start3A_270] : memref<125x80xi32, #tpu.memory_space<vmem>> -> memref<1x80xi32, #tpu.memory_space<vmem>>
        %dma_start3A_272 = tpu.memref_squeeze %dma_start3A_271 : memref<1x80xi32, #tpu.memory_space<vmem>> -> memref<80xi32, #tpu.memory_space<vmem>>
        %dma_start3A_273 = arith.constant 0 : i32
        %dma_start3A_274 = arith.constant 0 : i32
        %dma_start3A_275 = tpu.memref_slice %arg10[%dma_start3A_273, %dma_start3A_274] : memref<10112x64xf32, #tpu.memory_space<vmem_shared>> -> memref<10112x64xf32, #tpu.memory_space<vmem_shared>>
        tpu.enqueue_indirect_dma source(%dma_start3A_269 : memref<80x64xf32, #tpu.memory_space<vmem>>) target(%dma_start3A_275 : memref<10112x64xf32, #tpu.memory_space<vmem_shared>>) offsets(%dma_start3A_272 : memref<80xi32, #tpu.memory_space<vmem>>) semaphore(%run_scoped3A_266 : memref<!tpu.dma_semaphore, #tpu.memory_space<semaphore_mem>>) {add = true}
        %dma_wait3A_276 = arith.constant 240 : i32
        %dma_wait3A_277 = arith.constant 0 : i32
        %dma_wait3A_278 = tpu.memref_slice %arg8[%dma_wait3A_276, %dma_wait3A_277] : memref<400x64xf32, #tpu.memory_space<vmem>> -> memref<80x64xf32, #tpu.memory_space<vmem>>
        %dma_wait3A_279 = arith.constant 0 : i32
        %dma_wait3A_280 = tpu.memref_slice %arg7[%add3A_166, %dma_wait3A_279] : memref<125x80xi32, #tpu.memory_space<vmem>> -> memref<1x80xi32, #tpu.memory_space<vmem>>
        %dma_wait3A_281 = tpu.memref_squeeze %dma_wait3A_280 : memref<1x80xi32, #tpu.memory_space<vmem>> -> memref<80xi32, #tpu.memory_space<vmem>>
        %dma_wait3A_282 = arith.constant 0 : i32
        %dma_wait3A_283 = arith.constant 0 : i32
        %dma_wait3A_284 = tpu.memref_slice %arg10[%dma_wait3A_282, %dma_wait3A_283] : memref<10112x64xf32, #tpu.memory_space<vmem_shared>> -> memref<10112x64xf32, #tpu.memory_space<vmem_shared>>
        tpu.wait_indirect_dma semaphore(%run_scoped3A_266 : memref<!tpu.dma_semaphore, #tpu.memory_space<semaphore_mem>>) src(%dma_wait3A_278 : memref<80x64xf32, #tpu.memory_space<vmem>>) dst(%dma_wait3A_284 : memref<10112x64xf32, #tpu.memory_space<vmem_shared>>)
        tpu.yield
      }) : () -> ()
      %mul3A_167 = arith.constant 5 : i32
      %mul3A_168 = arith.muli %mul3A_77, %mul3A_167 : i32
      %add3A_169 = arith.constant 4 : i32
      %add3A_170 = arith.addi %mul3A_168, %add3A_169 : i32
      "tpu.region"() ({
        %run_scoped3A_266 = tpu.sem_alloc : memref<!tpu.dma_semaphore, #tpu.memory_space<semaphore_mem>>
        %dma_start3A_267 = arith.constant 320 : i32
        %dma_start3A_268 = arith.constant 0 : i32
        %dma_start3A_269 = tpu.memref_slice %arg8[%dma_start3A_267, %dma_start3A_268] : memref<400x64xf32, #tpu.memory_space<vmem>> -> memref<80x64xf32, #tpu.memory_space<vmem>>
        %dma_start3A_270 = arith.constant 0 : i32
        %dma_start3A_271 = tpu.memref_slice %arg7[%add3A_170, %dma_start3A_270] : memref<125x80xi32, #tpu.memory_space<vmem>> -> memref<1x80xi32, #tpu.memory_space<vmem>>
        %dma_start3A_272 = tpu.memref_squeeze %dma_start3A_271 : memref<1x80xi32, #tpu.memory_space<vmem>> -> memref<80xi32, #tpu.memory_space<vmem>>
        %dma_start3A_273 = arith.constant 0 : i32
        %dma_start3A_274 = arith.constant 0 : i32
        %dma_start3A_275 = tpu.memref_slice %arg10[%dma_start3A_273, %dma_start3A_274] : memref<10112x64xf32, #tpu.memory_space<vmem_shared>> -> memref<10112x64xf32, #tpu.memory_space<vmem_shared>>
        tpu.enqueue_indirect_dma source(%dma_start3A_269 : memref<80x64xf32, #tpu.memory_space<vmem>>) target(%dma_start3A_275 : memref<10112x64xf32, #tpu.memory_space<vmem_shared>>) offsets(%dma_start3A_272 : memref<80xi32, #tpu.memory_space<vmem>>) semaphore(%run_scoped3A_266 : memref<!tpu.dma_semaphore, #tpu.memory_space<semaphore_mem>>) {add = true}
        %dma_wait3A_276 = arith.constant 320 : i32
        %dma_wait3A_277 = arith.constant 0 : i32
        %dma_wait3A_278 = tpu.memref_slice %arg8[%dma_wait3A_276, %dma_wait3A_277] : memref<400x64xf32, #tpu.memory_space<vmem>> -> memref<80x64xf32, #tpu.memory_space<vmem>>
        %dma_wait3A_279 = arith.constant 0 : i32
        %dma_wait3A_280 = tpu.memref_slice %arg7[%add3A_170, %dma_wait3A_279] : memref<125x80xi32, #tpu.memory_space<vmem>> -> memref<1x80xi32, #tpu.memory_space<vmem>>
        %dma_wait3A_281 = tpu.memref_squeeze %dma_wait3A_280 : memref<1x80xi32, #tpu.memory_space<vmem>> -> memref<80xi32, #tpu.memory_space<vmem>>
        %dma_wait3A_282 = arith.constant 0 : i32
        %dma_wait3A_283 = arith.constant 0 : i32
        %dma_wait3A_284 = tpu.memref_slice %arg10[%dma_wait3A_282, %dma_wait3A_283] : memref<10112x64xf32, #tpu.memory_space<vmem_shared>> -> memref<10112x64xf32, #tpu.memory_space<vmem_shared>>
        tpu.wait_indirect_dma semaphore(%run_scoped3A_266 : memref<!tpu.dma_semaphore, #tpu.memory_space<semaphore_mem>>) src(%dma_wait3A_278 : memref<80x64xf32, #tpu.memory_space<vmem>>) dst(%dma_wait3A_284 : memref<10112x64xf32, #tpu.memory_space<vmem_shared>>)
        tpu.yield
      }) : () -> ()
      %add3A_171 = arith.constant 2 : i32
      %add3A_172 = arith.addi %mul3A_77, %add3A_171 : i32
      %mul3A_173 = arith.constant 5 : i32
      %mul3A_174 = arith.muli %add3A_172, %mul3A_173 : i32
      %add3A_175 = arith.constant 0 : i32
      %add3A_176 = arith.addi %mul3A_174, %add3A_175 : i32
      %dma_start3A_177 = arith.constant 0 : i32
      %dma_start3A_178 = arith.constant 0 : i32
      %dma_start3A_179 = tpu.memref_slice %arg8[%dma_start3A_177, %dma_start3A_178] : memref<400x64xf32, #tpu.memory_space<vmem>> -> memref<80x64xf32, #tpu.memory_space<vmem>>
      %dma_start3A_180 = arith.constant 0 : i32
      %dma_start3A_181 = tpu.memref_slice %arg6[%add3A_176, %dma_start3A_180] : memref<125x80xi32, #tpu.memory_space<vmem>> -> memref<1x80xi32, #tpu.memory_space<vmem>>
      %dma_start3A_182 = tpu.memref_squeeze %dma_start3A_181 : memref<1x80xi32, #tpu.memory_space<vmem>> -> memref<80xi32, #tpu.memory_space<vmem>>
      %dma_start3A_183 = arith.constant 0 : i32
      %dma_start3A_184 = arith.constant 0 : i32
      %dma_start3A_185 = tpu.memref_slice %arg2[%dma_start3A_183, %dma_start3A_184] : memref<10000x64xf32, #tpu.memory_space<hbm>> -> memref<10000x64xf32, #tpu.memory_space<hbm>>
      tpu.enqueue_indirect_dma source(%dma_start3A_185 : memref<10000x64xf32, #tpu.memory_space<hbm>>) target(%dma_start3A_179 : memref<80x64xf32, #tpu.memory_space<vmem>>) offsets(%dma_start3A_182 : memref<80xi32, #tpu.memory_space<vmem>>) semaphore(%arg11 : memref<!tpu.dma_semaphore, #tpu.memory_space<semaphore_mem>>)
      %mul3A_186 = arith.constant 5 : i32
      %mul3A_187 = arith.muli %add3A_172, %mul3A_186 : i32
      %add3A_188 = arith.constant 1 : i32
      %add3A_189 = arith.addi %mul3A_187, %add3A_188 : i32
      %dma_start3A_190 = arith.constant 80 : i32
      %dma_start3A_191 = arith.constant 0 : i32
      %dma_start3A_192 = tpu.memref_slice %arg8[%dma_start3A_190, %dma_start3A_191] : memref<400x64xf32, #tpu.memory_space<vmem>> -> memref<80x64xf32, #tpu.memory_space<vmem>>
      %dma_start3A_193 = arith.constant 0 : i32
      %dma_start3A_194 = tpu.memref_slice %arg6[%add3A_189, %dma_start3A_193] : memref<125x80xi32, #tpu.memory_space<vmem>> -> memref<1x80xi32, #tpu.memory_space<vmem>>
      %dma_start3A_195 = tpu.memref_squeeze %dma_start3A_194 : memref<1x80xi32, #tpu.memory_space<vmem>> -> memref<80xi32, #tpu.memory_space<vmem>>
      %dma_start3A_196 = arith.constant 0 : i32
      %dma_start3A_197 = arith.constant 0 : i32
      %dma_start3A_198 = tpu.memref_slice %arg2[%dma_start3A_196, %dma_start3A_197] : memref<10000x64xf32, #tpu.memory_space<hbm>> -> memref<10000x64xf32, #tpu.memory_space<hbm>>
      tpu.enqueue_indirect_dma source(%dma_start3A_198 : memref<10000x64xf32, #tpu.memory_space<hbm>>) target(%dma_start3A_192 : memref<80x64xf32, #tpu.memory_space<vmem>>) offsets(%dma_start3A_195 : memref<80xi32, #tpu.memory_space<vmem>>) semaphore(%arg11 : memref<!tpu.dma_semaphore, #tpu.memory_space<semaphore_mem>>)
      %mul3A_199 = arith.constant 5 : i32
      %mul3A_200 = arith.muli %add3A_172, %mul3A_199 : i32
      %add3A_201 = arith.constant 2 : i32
      %add3A_202 = arith.addi %mul3A_200, %add3A_201 : i32
      %dma_start3A_203 = arith.constant 160 : i32
      %dma_start3A_204 = arith.constant 0 : i32
      %dma_start3A_205 = tpu.memref_slice %arg8[%dma_start3A_203, %dma_start3A_204] : memref<400x64xf32, #tpu.memory_space<vmem>> -> memref<80x64xf32, #tpu.memory_space<vmem>>
      %dma_start3A_206 = arith.constant 0 : i32
      %dma_start3A_207 = tpu.memref_slice %arg6[%add3A_202, %dma_start3A_206] : memref<125x80xi32, #tpu.memory_space<vmem>> -> memref<1x80xi32, #tpu.memory_space<vmem>>
      %dma_start3A_208 = tpu.memref_squeeze %dma_start3A_207 : memref<1x80xi32, #tpu.memory_space<vmem>> -> memref<80xi32, #tpu.memory_space<vmem>>
      %dma_start3A_209 = arith.constant 0 : i32
      %dma_start3A_210 = arith.constant 0 : i32
      %dma_start3A_211 = tpu.memref_slice %arg2[%dma_start3A_209, %dma_start3A_210] : memref<10000x64xf32, #tpu.memory_space<hbm>> -> memref<10000x64xf32, #tpu.memory_space<hbm>>
      tpu.enqueue_indirect_dma source(%dma_start3A_211 : memref<10000x64xf32, #tpu.memory_space<hbm>>) target(%dma_start3A_205 : memref<80x64xf32, #tpu.memory_space<vmem>>) offsets(%dma_start3A_208 : memref<80xi32, #tpu.memory_space<vmem>>) semaphore(%arg11 : memref<!tpu.dma_semaphore, #tpu.memory_space<semaphore_mem>>)
      %mul3A_212 = arith.constant 5 : i32
      %mul3A_213 = arith.muli %add3A_172, %mul3A_212 : i32
      %add3A_214 = arith.constant 3 : i32
      %add3A_215 = arith.addi %mul3A_213, %add3A_214 : i32
      %dma_start3A_216 = arith.constant 240 : i32
      %dma_start3A_217 = arith.constant 0 : i32
      %dma_start3A_218 = tpu.memref_slice %arg8[%dma_start3A_216, %dma_start3A_217] : memref<400x64xf32, #tpu.memory_space<vmem>> -> memref<80x64xf32, #tpu.memory_space<vmem>>
      %dma_start3A_219 = arith.constant 0 : i32
      %dma_start3A_220 = tpu.memref_slice %arg6[%add3A_215, %dma_start3A_219] : memref<125x80xi32, #tpu.memory_space<vmem>> -> memref<1x80xi32, #tpu.memory_space<vmem>>
      %dma_start3A_221 = tpu.memref_squeeze %dma_start3A_220 : memref<1x80xi32, #tpu.memory_space<vmem>> -> memref<80xi32, #tpu.memory_space<vmem>>
      %dma_start3A_222 = arith.constant 0 : i32
      %dma_start3A_223 = arith.constant 0 : i32
      %dma_start3A_224 = tpu.memref_slice %arg2[%dma_start3A_222, %dma_start3A_223] : memref<10000x64xf32, #tpu.memory_space<hbm>> -> memref<10000x64xf32, #tpu.memory_space<hbm>>
      tpu.enqueue_indirect_dma source(%dma_start3A_224 : memref<10000x64xf32, #tpu.memory_space<hbm>>) target(%dma_start3A_218 : memref<80x64xf32, #tpu.memory_space<vmem>>) offsets(%dma_start3A_221 : memref<80xi32, #tpu.memory_space<vmem>>) semaphore(%arg11 : memref<!tpu.dma_semaphore, #tpu.memory_space<semaphore_mem>>)
      %mul3A_225 = arith.constant 5 : i32
      %mul3A_226 = arith.muli %add3A_172, %mul3A_225 : i32
      %add3A_227 = arith.constant 4 : i32
      %add3A_228 = arith.addi %mul3A_226, %add3A_227 : i32
      %dma_start3A_229 = arith.constant 320 : i32
      %dma_start3A_230 = arith.constant 0 : i32
      %dma_start3A_231 = tpu.memref_slice %arg8[%dma_start3A_229, %dma_start3A_230] : memref<400x64xf32, #tpu.memory_space<vmem>> -> memref<80x64xf32, #tpu.memory_space<vmem>>
      %dma_start3A_232 = arith.constant 0 : i32
      %dma_start3A_233 = tpu.memref_slice %arg6[%add3A_228, %dma_start3A_232] : memref<125x80xi32, #tpu.memory_space<vmem>> -> memref<1x80xi32, #tpu.memory_space<vmem>>
      %dma_start3A_234 = tpu.memref_squeeze %dma_start3A_233 : memref<1x80xi32, #tpu.memory_space<vmem>> -> memref<80xi32, #tpu.memory_space<vmem>>
      %dma_start3A_235 = arith.constant 0 : i32
      %dma_start3A_236 = arith.constant 0 : i32
      %dma_start3A_237 = tpu.memref_slice %arg2[%dma_start3A_235, %dma_start3A_236] : memref<10000x64xf32, #tpu.memory_space<hbm>> -> memref<10000x64xf32, #tpu.memory_space<hbm>>
      tpu.enqueue_indirect_dma source(%dma_start3A_237 : memref<10000x64xf32, #tpu.memory_space<hbm>>) target(%dma_start3A_231 : memref<80x64xf32, #tpu.memory_space<vmem>>) offsets(%dma_start3A_234 : memref<80xi32, #tpu.memory_space<vmem>>) semaphore(%arg11 : memref<!tpu.dma_semaphore, #tpu.memory_space<semaphore_mem>>)
      %dma_wait3A_238 = arith.constant 0 : i32
      %dma_wait3A_239 = arith.constant 0 : i32
      %dma_wait3A_240 = tpu.memref_slice %arg2[%dma_wait3A_238, %dma_wait3A_239] : memref<10000x64xf32, #tpu.memory_space<hbm>> -> memref<400x64xf32, #tpu.memory_space<hbm>>
      %dma_wait3A_241 = arith.constant 0 : i32
      %dma_wait3A_242 = arith.constant 0 : i32
      %dma_wait3A_243 = tpu.memref_slice %arg2[%dma_wait3A_241, %dma_wait3A_242] : memref<10000x64xf32, #tpu.memory_space<hbm>> -> memref<400x64xf32, #tpu.memory_space<hbm>>
      tpu.wait_dma2 semaphore(%arg12 : memref<!tpu.dma_semaphore, #tpu.memory_space<semaphore_mem>>) src(%dma_wait3A_243 : memref<400x64xf32, #tpu.memory_space<hbm>>) dst(%arg9 : memref<400x64xf32, #tpu.memory_space<vmem>>)
      %add3A_244 = arith.constant 1 : i32
      %add3A_245 = arith.addi %mul3A_77, %add3A_244 : i32
      %mul3A_246 = arith.constant 5 : i32
      %mul3A_247 = arith.muli %add3A_245, %mul3A_246 : i32
      %add3A_248 = arith.constant 0 : i32
      %add3A_249 = arith.addi %mul3A_247, %add3A_248 : i32
      "tpu.region"() ({
        %run_scoped3A_266 = tpu.sem_alloc : memref<!tpu.dma_semaphore, #tpu.memory_space<semaphore_mem>>
        %dma_start3A_267 = arith.constant 0 : i32
        %dma_start3A_268 = arith.constant 0 : i32
        %dma_start3A_269 = tpu.memref_slice %arg9[%dma_start3A_267, %dma_start3A_268] : memref<400x64xf32, #tpu.memory_space<vmem>> -> memref<80x64xf32, #tpu.memory_space<vmem>>
        %dma_start3A_270 = arith.constant 0 : i32
        %dma_start3A_271 = tpu.memref_slice %arg7[%add3A_249, %dma_start3A_270] : memref<125x80xi32, #tpu.memory_space<vmem>> -> memref<1x80xi32, #tpu.memory_space<vmem>>
        %dma_start3A_272 = tpu.memref_squeeze %dma_start3A_271 : memref<1x80xi32, #tpu.memory_space<vmem>> -> memref<80xi32, #tpu.memory_space<vmem>>
        %dma_start3A_273 = arith.constant 0 : i32
        %dma_start3A_274 = arith.constant 0 : i32
        %dma_start3A_275 = tpu.memref_slice %arg10[%dma_start3A_273, %dma_start3A_274] : memref<10112x64xf32, #tpu.memory_space<vmem_shared>> -> memref<10112x64xf32, #tpu.memory_space<vmem_shared>>
        tpu.enqueue_indirect_dma source(%dma_start3A_269 : memref<80x64xf32, #tpu.memory_space<vmem>>) target(%dma_start3A_275 : memref<10112x64xf32, #tpu.memory_space<vmem_shared>>) offsets(%dma_start3A_272 : memref<80xi32, #tpu.memory_space<vmem>>) semaphore(%run_scoped3A_266 : memref<!tpu.dma_semaphore, #tpu.memory_space<semaphore_mem>>) {add = true}
        %dma_wait3A_276 = arith.constant 0 : i32
        %dma_wait3A_277 = arith.constant 0 : i32
        %dma_wait3A_278 = tpu.memref_slice %arg9[%dma_wait3A_276, %dma_wait3A_277] : memref<400x64xf32, #tpu.memory_space<vmem>> -> memref<80x64xf32, #tpu.memory_space<vmem>>
        %dma_wait3A_279 = arith.constant 0 : i32
        %dma_wait3A_280 = tpu.memref_slice %arg7[%add3A_249, %dma_wait3A_279] : memref<125x80xi32, #tpu.memory_space<vmem>> -> memref<1x80xi32, #tpu.memory_space<vmem>>
        %dma_wait3A_281 = tpu.memref_squeeze %dma_wait3A_280 : memref<1x80xi32, #tpu.memory_space<vmem>> -> memref<80xi32, #tpu.memory_space<vmem>>
        %dma_wait3A_282 = arith.constant 0 : i32
        %dma_wait3A_283 = arith.constant 0 : i32
        %dma_wait3A_284 = tpu.memref_slice %arg10[%dma_wait3A_282, %dma_wait3A_283] : memref<10112x64xf32, #tpu.memory_space<vmem_shared>> -> memref<10112x64xf32, #tpu.memory_space<vmem_shared>>
        tpu.wait_indirect_dma semaphore(%run_scoped3A_266 : memref<!tpu.dma_semaphore, #tpu.memory_space<semaphore_mem>>) src(%dma_wait3A_278 : memref<80x64xf32, #tpu.memory_space<vmem>>) dst(%dma_wait3A_284 : memref<10112x64xf32, #tpu.memory_space<vmem_shared>>)
        tpu.yield
      }) : () -> ()
      %mul3A_250 = arith.constant 5 : i32
      %mul3A_251 = arith.muli %add3A_245, %mul3A_250 : i32
      %add3A_252 = arith.constant 1 : i32
      %add3A_253 = arith.addi %mul3A_251, %add3A_252 : i32
      "tpu.region"() ({
        %run_scoped3A_266 = tpu.sem_alloc : memref<!tpu.dma_semaphore, #tpu.memory_space<semaphore_mem>>
        %dma_start3A_267 = arith.constant 80 : i32
        %dma_start3A_268 = arith.constant 0 : i32
        %dma_start3A_269 = tpu.memref_slice %arg9[%dma_start3A_267, %dma_start3A_268] : memref<400x64xf32, #tpu.memory_space<vmem>> -> memref<80x64xf32, #tpu.memory_space<vmem>>
        %dma_start3A_270 = arith.constant 0 : i32
        %dma_start3A_271 = tpu.memref_slice %arg7[%add3A_253, %dma_start3A_270] : memref<125x80xi32, #tpu.memory_space<vmem>> -> memref<1x80xi32, #tpu.memory_space<vmem>>
        %dma_start3A_272 = tpu.memref_squeeze %dma_start3A_271 : memref<1x80xi32, #tpu.memory_space<vmem>> -> memref<80xi32, #tpu.memory_space<vmem>>
        %dma_start3A_273 = arith.constant 0 : i32
        %dma_start3A_274 = arith.constant 0 : i32
        %dma_start3A_275 = tpu.memref_slice %arg10[%dma_start3A_273, %dma_start3A_274] : memref<10112x64xf32, #tpu.memory_space<vmem_shared>> -> memref<10112x64xf32, #tpu.memory_space<vmem_shared>>
        tpu.enqueue_indirect_dma source(%dma_start3A_269 : memref<80x64xf32, #tpu.memory_space<vmem>>) target(%dma_start3A_275 : memref<10112x64xf32, #tpu.memory_space<vmem_shared>>) offsets(%dma_start3A_272 : memref<80xi32, #tpu.memory_space<vmem>>) semaphore(%run_scoped3A_266 : memref<!tpu.dma_semaphore, #tpu.memory_space<semaphore_mem>>) {add = true}
        %dma_wait3A_276 = arith.constant 80 : i32
        %dma_wait3A_277 = arith.constant 0 : i32
        %dma_wait3A_278 = tpu.memref_slice %arg9[%dma_wait3A_276, %dma_wait3A_277] : memref<400x64xf32, #tpu.memory_space<vmem>> -> memref<80x64xf32, #tpu.memory_space<vmem>>
        %dma_wait3A_279 = arith.constant 0 : i32
        %dma_wait3A_280 = tpu.memref_slice %arg7[%add3A_253, %dma_wait3A_279] : memref<125x80xi32, #tpu.memory_space<vmem>> -> memref<1x80xi32, #tpu.memory_space<vmem>>
        %dma_wait3A_281 = tpu.memref_squeeze %dma_wait3A_280 : memref<1x80xi32, #tpu.memory_space<vmem>> -> memref<80xi32, #tpu.memory_space<vmem>>
        %dma_wait3A_282 = arith.constant 0 : i32
        %dma_wait3A_283 = arith.constant 0 : i32
        %dma_wait3A_284 = tpu.memref_slice %arg10[%dma_wait3A_282, %dma_wait3A_283] : memref<10112x64xf32, #tpu.memory_space<vmem_shared>> -> memref<10112x64xf32, #tpu.memory_space<vmem_shared>>
        tpu.wait_indirect_dma semaphore(%run_scoped3A_266 : memref<!tpu.dma_semaphore, #tpu.memory_space<semaphore_mem>>) src(%dma_wait3A_278 : memref<80x64xf32, #tpu.memory_space<vmem>>) dst(%dma_wait3A_284 : memref<10112x64xf32, #tpu.memory_space<vmem_shared>>)
        tpu.yield
      }) : () -> ()
      %mul3A_254 = arith.constant 5 : i32
      %mul3A_255 = arith.muli %add3A_245, %mul3A_254 : i32
      %add3A_256 = arith.constant 2 : i32
      %add3A_257 = arith.addi %mul3A_255, %add3A_256 : i32
      "tpu.region"() ({
        %run_scoped3A_266 = tpu.sem_alloc : memref<!tpu.dma_semaphore, #tpu.memory_space<semaphore_mem>>
        %dma_start3A_267 = arith.constant 160 : i32
        %dma_start3A_268 = arith.constant 0 : i32
        %dma_start3A_269 = tpu.memref_slice %arg9[%dma_start3A_267, %dma_start3A_268] : memref<400x64xf32, #tpu.memory_space<vmem>> -> memref<80x64xf32, #tpu.memory_space<vmem>>
        %dma_start3A_270 = arith.constant 0 : i32
        %dma_start3A_271 = tpu.memref_slice %arg7[%add3A_257, %dma_start3A_270] : memref<125x80xi32, #tpu.memory_space<vmem>> -> memref<1x80xi32, #tpu.memory_space<vmem>>
        %dma_start3A_272 = tpu.memref_squeeze %dma_start3A_271 : memref<1x80xi32, #tpu.memory_space<vmem>> -> memref<80xi32, #tpu.memory_space<vmem>>
        %dma_start3A_273 = arith.constant 0 : i32
        %dma_start3A_274 = arith.constant 0 : i32
        %dma_start3A_275 = tpu.memref_slice %arg10[%dma_start3A_273, %dma_start3A_274] : memref<10112x64xf32, #tpu.memory_space<vmem_shared>> -> memref<10112x64xf32, #tpu.memory_space<vmem_shared>>
        tpu.enqueue_indirect_dma source(%dma_start3A_269 : memref<80x64xf32, #tpu.memory_space<vmem>>) target(%dma_start3A_275 : memref<10112x64xf32, #tpu.memory_space<vmem_shared>>) offsets(%dma_start3A_272 : memref<80xi32, #tpu.memory_space<vmem>>) semaphore(%run_scoped3A_266 : memref<!tpu.dma_semaphore, #tpu.memory_space<semaphore_mem>>) {add = true}
        %dma_wait3A_276 = arith.constant 160 : i32
        %dma_wait3A_277 = arith.constant 0 : i32
        %dma_wait3A_278 = tpu.memref_slice %arg9[%dma_wait3A_276, %dma_wait3A_277] : memref<400x64xf32, #tpu.memory_space<vmem>> -> memref<80x64xf32, #tpu.memory_space<vmem>>
        %dma_wait3A_279 = arith.constant 0 : i32
        %dma_wait3A_280 = tpu.memref_slice %arg7[%add3A_257, %dma_wait3A_279] : memref<125x80xi32, #tpu.memory_space<vmem>> -> memref<1x80xi32, #tpu.memory_space<vmem>>
        %dma_wait3A_281 = tpu.memref_squeeze %dma_wait3A_280 : memref<1x80xi32, #tpu.memory_space<vmem>> -> memref<80xi32, #tpu.memory_space<vmem>>
        %dma_wait3A_282 = arith.constant 0 : i32
        %dma_wait3A_283 = arith.constant 0 : i32
        %dma_wait3A_284 = tpu.memref_slice %arg10[%dma_wait3A_282, %dma_wait3A_283] : memref<10112x64xf32, #tpu.memory_space<vmem_shared>> -> memref<10112x64xf32, #tpu.memory_space<vmem_shared>>
        tpu.wait_indirect_dma semaphore(%run_scoped3A_266 : memref<!tpu.dma_semaphore, #tpu.memory_space<semaphore_mem>>) src(%dma_wait3A_278 : memref<80x64xf32, #tpu.memory_space<vmem>>) dst(%dma_wait3A_284 : memref<10112x64xf32, #tpu.memory_space<vmem_shared>>)
        tpu.yield
      }) : () -> ()
      %mul3A_258 = arith.constant 5 : i32
      %mul3A_259 = arith.muli %add3A_245, %mul3A_258 : i32
      %add3A_260 = arith.constant 3 : i32
      %add3A_261 = arith.addi %mul3A_259, %add3A_260 : i32
      "tpu.region"() ({
        %run_scoped3A_266 = tpu.sem_alloc : memref<!tpu.dma_semaphore, #tpu.memory_space<semaphore_mem>>
        %dma_start3A_267 = arith.constant 240 : i32
        %dma_start3A_268 = arith.constant 0 : i32
        %dma_start3A_269 = tpu.memref_slice %arg9[%dma_start3A_267, %dma_start3A_268] : memref<400x64xf32, #tpu.memory_space<vmem>> -> memref<80x64xf32, #tpu.memory_space<vmem>>
        %dma_start3A_270 = arith.constant 0 : i32
        %dma_start3A_271 = tpu.memref_slice %arg7[%add3A_261, %dma_start3A_270] : memref<125x80xi32, #tpu.memory_space<vmem>> -> memref<1x80xi32, #tpu.memory_space<vmem>>
        %dma_start3A_272 = tpu.memref_squeeze %dma_start3A_271 : memref<1x80xi32, #tpu.memory_space<vmem>> -> memref<80xi32, #tpu.memory_space<vmem>>
        %dma_start3A_273 = arith.constant 0 : i32
        %dma_start3A_274 = arith.constant 0 : i32
        %dma_start3A_275 = tpu.memref_slice %arg10[%dma_start3A_273, %dma_start3A_274] : memref<10112x64xf32, #tpu.memory_space<vmem_shared>> -> memref<10112x64xf32, #tpu.memory_space<vmem_shared>>
        tpu.enqueue_indirect_dma source(%dma_start3A_269 : memref<80x64xf32, #tpu.memory_space<vmem>>) target(%dma_start3A_275 : memref<10112x64xf32, #tpu.memory_space<vmem_shared>>) offsets(%dma_start3A_272 : memref<80xi32, #tpu.memory_space<vmem>>) semaphore(%run_scoped3A_266 : memref<!tpu.dma_semaphore, #tpu.memory_space<semaphore_mem>>) {add = true}
        %dma_wait3A_276 = arith.constant 240 : i32
        %dma_wait3A_277 = arith.constant 0 : i32
        %dma_wait3A_278 = tpu.memref_slice %arg9[%dma_wait3A_276, %dma_wait3A_277] : memref<400x64xf32, #tpu.memory_space<vmem>> -> memref<80x64xf32, #tpu.memory_space<vmem>>
        %dma_wait3A_279 = arith.constant 0 : i32
        %dma_wait3A_280 = tpu.memref_slice %arg7[%add3A_261, %dma_wait3A_279] : memref<125x80xi32, #tpu.memory_space<vmem>> -> memref<1x80xi32, #tpu.memory_space<vmem>>
        %dma_wait3A_281 = tpu.memref_squeeze %dma_wait3A_280 : memref<1x80xi32, #tpu.memory_space<vmem>> -> memref<80xi32, #tpu.memory_space<vmem>>
        %dma_wait3A_282 = arith.constant 0 : i32
        %dma_wait3A_283 = arith.constant 0 : i32
        %dma_wait3A_284 = tpu.memref_slice %arg10[%dma_wait3A_282, %dma_wait3A_283] : memref<10112x64xf32, #tpu.memory_space<vmem_shared>> -> memref<10112x64xf32, #tpu.memory_space<vmem_shared>>
        tpu.wait_indirect_dma semaphore(%run_scoped3A_266 : memref<!tpu.dma_semaphore, #tpu.memory_space<semaphore_mem>>) src(%dma_wait3A_278 : memref<80x64xf32, #tpu.memory_space<vmem>>) dst(%dma_wait3A_284 : memref<10112x64xf32, #tpu.memory_space<vmem_shared>>)
        tpu.yield
      }) : () -> ()
      %mul3A_262 = arith.constant 5 : i32
      %mul3A_263 = arith.muli %add3A_245, %mul3A_262 : i32
      %add3A_264 = arith.constant 4 : i32
      %add3A_265 = arith.addi %mul3A_263, %add3A_264 : i32
      "tpu.region"() ({
        %run_scoped3A_266 = tpu.sem_alloc : memref<!tpu.dma_semaphore, #tpu.memory_space<semaphore_mem>>
        %dma_start3A_267 = arith.constant 320 : i32
        %dma_start3A_268 = arith.constant 0 : i32
        %dma_start3A_269 = tpu.memref_slice %arg9[%dma_start3A_267, %dma_start3A_268] : memref<400x64xf32, #tpu.memory_space<vmem>> -> memref<80x64xf32, #tpu.memory_space<vmem>>
        %dma_start3A_270 = arith.constant 0 : i32
        %dma_start3A_271 = tpu.memref_slice %arg7[%add3A_265, %dma_start3A_270] : memref<125x80xi32, #tpu.memory_space<vmem>> -> memref<1x80xi32, #tpu.memory_space<vmem>>
        %dma_start3A_272 = tpu.memref_squeeze %dma_start3A_271 : memref<1x80xi32, #tpu.memory_space<vmem>> -> memref<80xi32, #tpu.memory_space<vmem>>
        %dma_start3A_273 = arith.constant 0 : i32
        %dma_start3A_274 = arith.constant 0 : i32
        %dma_start3A_275 = tpu.memref_slice %arg10[%dma_start3A_273, %dma_start3A_274] : memref<10112x64xf32, #tpu.memory_space<vmem_shared>> -> memref<10112x64xf32, #tpu.memory_space<vmem_shared>>
        tpu.enqueue_indirect_dma source(%dma_start3A_269 : memref<80x64xf32, #tpu.memory_space<vmem>>) target(%dma_start3A_275 : memref<10112x64xf32, #tpu.memory_space<vmem_shared>>) offsets(%dma_start3A_272 : memref<80xi32, #tpu.memory_space<vmem>>) semaphore(%run_scoped3A_266 : memref<!tpu.dma_semaphore, #tpu.memory_space<semaphore_mem>>) {add = true}
        %dma_wait3A_276 = arith.constant 320 : i32
        %dma_wait3A_277 = arith.constant 0 : i32
        %dma_wait3A_278 = tpu.memref_slice %arg9[%dma_wait3A_276, %dma_wait3A_277] : memref<400x64xf32, #tpu.memory_space<vmem>> -> memref<80x64xf32, #tpu.memory_space<vmem>>
        %dma_wait3A_279 = arith.constant 0 : i32
        %dma_wait3A_280 = tpu.memref_slice %arg7[%add3A_265, %dma_wait3A_279] : memref<125x80xi32, #tpu.memory_space<vmem>> -> memref<1x80xi32, #tpu.memory_space<vmem>>
        %dma_wait3A_281 = tpu.memref_squeeze %dma_wait3A_280 : memref<1x80xi32, #tpu.memory_space<vmem>> -> memref<80xi32, #tpu.memory_space<vmem>>
        %dma_wait3A_282 = arith.constant 0 : i32
        %dma_wait3A_283 = arith.constant 0 : i32
        %dma_wait3A_284 = tpu.memref_slice %arg10[%dma_wait3A_282, %dma_wait3A_283] : memref<10112x64xf32, #tpu.memory_space<vmem_shared>> -> memref<10112x64xf32, #tpu.memory_space<vmem_shared>>
        tpu.wait_indirect_dma semaphore(%run_scoped3A_266 : memref<!tpu.dma_semaphore, #tpu.memory_space<semaphore_mem>>) src(%dma_wait3A_278 : memref<80x64xf32, #tpu.memory_space<vmem>>) dst(%dma_wait3A_284 : memref<10112x64xf32, #tpu.memory_space<vmem_shared>>)
        tpu.yield
      }) : () -> ()
    }
    %scan3A_59 = arith.constant 12 : i32
    %dma_wait3A = arith.constant 0 : i32
    %dma_wait3A_60 = arith.constant 0 : i32
    %dma_wait3A_61 = tpu.memref_slice %arg2[%dma_wait3A, %dma_wait3A_60] : memref<10000x64xf32, #tpu.memory_space<hbm>> -> memref<400x64xf32, #tpu.memory_space<hbm>>
    %dma_wait3A_62 = arith.constant 0 : i32
    %dma_wait3A_63 = arith.constant 0 : i32
    %dma_wait3A_64 = tpu.memref_slice %arg2[%dma_wait3A_62, %dma_wait3A_63] : memref<10000x64xf32, #tpu.memory_space<hbm>> -> memref<400x64xf32, #tpu.memory_space<hbm>>
    tpu.wait_dma2 semaphore(%arg11 : memref<!tpu.dma_semaphore, #tpu.memory_space<semaphore_mem>>) src(%dma_wait3A_64 : memref<400x64xf32, #tpu.memory_space<hbm>>) dst(%arg8 : memref<400x64xf32, #tpu.memory_space<vmem>>)
    %run_scoped3A_65 = arith.constant 120 : i32
    "tpu.region"() ({
      %run_scoped3A_75 = tpu.sem_alloc : memref<!tpu.dma_semaphore, #tpu.memory_space<semaphore_mem>>
      %dma_start3A_76 = arith.constant 0 : i32
      %dma_start3A_77 = arith.constant 0 : i32
      %dma_start3A_78 = tpu.memref_slice %arg8[%dma_start3A_76, %dma_start3A_77] : memref<400x64xf32, #tpu.memory_space<vmem>> -> memref<80x64xf32, #tpu.memory_space<vmem>>
      %dma_start3A_79 = arith.constant 0 : i32
      %dma_start3A_80 = tpu.memref_slice %arg7[%run_scoped3A_65, %dma_start3A_79] : memref<125x80xi32, #tpu.memory_space<vmem>> -> memref<1x80xi32, #tpu.memory_space<vmem>>
      %dma_start3A_81 = tpu.memref_squeeze %dma_start3A_80 : memref<1x80xi32, #tpu.memory_space<vmem>> -> memref<80xi32, #tpu.memory_space<vmem>>
      %dma_start3A_82 = arith.constant 0 : i32
      %dma_start3A_83 = arith.constant 0 : i32
      %dma_start3A_84 = tpu.memref_slice %arg10[%dma_start3A_82, %dma_start3A_83] : memref<10112x64xf32, #tpu.memory_space<vmem_shared>> -> memref<10112x64xf32, #tpu.memory_space<vmem_shared>>
      tpu.enqueue_indirect_dma source(%dma_start3A_78 : memref<80x64xf32, #tpu.memory_space<vmem>>) target(%dma_start3A_84 : memref<10112x64xf32, #tpu.memory_space<vmem_shared>>) offsets(%dma_start3A_81 : memref<80xi32, #tpu.memory_space<vmem>>) semaphore(%run_scoped3A_75 : memref<!tpu.dma_semaphore, #tpu.memory_space<semaphore_mem>>) {add = true}
      %dma_wait3A_85 = arith.constant 0 : i32
      %dma_wait3A_86 = arith.constant 0 : i32
      %dma_wait3A_87 = tpu.memref_slice %arg8[%dma_wait3A_85, %dma_wait3A_86] : memref<400x64xf32, #tpu.memory_space<vmem>> -> memref<80x64xf32, #tpu.memory_space<vmem>>
      %dma_wait3A_88 = arith.constant 0 : i32
      %dma_wait3A_89 = tpu.memref_slice %arg7[%run_scoped3A_65, %dma_wait3A_88] : memref<125x80xi32, #tpu.memory_space<vmem>> -> memref<1x80xi32, #tpu.memory_space<vmem>>
      %dma_wait3A_90 = tpu.memref_squeeze %dma_wait3A_89 : memref<1x80xi32, #tpu.memory_space<vmem>> -> memref<80xi32, #tpu.memory_space<vmem>>
      %dma_wait3A_91 = arith.constant 0 : i32
      %dma_wait3A_92 = arith.constant 0 : i32
      %dma_wait3A_93 = tpu.memref_slice %arg10[%dma_wait3A_91, %dma_wait3A_92] : memref<10112x64xf32, #tpu.memory_space<vmem_shared>> -> memref<10112x64xf32, #tpu.memory_space<vmem_shared>>
      tpu.wait_indirect_dma semaphore(%run_scoped3A_75 : memref<!tpu.dma_semaphore, #tpu.memory_space<semaphore_mem>>) src(%dma_wait3A_87 : memref<80x64xf32, #tpu.memory_space<vmem>>) dst(%dma_wait3A_93 : memref<10112x64xf32, #tpu.memory_space<vmem_shared>>)
      tpu.yield
    }) : () -> ()
    %run_scoped3A_66 = arith.constant 121 : i32
    "tpu.region"() ({
      %run_scoped3A_75 = tpu.sem_alloc : memref<!tpu.dma_semaphore, #tpu.memory_space<semaphore_mem>>
      %dma_start3A_76 = arith.constant 80 : i32
      %dma_start3A_77 = arith.constant 0 : i32
      %dma_start3A_78 = tpu.memref_slice %arg8[%dma_start3A_76, %dma_start3A_77] : memref<400x64xf32, #tpu.memory_space<vmem>> -> memref<80x64xf32, #tpu.memory_space<vmem>>
      %dma_start3A_79 = arith.constant 0 : i32
      %dma_start3A_80 = tpu.memref_slice %arg7[%run_scoped3A_66, %dma_start3A_79] : memref<125x80xi32, #tpu.memory_space<vmem>> -> memref<1x80xi32, #tpu.memory_space<vmem>>
      %dma_start3A_81 = tpu.memref_squeeze %dma_start3A_80 : memref<1x80xi32, #tpu.memory_space<vmem>> -> memref<80xi32, #tpu.memory_space<vmem>>
      %dma_start3A_82 = arith.constant 0 : i32
      %dma_start3A_83 = arith.constant 0 : i32
      %dma_start3A_84 = tpu.memref_slice %arg10[%dma_start3A_82, %dma_start3A_83] : memref<10112x64xf32, #tpu.memory_space<vmem_shared>> -> memref<10112x64xf32, #tpu.memory_space<vmem_shared>>
      tpu.enqueue_indirect_dma source(%dma_start3A_78 : memref<80x64xf32, #tpu.memory_space<vmem>>) target(%dma_start3A_84 : memref<10112x64xf32, #tpu.memory_space<vmem_shared>>) offsets(%dma_start3A_81 : memref<80xi32, #tpu.memory_space<vmem>>) semaphore(%run_scoped3A_75 : memref<!tpu.dma_semaphore, #tpu.memory_space<semaphore_mem>>) {add = true}
      %dma_wait3A_85 = arith.constant 80 : i32
      %dma_wait3A_86 = arith.constant 0 : i32
      %dma_wait3A_87 = tpu.memref_slice %arg8[%dma_wait3A_85, %dma_wait3A_86] : memref<400x64xf32, #tpu.memory_space<vmem>> -> memref<80x64xf32, #tpu.memory_space<vmem>>
      %dma_wait3A_88 = arith.constant 0 : i32
      %dma_wait3A_89 = tpu.memref_slice %arg7[%run_scoped3A_66, %dma_wait3A_88] : memref<125x80xi32, #tpu.memory_space<vmem>> -> memref<1x80xi32, #tpu.memory_space<vmem>>
      %dma_wait3A_90 = tpu.memref_squeeze %dma_wait3A_89 : memref<1x80xi32, #tpu.memory_space<vmem>> -> memref<80xi32, #tpu.memory_space<vmem>>
      %dma_wait3A_91 = arith.constant 0 : i32
      %dma_wait3A_92 = arith.constant 0 : i32
      %dma_wait3A_93 = tpu.memref_slice %arg10[%dma_wait3A_91, %dma_wait3A_92] : memref<10112x64xf32, #tpu.memory_space<vmem_shared>> -> memref<10112x64xf32, #tpu.memory_space<vmem_shared>>
      tpu.wait_indirect_dma semaphore(%run_scoped3A_75 : memref<!tpu.dma_semaphore, #tpu.memory_space<semaphore_mem>>) src(%dma_wait3A_87 : memref<80x64xf32, #tpu.memory_space<vmem>>) dst(%dma_wait3A_93 : memref<10112x64xf32, #tpu.memory_space<vmem_shared>>)
      tpu.yield
    }) : () -> ()
    %run_scoped3A_67 = arith.constant 122 : i32
    "tpu.region"() ({
      %run_scoped3A_75 = tpu.sem_alloc : memref<!tpu.dma_semaphore, #tpu.memory_space<semaphore_mem>>
      %dma_start3A_76 = arith.constant 160 : i32
      %dma_start3A_77 = arith.constant 0 : i32
      %dma_start3A_78 = tpu.memref_slice %arg8[%dma_start3A_76, %dma_start3A_77] : memref<400x64xf32, #tpu.memory_space<vmem>> -> memref<80x64xf32, #tpu.memory_space<vmem>>
      %dma_start3A_79 = arith.constant 0 : i32
      %dma_start3A_80 = tpu.memref_slice %arg7[%run_scoped3A_67, %dma_start3A_79] : memref<125x80xi32, #tpu.memory_space<vmem>> -> memref<1x80xi32, #tpu.memory_space<vmem>>
      %dma_start3A_81 = tpu.memref_squeeze %dma_start3A_80 : memref<1x80xi32, #tpu.memory_space<vmem>> -> memref<80xi32, #tpu.memory_space<vmem>>
      %dma_start3A_82 = arith.constant 0 : i32
      %dma_start3A_83 = arith.constant 0 : i32
      %dma_start3A_84 = tpu.memref_slice %arg10[%dma_start3A_82, %dma_start3A_83] : memref<10112x64xf32, #tpu.memory_space<vmem_shared>> -> memref<10112x64xf32, #tpu.memory_space<vmem_shared>>
      tpu.enqueue_indirect_dma source(%dma_start3A_78 : memref<80x64xf32, #tpu.memory_space<vmem>>) target(%dma_start3A_84 : memref<10112x64xf32, #tpu.memory_space<vmem_shared>>) offsets(%dma_start3A_81 : memref<80xi32, #tpu.memory_space<vmem>>) semaphore(%run_scoped3A_75 : memref<!tpu.dma_semaphore, #tpu.memory_space<semaphore_mem>>) {add = true}
      %dma_wait3A_85 = arith.constant 160 : i32
      %dma_wait3A_86 = arith.constant 0 : i32
      %dma_wait3A_87 = tpu.memref_slice %arg8[%dma_wait3A_85, %dma_wait3A_86] : memref<400x64xf32, #tpu.memory_space<vmem>> -> memref<80x64xf32, #tpu.memory_space<vmem>>
      %dma_wait3A_88 = arith.constant 0 : i32
      %dma_wait3A_89 = tpu.memref_slice %arg7[%run_scoped3A_67, %dma_wait3A_88] : memref<125x80xi32, #tpu.memory_space<vmem>> -> memref<1x80xi32, #tpu.memory_space<vmem>>
      %dma_wait3A_90 = tpu.memref_squeeze %dma_wait3A_89 : memref<1x80xi32, #tpu.memory_space<vmem>> -> memref<80xi32, #tpu.memory_space<vmem>>
      %dma_wait3A_91 = arith.constant 0 : i32
      %dma_wait3A_92 = arith.constant 0 : i32
      %dma_wait3A_93 = tpu.memref_slice %arg10[%dma_wait3A_91, %dma_wait3A_92] : memref<10112x64xf32, #tpu.memory_space<vmem_shared>> -> memref<10112x64xf32, #tpu.memory_space<vmem_shared>>
      tpu.wait_indirect_dma semaphore(%run_scoped3A_75 : memref<!tpu.dma_semaphore, #tpu.memory_space<semaphore_mem>>) src(%dma_wait3A_87 : memref<80x64xf32, #tpu.memory_space<vmem>>) dst(%dma_wait3A_93 : memref<10112x64xf32, #tpu.memory_space<vmem_shared>>)
      tpu.yield
    }) : () -> ()
    %run_scoped3A_68 = arith.constant 123 : i32
    "tpu.region"() ({
      %run_scoped3A_75 = tpu.sem_alloc : memref<!tpu.dma_semaphore, #tpu.memory_space<semaphore_mem>>
      %dma_start3A_76 = arith.constant 240 : i32
      %dma_start3A_77 = arith.constant 0 : i32
      %dma_start3A_78 = tpu.memref_slice %arg8[%dma_start3A_76, %dma_start3A_77] : memref<400x64xf32, #tpu.memory_space<vmem>> -> memref<80x64xf32, #tpu.memory_space<vmem>>
      %dma_start3A_79 = arith.constant 0 : i32
      %dma_start3A_80 = tpu.memref_slice %arg7[%run_scoped3A_68, %dma_start3A_79] : memref<125x80xi32, #tpu.memory_space<vmem>> -> memref<1x80xi32, #tpu.memory_space<vmem>>
      %dma_start3A_81 = tpu.memref_squeeze %dma_start3A_80 : memref<1x80xi32, #tpu.memory_space<vmem>> -> memref<80xi32, #tpu.memory_space<vmem>>
      %dma_start3A_82 = arith.constant 0 : i32
      %dma_start3A_83 = arith.constant 0 : i32
      %dma_start3A_84 = tpu.memref_slice %arg10[%dma_start3A_82, %dma_start3A_83] : memref<10112x64xf32, #tpu.memory_space<vmem_shared>> -> memref<10112x64xf32, #tpu.memory_space<vmem_shared>>
      tpu.enqueue_indirect_dma source(%dma_start3A_78 : memref<80x64xf32, #tpu.memory_space<vmem>>) target(%dma_start3A_84 : memref<10112x64xf32, #tpu.memory_space<vmem_shared>>) offsets(%dma_start3A_81 : memref<80xi32, #tpu.memory_space<vmem>>) semaphore(%run_scoped3A_75 : memref<!tpu.dma_semaphore, #tpu.memory_space<semaphore_mem>>) {add = true}
      %dma_wait3A_85 = arith.constant 240 : i32
      %dma_wait3A_86 = arith.constant 0 : i32
      %dma_wait3A_87 = tpu.memref_slice %arg8[%dma_wait3A_85, %dma_wait3A_86] : memref<400x64xf32, #tpu.memory_space<vmem>> -> memref<80x64xf32, #tpu.memory_space<vmem>>
      %dma_wait3A_88 = arith.constant 0 : i32
      %dma_wait3A_89 = tpu.memref_slice %arg7[%run_scoped3A_68, %dma_wait3A_88] : memref<125x80xi32, #tpu.memory_space<vmem>> -> memref<1x80xi32, #tpu.memory_space<vmem>>
      %dma_wait3A_90 = tpu.memref_squeeze %dma_wait3A_89 : memref<1x80xi32, #tpu.memory_space<vmem>> -> memref<80xi32, #tpu.memory_space<vmem>>
      %dma_wait3A_91 = arith.constant 0 : i32
      %dma_wait3A_92 = arith.constant 0 : i32
      %dma_wait3A_93 = tpu.memref_slice %arg10[%dma_wait3A_91, %dma_wait3A_92] : memref<10112x64xf32, #tpu.memory_space<vmem_shared>> -> memref<10112x64xf32, #tpu.memory_space<vmem_shared>>
      tpu.wait_indirect_dma semaphore(%run_scoped3A_75 : memref<!tpu.dma_semaphore, #tpu.memory_space<semaphore_mem>>) src(%dma_wait3A_87 : memref<80x64xf32, #tpu.memory_space<vmem>>) dst(%dma_wait3A_93 : memref<10112x64xf32, #tpu.memory_space<vmem_shared>>)
      tpu.yield
    }) : () -> ()
    %run_scoped3A_69 = arith.constant 124 : i32
    "tpu.region"() ({
      %run_scoped3A_75 = tpu.sem_alloc : memref<!tpu.dma_semaphore, #tpu.memory_space<semaphore_mem>>
      %dma_start3A_76 = arith.constant 320 : i32
      %dma_start3A_77 = arith.constant 0 : i32
      %dma_start3A_78 = tpu.memref_slice %arg8[%dma_start3A_76, %dma_start3A_77] : memref<400x64xf32, #tpu.memory_space<vmem>> -> memref<80x64xf32, #tpu.memory_space<vmem>>
      %dma_start3A_79 = arith.constant 0 : i32
      %dma_start3A_80 = tpu.memref_slice %arg7[%run_scoped3A_69, %dma_start3A_79] : memref<125x80xi32, #tpu.memory_space<vmem>> -> memref<1x80xi32, #tpu.memory_space<vmem>>
      %dma_start3A_81 = tpu.memref_squeeze %dma_start3A_80 : memref<1x80xi32, #tpu.memory_space<vmem>> -> memref<80xi32, #tpu.memory_space<vmem>>
      %dma_start3A_82 = arith.constant 0 : i32
      %dma_start3A_83 = arith.constant 0 : i32
      %dma_start3A_84 = tpu.memref_slice %arg10[%dma_start3A_82, %dma_start3A_83] : memref<10112x64xf32, #tpu.memory_space<vmem_shared>> -> memref<10112x64xf32, #tpu.memory_space<vmem_shared>>
      tpu.enqueue_indirect_dma source(%dma_start3A_78 : memref<80x64xf32, #tpu.memory_space<vmem>>) target(%dma_start3A_84 : memref<10112x64xf32, #tpu.memory_space<vmem_shared>>) offsets(%dma_start3A_81 : memref<80xi32, #tpu.memory_space<vmem>>) semaphore(%run_scoped3A_75 : memref<!tpu.dma_semaphore, #tpu.memory_space<semaphore_mem>>) {add = true}
      %dma_wait3A_85 = arith.constant 320 : i32
      %dma_wait3A_86 = arith.constant 0 : i32
      %dma_wait3A_87 = tpu.memref_slice %arg8[%dma_wait3A_85, %dma_wait3A_86] : memref<400x64xf32, #tpu.memory_space<vmem>> -> memref<80x64xf32, #tpu.memory_space<vmem>>
      %dma_wait3A_88 = arith.constant 0 : i32
      %dma_wait3A_89 = tpu.memref_slice %arg7[%run_scoped3A_69, %dma_wait3A_88] : memref<125x80xi32, #tpu.memory_space<vmem>> -> memref<1x80xi32, #tpu.memory_space<vmem>>
      %dma_wait3A_90 = tpu.memref_squeeze %dma_wait3A_89 : memref<1x80xi32, #tpu.memory_space<vmem>> -> memref<80xi32, #tpu.memory_space<vmem>>
      %dma_wait3A_91 = arith.constant 0 : i32
      %dma_wait3A_92 = arith.constant 0 : i32
      %dma_wait3A_93 = tpu.memref_slice %arg10[%dma_wait3A_91, %dma_wait3A_92] : memref<10112x64xf32, #tpu.memory_space<vmem_shared>> -> memref<10112x64xf32, #tpu.memory_space<vmem_shared>>
      tpu.wait_indirect_dma semaphore(%run_scoped3A_75 : memref<!tpu.dma_semaphore, #tpu.memory_space<semaphore_mem>>) src(%dma_wait3A_87 : memref<80x64xf32, #tpu.memory_space<vmem>>) dst(%dma_wait3A_93 : memref<10112x64xf32, #tpu.memory_space<vmem_shared>>)
      tpu.yield
    }) : () -> ()
    %barrier3A_70 = arith.constant 0 : index
    tpu.barrier barrier_id(%barrier3A_70)
    %mul3A_71 = arith.constant 632 : i32
    %mul3A_72 = arith.muli %arg1, %mul3A_71 : i32
    %mul3A_73 = arith.constant 632 : i32
    %mul3A_74 = arith.muli %arg1, %mul3A_73 : i32
    "tpu.region"() ({
      %run_scoped3A_75 = tpu.sem_alloc : memref<!tpu.dma_semaphore, #tpu.memory_space<semaphore_mem>>
      %dma_start3A_76 = arith.constant 0 : i32
      %dma_start3A_77 = tpu.memref_slice %arg5[%arg0, %mul3A_74, %dma_start3A_76] : memref<2x10112x64xf32, #tpu.memory_space<hbm>> -> memref<1x632x64xf32, #tpu.memory_space<hbm>>
      %dma_start3A_78 = tpu.memref_squeeze %dma_start3A_77 : memref<1x632x64xf32, #tpu.memory_space<hbm>> -> memref<632x64xf32, #tpu.memory_space<hbm>>
      %dma_start3A_79 = arith.constant 0 : i32
      %dma_start3A_80 = tpu.memref_slice %arg10[%mul3A_72, %dma_start3A_79] : memref<10112x64xf32, #tpu.memory_space<vmem_shared>> -> memref<632x64xf32, #tpu.memory_space<vmem_shared>>
      tpu.enqueue_dma source(%dma_start3A_80 : memref<632x64xf32, #tpu.memory_space<vmem_shared>>) target(%dma_start3A_78 : memref<632x64xf32, #tpu.memory_space<hbm>>) target_semaphore(%run_scoped3A_75 : memref<!tpu.dma_semaphore, #tpu.memory_space<semaphore_mem>>)
      %dma_wait3A_81 = arith.constant 0 : i32
      %dma_wait3A_82 = tpu.memref_slice %arg5[%arg0, %mul3A_74, %dma_wait3A_81] : memref<2x10112x64xf32, #tpu.memory_space<hbm>> -> memref<1x632x64xf32, #tpu.memory_space<hbm>>
      %dma_wait3A_83 = tpu.memref_squeeze %dma_wait3A_82 : memref<1x632x64xf32, #tpu.memory_space<hbm>> -> memref<632x64xf32, #tpu.memory_space<hbm>>
      %dma_wait3A_84 = arith.constant 0 : i32
      %dma_wait3A_85 = tpu.memref_slice %arg10[%mul3A_72, %dma_wait3A_84] : memref<10112x64xf32, #tpu.memory_space<vmem_shared>> -> memref<632x64xf32, #tpu.memory_space<vmem_shared>>
      tpu.wait_dma2 semaphore(%run_scoped3A_75 : memref<!tpu.dma_semaphore, #tpu.memory_space<semaphore_mem>>) src(%dma_wait3A_85 : memref<632x64xf32, #tpu.memory_space<vmem_shared>>) dst(%dma_wait3A_83 : memref<632x64xf32, #tpu.memory_space<hbm>>)
      tpu.yield
    }) : () -> ()
    return
  }
}

#map = affine_map<(d0, d1) -> (0, 0, 0, 0)>
#map1 = affine_map<(d0, d1) -> (0, 0)>
#map2 = affine_map<(d0, d1) -> (0, 0, 0)>
module attributes {stable_mosaic.version = 14 : i64} {
  func.func @deg(%arg0: i32, %arg1: i32, %arg2: memref<2x32x125x80xi32, #tpu.memory_space<hbm>>, %arg3: memref<10112x16xf32, #tpu.memory_space<hbm>>, %arg4: memref<2x10112x16xf32, #tpu.memory_space<hbm>>, %arg5: memref<125x80xi32, #tpu.memory_space<vmem>>, %arg6: memref<80x16xf32, #tpu.memory_space<vmem>>, %arg7: memref<10112x16xf32, #tpu.memory_space<vmem_shared>>) attributes {dimension_semantics = [#tpu.dimension_semantics<core_parallel>, #tpu.dimension_semantics<subcore_parallel>], iteration_bounds = array<i64: 2, 16>, scalar_prefetch = 0 : i64, scratch_operands = 3 : i64, tpu.core_type = #tpu.core_type<sc_vector_subcore>, window_params = [{transform_indices = #map}, {transform_indices = #map1}, {transform_indices = #map2}]} {
    %mul3A = arith.constant 16 : i32
    %mul3A_0 = arith.muli %arg0, %mul3A : i32
    %add3A = arith.addi %mul3A_0, %arg1 : i32
    %scan3A = arith.constant 0 : i32
    %scan3A_1 = arith.constant 0 : i32
    %scan3A_2 = arith.constant 80 : i32
    %scan3A_3 = arith.addi %scan3A_1, %scan3A_2 : i32
    %scan3A_4 = arith.constant 1 : i32
    scf.for %scan3A_21 = %scan3A_1 to %scan3A_3 step %scan3A_4  : i32 {
      %broadcast_in_dim3A = arith.constant 1.000000e+00 : f32
      %broadcast_in_dim3A_22 = vector.broadcast %broadcast_in_dim3A : f32 to vector<16xf32>
      %swap3A = arith.index_cast %scan3A_21 : i32 to index
      %swap3A_23 = arith.constant 0 : index
      %swap3A_24 = tpu.vector_load %arg6[%swap3A, %swap3A_23] {strides = array<i32>} : memref<80x16xf32, #tpu.memory_space<vmem>>, vector<1x16xf32>,
      %swap3A_25 = vector.shape_cast %swap3A_24 : vector<1x16xf32> to vector<16xf32>
      %swap3A_26 = vector.shape_cast %broadcast_in_dim3A_22 : vector<16xf32> to vector<1x16xf32>
      tpu.vector_store %arg6[%swap3A, %swap3A_23], %swap3A_26 {strides = array<i32>} : memref<80x16xf32, #tpu.memory_space<vmem>>, vector<1x16xf32>,
    }
    %scan3A_5 = arith.constant 80 : i32
    %mul3A_6 = arith.constant 632 : i32
    %mul3A_7 = arith.muli %arg1, %mul3A_6 : i32
    %mul3A_8 = arith.constant 632 : i32
    %mul3A_9 = arith.muli %arg1, %mul3A_8 : i32
    "tpu.region"() ({
      %run_scoped3A_21 = tpu.sem_alloc : memref<!tpu.dma_semaphore, #tpu.memory_space<semaphore_mem>>
      %dma_start3A = arith.constant 0 : i32
      %dma_start3A_22 = tpu.memref_slice %arg7[%mul3A_9, %dma_start3A] : memref<10112x16xf32, #tpu.memory_space<vmem_shared>> -> memref<632x16xf32, #tpu.memory_space<vmem_shared>>
      %dma_start3A_23 = arith.constant 0 : i32
      %dma_start3A_24 = tpu.memref_slice %arg3[%mul3A_7, %dma_start3A_23] : memref<10112x16xf32, #tpu.memory_space<hbm>> -> memref<632x16xf32, #tpu.memory_space<hbm>>
      tpu.enqueue_dma source(%dma_start3A_24 : memref<632x16xf32, #tpu.memory_space<hbm>>) target(%dma_start3A_22 : memref<632x16xf32, #tpu.memory_space<vmem_shared>>) target_semaphore(%run_scoped3A_21 : memref<!tpu.dma_semaphore, #tpu.memory_space<semaphore_mem>>)
      %dma_wait3A = arith.constant 0 : i32
      %dma_wait3A_25 = tpu.memref_slice %arg7[%mul3A_9, %dma_wait3A] : memref<10112x16xf32, #tpu.memory_space<vmem_shared>> -> memref<632x16xf32, #tpu.memory_space<vmem_shared>>
      %dma_wait3A_26 = arith.constant 0 : i32
      %dma_wait3A_27 = tpu.memref_slice %arg3[%mul3A_7, %dma_wait3A_26] : memref<10112x16xf32, #tpu.memory_space<hbm>> -> memref<632x16xf32, #tpu.memory_space<hbm>>
      tpu.wait_dma2 semaphore(%run_scoped3A_21 : memref<!tpu.dma_semaphore, #tpu.memory_space<semaphore_mem>>) src(%dma_wait3A_27 : memref<632x16xf32, #tpu.memory_space<hbm>>) dst(%dma_wait3A_25 : memref<632x16xf32, #tpu.memory_space<vmem_shared>>)
      tpu.yield
    }) : () -> ()
    %run_scoped3A = arith.constant 1 : i32
    "tpu.region"() ({
      %run_scoped3A_21 = tpu.sem_alloc : memref<!tpu.dma_semaphore, #tpu.memory_space<semaphore_mem>>
      %dma_start3A = arith.constant 0 : i32
      %dma_start3A_22 = arith.constant 0 : i32
      %dma_start3A_23 = tpu.memref_slice %arg2[%run_scoped3A, %add3A, %dma_start3A, %dma_start3A_22] : memref<2x32x125x80xi32, #tpu.memory_space<hbm>> -> memref<1x1x125x80xi32, #tpu.memory_space<hbm>>
      %dma_start3A_24 = tpu.memref_squeeze %dma_start3A_23 : memref<1x1x125x80xi32, #tpu.memory_space<hbm>> -> memref<125x80xi32, #tpu.memory_space<hbm>>
      %dma_start3A_25 = arith.constant 0 : i32
      %dma_start3A_26 = arith.constant 0 : i32
      %dma_start3A_27 = tpu.memref_slice %arg2[%run_scoped3A, %add3A, %dma_start3A_25, %dma_start3A_26] : memref<2x32x125x80xi32, #tpu.memory_space<hbm>> -> memref<1x1x125x80xi32, #tpu.memory_space<hbm>>
      %dma_start3A_28 = tpu.memref_squeeze %dma_start3A_27 : memref<1x1x125x80xi32, #tpu.memory_space<hbm>> -> memref<125x80xi32, #tpu.memory_space<hbm>>
      tpu.enqueue_dma source(%dma_start3A_28 : memref<125x80xi32, #tpu.memory_space<hbm>>) target(%arg5 : memref<125x80xi32, #tpu.memory_space<vmem>>) target_semaphore(%run_scoped3A_21 : memref<!tpu.dma_semaphore, #tpu.memory_space<semaphore_mem>>)
      %dma_wait3A = arith.constant 0 : i32
      %dma_wait3A_29 = arith.constant 0 : i32
      %dma_wait3A_30 = tpu.memref_slice %arg2[%run_scoped3A, %add3A, %dma_wait3A, %dma_wait3A_29] : memref<2x32x125x80xi32, #tpu.memory_space<hbm>> -> memref<1x1x125x80xi32, #tpu.memory_space<hbm>>
      %dma_wait3A_31 = tpu.memref_squeeze %dma_wait3A_30 : memref<1x1x125x80xi32, #tpu.memory_space<hbm>> -> memref<125x80xi32, #tpu.memory_space<hbm>>
      %dma_wait3A_32 = arith.constant 0 : i32
      %dma_wait3A_33 = arith.constant 0 : i32
      %dma_wait3A_34 = tpu.memref_slice %arg2[%run_scoped3A, %add3A, %dma_wait3A_32, %dma_wait3A_33] : memref<2x32x125x80xi32, #tpu.memory_space<hbm>> -> memref<1x1x125x80xi32, #tpu.memory_space<hbm>>
      %dma_wait3A_35 = tpu.memref_squeeze %dma_wait3A_34 : memref<1x1x125x80xi32, #tpu.memory_space<hbm>> -> memref<125x80xi32, #tpu.memory_space<hbm>>
      tpu.wait_dma2 semaphore(%run_scoped3A_21 : memref<!tpu.dma_semaphore, #tpu.memory_space<semaphore_mem>>) src(%dma_wait3A_35 : memref<125x80xi32, #tpu.memory_space<hbm>>) dst(%arg5 : memref<125x80xi32, #tpu.memory_space<vmem>>)
      tpu.yield
    }) : () -> ()
    %barrier3A = arith.constant 0 : index
    tpu.barrier barrier_id(%barrier3A)
    %scan3A_10 = arith.constant 0 : i32
    %scan3A_11 = arith.constant 0 : i32
    %scan3A_12 = arith.constant 125 : i32
    %scan3A_13 = arith.addi %scan3A_11, %scan3A_12 : i32
    %scan3A_14 = arith.constant 1 : i32
    scf.for %scan3A_21 = %scan3A_11 to %scan3A_13 step %scan3A_14  : i32 {
      "tpu.region"() ({
        %run_scoped3A_22 = tpu.sem_alloc : memref<!tpu.dma_semaphore, #tpu.memory_space<semaphore_mem>>
        %dma_start3A = arith.constant 0 : i32
        %dma_start3A_23 = tpu.memref_slice %arg5[%scan3A_21, %dma_start3A] : memref<125x80xi32, #tpu.memory_space<vmem>> -> memref<1x80xi32, #tpu.memory_space<vmem>>
        %dma_start3A_24 = tpu.memref_squeeze %dma_start3A_23 : memref<1x80xi32, #tpu.memory_space<vmem>> -> memref<80xi32, #tpu.memory_space<vmem>>
        %dma_start3A_25 = arith.constant 0 : i32
        %dma_start3A_26 = arith.constant 0 : i32
        %dma_start3A_27 = tpu.memref_slice %arg7[%dma_start3A_25, %dma_start3A_26] : memref<10112x16xf32, #tpu.memory_space<vmem_shared>> -> memref<10112x16xf32, #tpu.memory_space<vmem_shared>>
        tpu.enqueue_indirect_dma source(%arg6 : memref<80x16xf32, #tpu.memory_space<vmem>>) target(%dma_start3A_27 : memref<10112x16xf32, #tpu.memory_space<vmem_shared>>) offsets(%dma_start3A_24 : memref<80xi32, #tpu.memory_space<vmem>>) semaphore(%run_scoped3A_22 : memref<!tpu.dma_semaphore, #tpu.memory_space<semaphore_mem>>) {add = true}
        %dma_wait3A = arith.constant 0 : i32
        %dma_wait3A_28 = tpu.memref_slice %arg5[%scan3A_21, %dma_wait3A] : memref<125x80xi32, #tpu.memory_space<vmem>> -> memref<1x80xi32, #tpu.memory_space<vmem>>
        %dma_wait3A_29 = tpu.memref_squeeze %dma_wait3A_28 : memref<1x80xi32, #tpu.memory_space<vmem>> -> memref<80xi32, #tpu.memory_space<vmem>>
        %dma_wait3A_30 = arith.constant 0 : i32
        %dma_wait3A_31 = arith.constant 0 : i32
        %dma_wait3A_32 = tpu.memref_slice %arg7[%dma_wait3A_30, %dma_wait3A_31] : memref<10112x16xf32, #tpu.memory_space<vmem_shared>> -> memref<10112x16xf32, #tpu.memory_space<vmem_shared>>
        tpu.wait_indirect_dma semaphore(%run_scoped3A_22 : memref<!tpu.dma_semaphore, #tpu.memory_space<semaphore_mem>>) src(%arg6 : memref<80x16xf32, #tpu.memory_space<vmem>>) dst(%dma_wait3A_32 : memref<10112x16xf32, #tpu.memory_space<vmem_shared>>)
        tpu.yield
      }) : () -> ()
    }
    %scan3A_15 = arith.constant 125 : i32
    %barrier3A_16 = arith.constant 0 : index
    tpu.barrier barrier_id(%barrier3A_16)
    %mul3A_17 = arith.constant 632 : i32
    %mul3A_18 = arith.muli %arg1, %mul3A_17 : i32
    %mul3A_19 = arith.constant 632 : i32
    %mul3A_20 = arith.muli %arg1, %mul3A_19 : i32
    "tpu.region"() ({
      %run_scoped3A_21 = tpu.sem_alloc : memref<!tpu.dma_semaphore, #tpu.memory_space<semaphore_mem>>
      %dma_start3A = arith.constant 0 : i32
      %dma_start3A_22 = tpu.memref_slice %arg4[%arg0, %mul3A_20, %dma_start3A] : memref<2x10112x16xf32, #tpu.memory_space<hbm>> -> memref<1x632x16xf32, #tpu.memory_space<hbm>>
      %dma_start3A_23 = tpu.memref_squeeze %dma_start3A_22 : memref<1x632x16xf32, #tpu.memory_space<hbm>> -> memref<632x16xf32, #tpu.memory_space<hbm>>
      %dma_start3A_24 = arith.constant 0 : i32
      %dma_start3A_25 = tpu.memref_slice %arg7[%mul3A_18, %dma_start3A_24] : memref<10112x16xf32, #tpu.memory_space<vmem_shared>> -> memref<632x16xf32, #tpu.memory_space<vmem_shared>>
      tpu.enqueue_dma source(%dma_start3A_25 : memref<632x16xf32, #tpu.memory_space<vmem_shared>>) target(%dma_start3A_23 : memref<632x16xf32, #tpu.memory_space<hbm>>) target_semaphore(%run_scoped3A_21 : memref<!tpu.dma_semaphore, #tpu.memory_space<semaphore_mem>>)
      %dma_wait3A = arith.constant 0 : i32
      %dma_wait3A_26 = tpu.memref_slice %arg4[%arg0, %mul3A_20, %dma_wait3A] : memref<2x10112x16xf32, #tpu.memory_space<hbm>> -> memref<1x632x16xf32, #tpu.memory_space<hbm>>
      %dma_wait3A_27 = tpu.memref_squeeze %dma_wait3A_26 : memref<1x632x16xf32, #tpu.memory_space<hbm>> -> memref<632x16xf32, #tpu.memory_space<hbm>>
      %dma_wait3A_28 = arith.constant 0 : i32
      %dma_wait3A_29 = tpu.memref_slice %arg7[%mul3A_18, %dma_wait3A_28] : memref<10112x16xf32, #tpu.memory_space<vmem_shared>> -> memref<632x16xf32, #tpu.memory_space<vmem_shared>>
      tpu.wait_dma2 semaphore(%run_scoped3A_21 : memref<!tpu.dma_semaphore, #tpu.memory_space<semaphore_mem>>) src(%dma_wait3A_29 : memref<632x16xf32, #tpu.memory_space<vmem_shared>>) dst(%dma_wait3A_27 : memref<632x16xf32, #tpu.memory_space<hbm>>)
      tpu.yield
    }) : () -> ()
    return
  }
}

module attributes {stable_mosaic.version = 14 : i64} {
  func.func @_tc_first(%arg0: i32, %arg1: memref<2x2000x16xf32, #tpu.memory_space<vmem>>, %arg2: memref<2000x128xf32, #tpu.memory_space<vmem>>, %arg3: memref<128x64xf32, #tpu.memory_space<vmem>>, %arg4: memref<2000x64xf32, #tpu.memory_space<vmem>>) attributes {dimension_semantics = [#tpu.dimension_semantics<arbitrary>], iteration_bounds = array<i64: 5>, scalar_prefetch = 0 : i64, scratch_operands = 0 : i64, tpu.core_type = #tpu.core_type<tc>, window_params = [{transform_indices = @transform_0, window_bounds = array<i64: 2, 2000, 16>}, {transform_indices = @transform_1, window_bounds = array<i64: 2000, 128>}, {pipeline_mode = #tpu.pipeline_mode<synchronous>, transform_indices = @transform_2, window_bounds = array<i64: 128, 64>}, {transform_indices = @transform_3, window_bounds = array<i64: 2000, 64>}]} {
    %get3A = arith.constant 0 : index
    %get3A_0 = arith.constant 0 : index
    %get3A_1 = vector.load %arg2[%get3A, %get3A_0] : memref<2000x128xf32, #tpu.memory_space<vmem>>, vector<2000x128xf32>
    %get3A_2 = arith.constant 0 : index
    %get3A_3 = arith.constant 0 : index
    %get3A_4 = vector.load %arg3[%get3A_2, %get3A_3] : memref<128x64xf32, #tpu.memory_space<vmem>>, vector<128x64xf32>
    %dot_general3A = arith.constant dense<0.000000e+00> : vector<2000x64xf32>
    %dot_general3A_5 = tpu.matmul %get3A_1, %get3A_4, %dot_general3A {dimension_numbers = #tpu.dot_dimension_numbers<[1], [0], [0], [1], [0, 0, 1, 1], [], []>, transpose_lhs_hint = false} : vector<2000x128xf32>, vector<128x64xf32>, vector<2000x64xf32> -> vector<2000x64xf32>
    %get3A_6 = arith.constant 0 : index
    %get3A_7 = arith.constant 0 : index
    %get3A_8 = arith.constant 0 : index
    %get3A_9 = vector.load %arg1[%get3A_6, %get3A_7, %get3A_8] : memref<2x2000x16xf32, #tpu.memory_space<vmem>>, vector<1x2000x1xf32>
    %get3A_10 = vector.shape_cast %get3A_9 : vector<1x2000x1xf32> to vector<2000x1xf32>
    %get3A_11 = arith.constant 1 : index
    %get3A_12 = arith.constant 0 : index
    %get3A_13 = arith.constant 0 : index
    %get3A_14 = vector.load %arg1[%get3A_11, %get3A_12, %get3A_13] : memref<2x2000x16xf32, #tpu.memory_space<vmem>>, vector<1x2000x1xf32>
    %get3A_15 = vector.shape_cast %get3A_14 : vector<1x2000x1xf32> to vector<2000x1xf32>
    %add3A = arith.addf %get3A_10, %get3A_15 : vector<2000x1xf32>
    %add3A_16 = arith.constant 1.000000e+00 : f32
    %add3A_17 = vector.broadcast %add3A_16 : f32 to vector<2000x1xf32>
    %add3A_18 = arith.addf %add3A, %add3A_17 : vector<2000x1xf32>
    %rsqrt3A = math.rsqrt %add3A_18 : vector<2000x1xf32>
    %mul3A = vector.broadcast %rsqrt3A : vector<2000x1xf32> to vector<2000x64xf32>
    %mul3A_19 = arith.mulf %dot_general3A_5, %mul3A : vector<2000x64xf32>
    %swap3A = arith.constant 0 : index
    %swap3A_20 = arith.constant 0 : index
    %swap3A_21 = vector.load %arg4[%swap3A, %swap3A_20] : memref<2000x64xf32, #tpu.memory_space<vmem>>, vector<2000x64xf32>
    tpu.vector_store %arg4[%swap3A, %swap3A_20], %mul3A_19 {strides = array<i32>} : memref<2000x64xf32, #tpu.memory_space<vmem>>, vector<2000x64xf32>,
    return
  }
  func.func @transform_0(%arg0: i32) -> (i32, i32, i32) {
    %c0_i32 = arith.constant 0 : i32
    %c0_i32_0 = arith.constant 0 : i32
    %c0_i32_1 = arith.constant 0 : i32
    return %c0_i32, %arg0, %c0_i32_0 : i32, i32, i32
  }
  func.func @transform_1(%arg0: i32) -> (i32, i32) {
    %c0_i32 = arith.constant 0 : i32
    %c0_i32_0 = arith.constant 0 : i32
    return %arg0, %c0_i32 : i32, i32
  }
  func.func @transform_2(%arg0: i32) -> (i32, i32) {
    %c0_i32 = arith.constant 0 : i32
    %c0_i32_0 = arith.constant 0 : i32
    %c0_i32_1 = arith.constant 0 : i32
    return %c0_i32, %c0_i32_0 : i32, i32
  }
  func.func @transform_3(%arg0: i32) -> (i32, i32) {
    %c0_i32 = arith.constant 0 : i32
    %c0_i32_0 = arith.constant 0 : i32
    return %arg0, %c0_i32 : i32, i32
  }
}

module attributes {stable_mosaic.version = 14 : i64} {
  func.func @_tc_mid(%arg0: i32, %arg1: memref<2x2000x16xf32, #tpu.memory_space<vmem>>, %arg2: memref<2x2000x64xf32, #tpu.memory_space<vmem>>, %arg3: memref<2000x64xf32, #tpu.memory_space<vmem>>, %arg4: memref<1x64xf32, #tpu.memory_space<vmem>>, %arg5: memref<64x64xf32, #tpu.memory_space<vmem>>, %arg6: memref<2000x64xf32, #tpu.memory_space<vmem>>) attributes {dimension_semantics = [#tpu.dimension_semantics<arbitrary>], iteration_bounds = array<i64: 5>, scalar_prefetch = 0 : i64, scratch_operands = 0 : i64, tpu.core_type = #tpu.core_type<tc>, window_params = [{transform_indices = @transform_0, window_bounds = array<i64: 2, 2000, 16>}, {transform_indices = @transform_1, window_bounds = array<i64: 2, 2000, 64>}, {transform_indices = @transform_2, window_bounds = array<i64: 2000, 64>}, {pipeline_mode = #tpu.pipeline_mode<synchronous>, transform_indices = @transform_3, window_bounds = array<i64: 1, 64>}, {pipeline_mode = #tpu.pipeline_mode<synchronous>, transform_indices = @transform_4, window_bounds = array<i64: 64, 64>}, {transform_indices = @transform_5, window_bounds = array<i64: 2000, 64>}]} {
    %get3A = arith.constant 0 : index
    %get3A_0 = arith.constant 0 : index
    %get3A_1 = arith.constant 0 : index
    %get3A_2 = vector.load %arg1[%get3A, %get3A_0, %get3A_1] : memref<2x2000x16xf32, #tpu.memory_space<vmem>>, vector<1x2000x1xf32>
    %get3A_3 = vector.shape_cast %get3A_2 : vector<1x2000x1xf32> to vector<2000x1xf32>
    %get3A_4 = arith.constant 1 : index
    %get3A_5 = arith.constant 0 : index
    %get3A_6 = arith.constant 0 : index
    %get3A_7 = vector.load %arg1[%get3A_4, %get3A_5, %get3A_6] : memref<2x2000x16xf32, #tpu.memory_space<vmem>>, vector<1x2000x1xf32>
    %get3A_8 = vector.shape_cast %get3A_7 : vector<1x2000x1xf32> to vector<2000x1xf32>
    %add3A = arith.addf %get3A_3, %get3A_8 : vector<2000x1xf32>
    %add3A_9 = arith.constant 1.000000e+00 : f32
    %add3A_10 = vector.broadcast %add3A_9 : f32 to vector<2000x1xf32>
    %add3A_11 = arith.addf %add3A, %add3A_10 : vector<2000x1xf32>
    %rsqrt3A = math.rsqrt %add3A_11 : vector<2000x1xf32>
    %get3A_12 = arith.constant 0 : index
    %get3A_13 = arith.constant 0 : index
    %get3A_14 = arith.constant 0 : index
    %get3A_15 = vector.load %arg2[%get3A_12, %get3A_13, %get3A_14] : memref<2x2000x64xf32, #tpu.memory_space<vmem>>, vector<1x2000x64xf32>
    %get3A_16 = vector.shape_cast %get3A_15 : vector<1x2000x64xf32> to vector<2000x64xf32>
    %get3A_17 = arith.constant 1 : index
    %get3A_18 = arith.constant 0 : index
    %get3A_19 = arith.constant 0 : index
    %get3A_20 = vector.load %arg2[%get3A_17, %get3A_18, %get3A_19] : memref<2x2000x64xf32, #tpu.memory_space<vmem>>, vector<1x2000x64xf32>
    %get3A_21 = vector.shape_cast %get3A_20 : vector<1x2000x64xf32> to vector<2000x64xf32>
    %add3A_22 = arith.addf %get3A_16, %get3A_21 : vector<2000x64xf32>
    %get3A_23 = arith.constant 0 : index
    %get3A_24 = arith.constant 0 : index
    %get3A_25 = vector.load %arg3[%get3A_23, %get3A_24] : memref<2000x64xf32, #tpu.memory_space<vmem>>, vector<2000x64xf32>
    %add3A_26 = arith.addf %add3A_22, %get3A_25 : vector<2000x64xf32>
    %mul3A = vector.broadcast %rsqrt3A : vector<2000x1xf32> to vector<2000x64xf32>
    %mul3A_27 = arith.mulf %mul3A, %add3A_26 : vector<2000x64xf32>
    %get3A_28 = arith.constant 0 : index
    %get3A_29 = arith.constant 0 : index
    %get3A_30 = vector.load %arg4[%get3A_28, %get3A_29] : memref<1x64xf32, #tpu.memory_space<vmem>>, vector<1x64xf32>
    %add3A_31 = vector.broadcast %get3A_30 : vector<1x64xf32> to vector<2000x64xf32>
    %add3A_32 = arith.addf %mul3A_27, %add3A_31 : vector<2000x64xf32>
    %max3A = arith.constant 0.000000e+00 : f32
    %max3A_33 = vector.broadcast %max3A : f32 to vector<2000x64xf32>
    %max3A_34 = arith.maximumf %add3A_32, %max3A_33 : vector<2000x64xf32>
    %get3A_35 = arith.constant 0 : index
    %get3A_36 = arith.constant 0 : index
    %get3A_37 = vector.load %arg5[%get3A_35, %get3A_36] : memref<64x64xf32, #tpu.memory_space<vmem>>, vector<64x64xf32>
    %dot_general3A = arith.constant dense<0.000000e+00> : vector<2000x64xf32>
    %dot_general3A_38 = tpu.matmul %max3A_34, %get3A_37, %dot_general3A {dimension_numbers = #tpu.dot_dimension_numbers<[1], [0], [0], [1], [0, 0, 1, 1], [], []>, transpose_lhs_hint = false} : vector<2000x64xf32>, vector<64x64xf32>, vector<2000x64xf32> -> vector<2000x64xf32>
    %mul3A_39 = vector.broadcast %rsqrt3A : vector<2000x1xf32> to vector<2000x64xf32>
    %mul3A_40 = arith.mulf %dot_general3A_38, %mul3A_39 : vector<2000x64xf32>
    %swap3A = arith.constant 0 : index
    %swap3A_41 = arith.constant 0 : index
    %swap3A_42 = vector.load %arg6[%swap3A, %swap3A_41] : memref<2000x64xf32, #tpu.memory_space<vmem>>, vector<2000x64xf32>
    tpu.vector_store %arg6[%swap3A, %swap3A_41], %mul3A_40 {strides = array<i32>} : memref<2000x64xf32, #tpu.memory_space<vmem>>, vector<2000x64xf32>,
    return
  }
  func.func @transform_0(%arg0: i32) -> (i32, i32, i32) {
    %c0_i32 = arith.constant 0 : i32
    %c0_i32_0 = arith.constant 0 : i32
    %c0_i32_1 = arith.constant 0 : i32
    return %c0_i32, %arg0, %c0_i32_0 : i32, i32, i32
  }
  func.func @transform_1(%arg0: i32) -> (i32, i32, i32) {
    %c0_i32 = arith.constant 0 : i32
    %c0_i32_0 = arith.constant 0 : i32
    %c0_i32_1 = arith.constant 0 : i32
    return %c0_i32, %arg0, %c0_i32_0 : i32, i32, i32
  }
  func.func @transform_2(%arg0: i32) -> (i32, i32) {
    %c0_i32 = arith.constant 0 : i32
    %c0_i32_0 = arith.constant 0 : i32
    return %arg0, %c0_i32 : i32, i32
  }
  func.func @transform_3(%arg0: i32) -> (i32, i32) {
    %c0_i32 = arith.constant 0 : i32
    %c0_i32_0 = arith.constant 0 : i32
    %c0_i32_1 = arith.constant 0 : i32
    return %c0_i32, %c0_i32_0 : i32, i32
  }
  func.func @transform_4(%arg0: i32) -> (i32, i32) {
    %c0_i32 = arith.constant 0 : i32
    %c0_i32_0 = arith.constant 0 : i32
    %c0_i32_1 = arith.constant 0 : i32
    return %c0_i32, %c0_i32_0 : i32, i32
  }
  func.func @transform_5(%arg0: i32) -> (i32, i32) {
    %c0_i32 = arith.constant 0 : i32
    %c0_i32_0 = arith.constant 0 : i32
    return %arg0, %c0_i32 : i32, i32
  }
}

module attributes {stable_mosaic.version = 14 : i64} {
  func.func @_tc_last(%arg0: i32, %arg1: memref<2x2000x16xf32, #tpu.memory_space<vmem>>, %arg2: memref<2x2000x64xf32, #tpu.memory_space<vmem>>, %arg3: memref<2000x64xf32, #tpu.memory_space<vmem>>, %arg4: memref<1x64xf32, #tpu.memory_space<vmem>>, %arg5: memref<64x2xf32, #tpu.memory_space<vmem>>, %arg6: memref<1x2xf32, #tpu.memory_space<vmem>>, %arg7: memref<2000x1xf32, #tpu.memory_space<vmem>>, %arg8: memref<2000x1xf32, #tpu.memory_space<vmem>>) attributes {dimension_semantics = [#tpu.dimension_semantics<arbitrary>], iteration_bounds = array<i64: 5>, scalar_prefetch = 0 : i64, scratch_operands = 0 : i64, tpu.core_type = #tpu.core_type<tc>, window_params = [{transform_indices = @transform_0, window_bounds = array<i64: 2, 2000, 16>}, {transform_indices = @transform_1, window_bounds = array<i64: 2, 2000, 64>}, {transform_indices = @transform_2, window_bounds = array<i64: 2000, 64>}, {pipeline_mode = #tpu.pipeline_mode<synchronous>, transform_indices = @transform_3, window_bounds = array<i64: 1, 64>}, {pipeline_mode = #tpu.pipeline_mode<synchronous>, transform_indices = @transform_4, window_bounds = array<i64: 64, 2>}, {pipeline_mode = #tpu.pipeline_mode<synchronous>, transform_indices = @transform_5, window_bounds = array<i64: 1, 2>}, {transform_indices = @transform_6, window_bounds = array<i64: 2000, 1>}, {transform_indices = @transform_7, window_bounds = array<i64: 2000, 1>}]} {
    %get3A = arith.constant 0 : index
    %get3A_0 = arith.constant 0 : index
    %get3A_1 = arith.constant 0 : index
    %get3A_2 = vector.load %arg1[%get3A, %get3A_0, %get3A_1] : memref<2x2000x16xf32, #tpu.memory_space<vmem>>, vector<1x2000x1xf32>
    %get3A_3 = vector.shape_cast %get3A_2 : vector<1x2000x1xf32> to vector<2000x1xf32>
    %get3A_4 = arith.constant 1 : index
    %get3A_5 = arith.constant 0 : index
    %get3A_6 = arith.constant 0 : index
    %get3A_7 = vector.load %arg1[%get3A_4, %get3A_5, %get3A_6] : memref<2x2000x16xf32, #tpu.memory_space<vmem>>, vector<1x2000x1xf32>
    %get3A_8 = vector.shape_cast %get3A_7 : vector<1x2000x1xf32> to vector<2000x1xf32>
    %add3A = arith.addf %get3A_3, %get3A_8 : vector<2000x1xf32>
    %add3A_9 = arith.constant 1.000000e+00 : f32
    %add3A_10 = vector.broadcast %add3A_9 : f32 to vector<2000x1xf32>
    %add3A_11 = arith.addf %add3A, %add3A_10 : vector<2000x1xf32>
    %rsqrt3A = math.rsqrt %add3A_11 : vector<2000x1xf32>
    %get3A_12 = arith.constant 0 : index
    %get3A_13 = arith.constant 0 : index
    %get3A_14 = arith.constant 0 : index
    %get3A_15 = vector.load %arg2[%get3A_12, %get3A_13, %get3A_14] : memref<2x2000x64xf32, #tpu.memory_space<vmem>>, vector<1x2000x64xf32>
    %get3A_16 = vector.shape_cast %get3A_15 : vector<1x2000x64xf32> to vector<2000x64xf32>
    %get3A_17 = arith.constant 1 : index
    %get3A_18 = arith.constant 0 : index
    %get3A_19 = arith.constant 0 : index
    %get3A_20 = vector.load %arg2[%get3A_17, %get3A_18, %get3A_19] : memref<2x2000x64xf32, #tpu.memory_space<vmem>>, vector<1x2000x64xf32>
    %get3A_21 = vector.shape_cast %get3A_20 : vector<1x2000x64xf32> to vector<2000x64xf32>
    %add3A_22 = arith.addf %get3A_16, %get3A_21 : vector<2000x64xf32>
    %get3A_23 = arith.constant 0 : index
    %get3A_24 = arith.constant 0 : index
    %get3A_25 = vector.load %arg3[%get3A_23, %get3A_24] : memref<2000x64xf32, #tpu.memory_space<vmem>>, vector<2000x64xf32>
    %add3A_26 = arith.addf %add3A_22, %get3A_25 : vector<2000x64xf32>
    %mul3A = vector.broadcast %rsqrt3A : vector<2000x1xf32> to vector<2000x64xf32>
    %mul3A_27 = arith.mulf %mul3A, %add3A_26 : vector<2000x64xf32>
    %get3A_28 = arith.constant 0 : index
    %get3A_29 = arith.constant 0 : index
    %get3A_30 = vector.load %arg4[%get3A_28, %get3A_29] : memref<1x64xf32, #tpu.memory_space<vmem>>, vector<1x64xf32>
    %add3A_31 = vector.broadcast %get3A_30 : vector<1x64xf32> to vector<2000x64xf32>
    %add3A_32 = arith.addf %mul3A_27, %add3A_31 : vector<2000x64xf32>
    %max3A = arith.constant 0.000000e+00 : f32
    %max3A_33 = vector.broadcast %max3A : f32 to vector<2000x64xf32>
    %max3A_34 = arith.maximumf %add3A_32, %max3A_33 : vector<2000x64xf32>
    %get3A_35 = arith.constant 0 : index
    %get3A_36 = arith.constant 0 : index
    %get3A_37 = vector.load %arg5[%get3A_35, %get3A_36] : memref<64x2xf32, #tpu.memory_space<vmem>>, vector<64x2xf32>
    %dot_general3A = arith.constant dense<0.000000e+00> : vector<2000x2xf32>
    %dot_general3A_38 = tpu.matmul %max3A_34, %get3A_37, %dot_general3A {dimension_numbers = #tpu.dot_dimension_numbers<[1], [0], [0], [1], [0, 0, 1, 1], [], []>, transpose_lhs_hint = false} : vector<2000x64xf32>, vector<64x2xf32>, vector<2000x2xf32> -> vector<2000x2xf32>
    %get3A_39 = arith.constant 0 : index
    %get3A_40 = arith.constant 0 : index
    %get3A_41 = vector.load %arg6[%get3A_39, %get3A_40] : memref<1x2xf32, #tpu.memory_space<vmem>>, vector<1x2xf32>
    %add3A_42 = vector.broadcast %get3A_41 : vector<1x2xf32> to vector<2000x2xf32>
    %add3A_43 = arith.addf %dot_general3A_38, %add3A_42 : vector<2000x2xf32>
    %slice3A = vector.extract_strided_slice %add3A_43 {offsets = [0, 0], sizes = [2000, 1], strides = [1, 1]} : vector<2000x2xf32> to vector<2000x1xf32>
    %swap3A = arith.constant 0 : index
    %swap3A_44 = arith.constant 0 : index
    %swap3A_45 = vector.load %arg7[%swap3A, %swap3A_44] : memref<2000x1xf32, #tpu.memory_space<vmem>>, vector<2000x1xf32>
    tpu.vector_store %arg7[%swap3A, %swap3A_44], %slice3A {strides = array<i32>} : memref<2000x1xf32, #tpu.memory_space<vmem>>, vector<2000x1xf32>,
    %slice3A_46 = vector.extract_strided_slice %add3A_43 {offsets = [0, 1], sizes = [2000, 1], strides = [1, 1]} : vector<2000x2xf32> to vector<2000x1xf32>
    %swap3A_47 = arith.constant 0 : index
    %swap3A_48 = arith.constant 0 : index
    %swap3A_49 = vector.load %arg8[%swap3A_47, %swap3A_48] : memref<2000x1xf32, #tpu.memory_space<vmem>>, vector<2000x1xf32>
    tpu.vector_store %arg8[%swap3A_47, %swap3A_48], %slice3A_46 {strides = array<i32>} : memref<2000x1xf32, #tpu.memory_space<vmem>>, vector<2000x1xf32>,
    return
  }
  func.func @transform_0(%arg0: i32) -> (i32, i32, i32) {
    %c0_i32 = arith.constant 0 : i32
    %c0_i32_0 = arith.constant 0 : i32
    %c0_i32_1 = arith.constant 0 : i32
    return %c0_i32, %arg0, %c0_i32_0 : i32, i32, i32
  }
  func.func @transform_1(%arg0: i32) -> (i32, i32, i32) {
    %c0_i32 = arith.constant 0 : i32
    %c0_i32_0 = arith.constant 0 : i32
    %c0_i32_1 = arith.constant 0 : i32
    return %c0_i32, %arg0, %c0_i32_0 : i32, i32, i32
  }
  func.func @transform_2(%arg0: i32) -> (i32, i32) {
    %c0_i32 = arith.constant 0 : i32
    %c0_i32_0 = arith.constant 0 : i32
    return %arg0, %c0_i32 : i32, i32
  }
  func.func @transform_3(%arg0: i32) -> (i32, i32) {
    %c0_i32 = arith.constant 0 : i32
    %c0_i32_0 = arith.constant 0 : i32
    %c0_i32_1 = arith.constant 0 : i32
    return %c0_i32, %c0_i32_0 : i32, i32
  }
  func.func @transform_4(%arg0: i32) -> (i32, i32) {
    %c0_i32 = arith.constant 0 : i32
    %c0_i32_0 = arith.constant 0 : i32
    %c0_i32_1 = arith.constant 0 : i32
    return %c0_i32, %c0_i32_0 : i32, i32
  }
  func.func @transform_5(%arg0: i32) -> (i32, i32) {
    %c0_i32 = arith.constant 0 : i32
    %c0_i32_0 = arith.constant 0 : i32
    %c0_i32_1 = arith.constant 0 : i32
    return %c0_i32, %c0_i32_0 : i32, i32
  }
  func.func @transform_6(%arg0: i32) -> (i32, i32) {
    %c0_i32 = arith.constant 0 : i32
    %c0_i32_0 = arith.constant 0 : i32
    return %arg0, %c0_i32 : i32, i32
  }
  func.func @transform_7(%arg0: i32) -> (i32, i32) {
    %c0_i32 = arith.constant 0 : i32
    %c0_i32_0 = arith.constant 0 : i32
    return %arg0, %c0_i32 : i32, i32
  }
}

</mosaic_0001>

<sc_bundles>
// kernel: kernel.11.cloned.1.call-start
scs
__scs_entry_jumppad:
0x0: {  	(pc) =	sbr.rel $0x88, $3  }
0x1: {  	(tag) =	ssettag $0x0;
	lr =	simm.s32 $0x1  }
0x2: {  	[smem:$0x3F97] =	sst lr;
	_ =	strace $0xD0000000  }
0x3: {  	_ = 	snop  }
0x4: {  	_ = 	snop  }
0x5: {  	_ = 	snop  }
0x6: {  	_ = 	snop  }
0x7: {  	_ = 	snop  }
__scs_overlays_trampoline_lowered:
0x8: {  	[smem:$0x3FA6] =	sst s0  }
0x9: {  	[smem:$0x3FA7] =	sst s1  }
0xa: {  	[smem:$0x3FA8] =	sst s2  }
0xb: {  	[smem:$0x3FA9] =	sst s3  }
0xc: {  	[smem:$0x3FAA] =	sst s4  }
0xd: {  	[smem:$0x3FAB] =	sst s5  }
0xe: {  	[smem:$0x3FAC] =	sst s6  }
0xf: {  	[smem:$0x3FAD] =	sst s7  }
0x10: {  	[smem:$0x3FAE] =	sst s8  }
0x11: {  	[smem:$0x3FAF] =	sst s9;
	s0 =	simm.s32 @!p0 $0x0  }
0x12: {  	s1 =	sld [smem:$0x3F95];
	s0 =	simm.s32 @p0 $0x1  }
0x13: {  	[smem:$0x3FB0] =	sst s0;
	s0 =	simm.s32 @!p1 $0x0  }
0x14: {  	s2 =	sld [smem:$0x3F94];
	s0 =	simm.s32 @p1 $0x1  }
0x15: {  	[smem:$0x3FB1] =	sst s0;
	s0 =	simm.s32 @!p2 $0x0  }
0x16: {  	s3 =	sld [smem:$0x3FDB];
	s0 =	simm.s32 @p2 $0x1  }
0x17: {  	s4 =	simm.s32 $0x1BF5;
	[smem:$0x3FB3] =	sst s0  }
0x18: {  	s0 =	sld [smem:$0x3F96];
	_ =	swait.ge [sflag:s4], $0x0  }
0x19: {  	s7 =	sld [smem:$0x3F97]  }
0x1a: {  	s8 =	sadd.s32 $0xFFFFE003, lr  }
0x1b: {  	s9 =	sadd.s32 $0xFFFFFEF7, lr;
	s5 =	simm.s32 $0xFFFFFFFF;
	p2 =	slt.u32 s8, $0xFFFFF086  }
0x1c: {  	p1 =	slt.u32 s9, $0xF7A;
	s5 =	simm.s32 @!p2 $0x0  }
0x1d: {  	s5 =	simm.s32 @p1 $0x1;
	p0 =	seq.s32 s7, s2  }
0x1e: {  	s7 =	smul.u32 @!p0 $0xF7A, s2;
	p2 =	seq.s32 @!p0 s5, $0x0  }
0x1f: {  	s9 =	smul.u32 $0xF7A, s1;
	s8 =	simm.s32 @!p0 $0x1BF5;
	p2 =	por !p2, p0  }
0x20: {  	[sflag:s8] =	ssyncset.s32 @!p0 $0xFFFFF086;
	s6 =	sadd.s32 @!p0 s3, s7;
	s7 =	simm.s32 @!p0 $0x108  }
0x21: {  	s3 =	sadd.s32 s3, s9;
	s6 =	sadd.s32 @!p0 $0x88, s6;
	s7 =	simm.s32 @p2 $0x1082  }
0x22: {  	[simem:s7], [sflag:s8] =	dma.local @!p0 [hbm:s6], $0xF7A  }
0x23: {  	s9 =	sor.u32 $0xD0000000, s2;
	s6 =	simm.s32 $0x108;
	_ =	swait.ge @!p0 [sflag:s8], $0x0  }
0x24: {  	s3 =	sadd.s32 $0x88, s3;
	s6 =	simm.s32 @!p1 $0x1082;
	[sflag:s4] =	ssyncset.s32 $0xFFFFF086  }
0x25: {  	[simem:s6], [sflag:s4] =	dma.local [hbm:s3], $0xF7A  }
0x26: {  	[smem:$0x3F97] =	sst s1;
	(tag) =	ssettag s2;
	_ =	strace s9  }
0x27: {  	s1 =	sld [smem:$0x3FA7]  }
0x28: {  	s2 =	sld [smem:$0x3FA8]  }
0x29: {  	s4 =	sld [smem:$0x3FAA]  }
0x2a: {  	p0 =	seq.s32 s5, $0x0;
	s5 =	sld [smem:$0x3FAB]  }
0x2b: {  	s6 =	sld [smem:$0x3FAC]  }
0x2c: {  	s7 =	sld [smem:$0x3FAD]  }
0x2d: {  	s3 =	simm.s32 $0x108;
	s8 =	sld [smem:$0x3FAE]  }
0x2e: {  	s3 =	simm.s32 @!p0 $0x1082;
	s9 =	sld [smem:$0x3FAF]  }
0x2f: {  	lr =	sadd.s32 s0, s3;
	s0 =	sld [smem:$0x3FA6]  }
0x30: {  	s3 =	sld [smem:$0x3FA9]  }
0x31: {  	[smem:$0x3FB2] =	sst s10  }
0x32: {  	s10 =	sld [smem:$0x3FB0];
	_ =	sdelay $0x3  }
0x33: {  	p0 =	seq.s32 s10, $0x1;
	s10 =	sld [smem:$0x3FB2];
	_ =	sdelay $0x3  }
0x34: {  	[smem:$0x3FB2] =	sst s10  }
0x35: {  	s10 =	sld [smem:$0x3FB1];
	_ =	sdelay $0x3  }
0x36: {  	p1 =	seq.s32 s10, $0x1;
	s10 =	sld [smem:$0x3FB2];
	_ =	sdelay $0x3  }
0x37: {  	[smem:$0x3FB2] =	sst s10  }
0x38: {  	s10 =	sld [smem:$0x3FB3]  }
0x39: {  	_ = 	snop;
	(pc) =	sbr.ind lr, $3  }
0x3a: {  	_ = 	snop  }
0x3b: {  	_ = 	snop  }
0x3c: {  	p2 =	seq.s32 s10, $0x1;
	s10 =	sld [smem:$0x3FB2]  }
0x3d: {  	_ =	shalt  }
0x3e: {  	_ =	shalt  }
0x3f: {  	_ =	shalt  }
0x40: {  	_ =	shalt  }
0x41: {  	_ =	shalt  }
0x42: {  	_ =	shalt  }
0x43: {  	_ =	shalt  }
0x44: {  	_ =	shalt  }
0x45: {  	_ =	shalt  }
0x46: {  	_ =	shalt  }
0x47: {  	_ =	shalt  }
0x48: {  	_ =	shalt  }
0x49: {  	_ =	shalt  }
0x4a: {  	_ =	shalt  }
0x4b: {  	_ =	shalt  }
0x4c: {  	_ =	shalt  }
0x4d: {  	_ =	shalt  }
0x4e: {  	_ =	shalt  }
0x4f: {  	_ =	shalt  }
0x50: {  	_ =	shalt  }
0x51: {  	_ =	shalt  }
0x52: {  	_ =	shalt  }
0x53: {  	_ =	shalt  }
0x54: {  	_ =	shalt  }
0x55: {  	_ =	shalt  }
0x56: {  	_ =	shalt  }
0x57: {  	_ =	shalt  }
0x58: {  	_ =	shalt  }
0x59: {  	_ =	shalt  }
0x5a: {  	_ =	shalt  }
0x5b: {  	_ =	shalt  }
0x5c: {  	_ =	shalt  }
0x5d: {  	_ =	shalt  }
0x5e: {  	_ =	shalt  }
0x5f: {  	_ =	shalt  }
0x60: {  	_ =	shalt  }
0x61: {  	_ =	shalt  }
0x62: {  	_ =	shalt  }
0x63: {  	_ =	shalt  }
0x64: {  	_ =	shalt  }
0x65: {  	_ =	shalt  }
0x66: {  	_ =	shalt  }
0x67: {  	_ =	shalt  }
0x68: {  	_ =	shalt  }
0x69: {  	_ =	shalt  }
0x6a: {  	_ =	shalt  }
0x6b: {  	_ =	shalt  }
0x6c: {  	_ =	shalt  }
0x6d: {  	_ =	shalt  }
0x6e: {  	_ =	shalt  }
0x6f: {  	_ =	shalt  }
0x70: {  	_ =	shalt  }
0x71: {  	_ =	shalt  }
0x72: {  	_ =	shalt  }
0x73: {  	_ =	shalt  }
0x74: {  	_ =	shalt  }
0x75: {  	_ =	shalt  }
0x76: {  	_ =	shalt  }
0x77: {  	_ =	shalt  }
0x78: {  	_ =	shalt  }
0x79: {  	_ =	shalt  }
0x7a: {  	_ =	shalt  }
0x7b: {  	_ =	shalt  }
0x7c: {  	_ =	shalt  }
0x7d: {  	_ =	shalt  }
0x7e: {  	_ =	shalt  }
0x7f: {  	_ =	shalt  }
0x80: {  	_ =	shalt  }
0x81: {  	_ =	shalt  }
0x82: {  	_ =	shalt  }
0x83: {  	_ =	shalt  }
0x84: {  	_ =	shalt  }
0x85: {  	_ =	shalt  }
0x86: {  	_ =	shalt  }
0x87: {  	_ =	shalt  }
.Lfunc_end0:
.L_simem_size_0:
called_computation.1_lowered:
.L_overlay_start_0:
0x88: {  	s2 =	sld [smem:$0x3FD9]  }
0x89: {  	s3 =	sld [smem:$0x3FFE];
	_ =	sdelay $0x1  }
0x8a: {  	s1 =	srdreg.scid  }
0x8b: {  	s0 =	sand.u32 $0x1, s1  }
0x8c: {  	s16 =	sshll.u32 s0, $0xA;
	s2 =	sadd.s32 s3, s2  }
0x8d: {  	s2 =	sadd.s32 s2, s16  }
0x8e: {  	[smem:$0x3FBE] =	sst s2  }
0x8f: {  	_ = 	snop  }
0x90: {  	(tm) =	ssettm $0x1  }
0x91: {  	s17 =	sld [smem:$0x3FFB];
	_ =	sdelay $0x3  }
0x92: {  	_ =	strace s17  }
0x93: {  	s2 =	sld [smem:$0x3FFC];
	_ =	sdelay $0x3  }
0x94: {  	_ =	strace s2  }
0x95: {  	s2 =	sld [smem:$0x3FFD];
	_ =	sdelay $0x3  }
0x96: {  	_ =	strace s2  }
0x97: {  	_ =	strace $0x8FFFFFFF  }
0x98: {  	s18 =	sld [smem:$0x3FDB];
	_ =	sdelay $0x1  }
0x99: {  	s19 =	simm.s32 $_scs_section_size  }
0x9a: {  	s4 =	simm.s32 $_size__tile_overlayer_lowered;
	s5 =	simm.s32 $_tile_overlayer_lowered  }
0x9b: {  	s22 =	simm.s32 $0x1BFF;
	s21 =	sshll.u32 s5, $0x1;
	s2 =	sadd.s32 s19, s18  }
0x9c: {  	s6 =	simm.s32 $0x0;
	s20 =	sshll.u32 s4, $0x1;
	s4 =	sadd.s32 s21, s2  }
0x9d: {  	[timem:s6], [sflag:s22] =	dma.local [hbm:s4], s20  }
0x9e: {  	_ =	swait.ge [sflag:s22], s20  }
0x9f: {  	s3 =	ssub.s32 $0x0, s20;
	[sflag:s22] =	ssyncset.done $0x0  }
0xa0: {  	[sflag:s22] =	ssyncadd.s32 s3;
	_ =	sdelay $0x1  }
0xa1: {  	s23 =	simm.s32 $0x1B8B  }
0xa2: {  	_ =	swait.ge [sflag:s23], $0x1  }
0xa3: {  	[sflag:s23] =	ssyncset.done $0x0  }
0xa4: {  	s25 =	simm.s32 $0x1B8E;
	s24 =	sld [smem:$0x3FFE];
	[sflag:s23] =	ssyncadd.s32 $0xFFFFFFFF  }
0xa5: {  	s26 =	simm.s32 $execute0_lowered;
	[smem:$0x3FD2] =	sst s25  }
0xa6: {  	s4 =	sshll.u32 s26, $0x1;
	_ =	strace $0x80000049;
	[dreg:$0x1] =	wrdreg $0xFFFFFFFF  }
0xa7: {  	s28 =	simm.s32 $_size_execute0_lowered;
	s2 =	sadd.s32 s2, s4;
	[dreg:$0x0] =	wrdreg $0x0  }
0xa8: {  	s4 =	sshll.u32 s28, $0x1;
	[dreg:$0x2] =	wrdreg s2  }
0xa9: {  	[dreg:$0x3] =	wrdreg s4  }
0xaa: {  	[dreg:$0x4] =	wrdreg $0xC0  }
0xab: {  	_ =	task [dreg:s6], $0x5FFFF  }
0xac: {  	[dreg:$0x1] =	wrdreg $0xFFFFFFFF  }
0xad: {  	[dreg:$0x0] =	wrdreg $0x60  }
0xae: {  	[dreg:$0x2] =	wrdreg s24  }
0xaf: {  	[dreg:$0x3] =	wrdreg $0x116200  }
0xb0: {  	[dreg:$0x4] =	wrdreg $0x9  }
0xb1: {  	_ =	task.clear_ibuf [dreg:s6], $0x5FFFF;
	_ =	strace $0x90000049  }
0xb2: {  	s29 =	simm.s32 $0x9;
	_ =	strace $0x8000004B  }
0xb3: {  	_ =	swait.ge [sflag:s29], $0x1  }
0xb4: {  	[sflag:s29] =	ssyncadd.s32 $0xFFFFFFFF  }
0xb5: {  	_ =	strace $0x9000004B  }
0xb6: {  	_ =	sfence  }
0xb7: {  	s30 =	sld [smem:$0x0];
	_ =	sdelay $0x2  }
0xb8: {  	s31 =	sshll.u32 s1, $0xD;
	s1 =	sshrl.u32 s1, $0x2  }
0xb9: {  	s3 =	sand.u32 $0x4000, s31;
	s1 =	sadd.s32 s1, s30  }
0xba: {  	s0 =	sor.u32 s3, s0;
	s1 =	sshll.u32 s1, $0x11  }
0xbb: {  	s0 =	sor.u32 s1, s0  }
0xbc: {  	s0 =	sadd.s32 $0x8F2B, s0  }
0xbd: {  	[sflag:s0] =	ssyncadd.remote.s32 $0x1  }
0xbe: {  	_ =	sfence.sel $0xFFFF  }
0xbf: {  	[dreg:$0x0] =	wrdreg $0xFFFFFFFF;
	(pc) =	sbr.abs _section_cstart, $3  }
0xc0: {  	[dreg:$0x1] =	wrdreg $0xFFFFFFFF  }
0xc1: {  	_ =	task.clear_ibuf [dreg:s6], $0x2FFFF;
	_ =	strace $0x9FFFFFFF  }
0xc2: {  	(tm) =	ssettm $0x7FFFFFFF  }
0xc3: {  	_ =	shalt  }
tec
execute0_lowered:
.L_overlay_start_1:
0x0: {  	(tag) =	ssettag $0x1  }
0x1: {  	s0 =	srdreg.scid;
	s5 =	rddreg [dreg:$0x0]  }
0x2: {  	s12 =	stileid.u32;
	s2 =	rddreg [dreg:$0x1]  }
0x3: {  	s3 =	simm.s32 $0x0;
	s14 =	simm.s32 $0x50;
	s15 =	simm.s32 $0x4E20  }
0x4: {  	s16 =	simm.s32 $0x6220;
	s18 =	simm.s32 $0x7620;
	s20 =	simm.s32 $0x8A20  }
0x5: {  	s22 =	simm.s32 $0x9E20;
	s23 =	simm.s32 $0xB220;
	s24 =	simm.s32 $0xC620  }
0x6: {  	s25 =	simm.s32 $0xDA20;
	s26 =	simm.s32 $0xEE20;
	s28 =	simm.s32 $0x10220  }
0x7: {  	s29 =	simm.s32 $0x1;
	s30 =	simm.s32 $0x2;
	s17 =	simm.s32 $0x4DD0  }
0x8: {  	s19 =	simm.s32 $0x0;
	s0 =	sand.u32 $0x1, s0;
	s6 =	smul.u32 $0x9E00, s12  }
0x9: {  	[smem:$0x7FF] =	sst s3;
	s4 =	sadd.s32 $0x64A00, s5;
	s31 =	sshll.u32 s12, $0x6  }
0xa: {  	s1 =	sshll.u32 s0, $0x4;
	s7 =	smul.u32 $0x9E000, s0;
	_ =	strace $0x8000004A  }
0xb: {  	s0 =	ssub.s32 $0x2, s0;
	s1 =	sor.u32 s12, s1;
	s8 =	sshrl.u32 s6, $0x3  }
0xc: {  	s9 =	sshrl.u32 s0, $0x1;
	s11 =	sadd.s32 s6, s2;
	s12 =	simm.s32 $0x3  }
0xd: {  	s1 =	smul.u32 $0x2710, s1;
	s7 =	sadd.s32 s6, s7;
	s8 =	sadd.s32 s8, s5  }
0xe: {  	s0 =	ssub.s32 s0, s9;
	s6 =	sor.u32 $0x1C03, s31;
	s7 =	sshrl.u32 s7, $0x3  }
0xf: {  	s11 =	sshrl.u32 s11, $0x3;
	s1 =	sshrl.u32 s1, $0x3;
	s10 =	sadd.s32 s7, s5  }
0x10: {  	s1 =	sadd.s32 s1, s5;
	s5 =	sadd.s32 $0x78400, s8;
	s9 =	sadd.s32 $0x8C000, s10  }
0x11: {  	s10 =	smax.u32 s0, $0x1;
	s7 =	sadd.s32 $0x2000, s1;
	s8 =	sadd.s32 $0xBC40, s1  }
.LBB2_1:
0x12: {  	[spmem:s11], [sflag:s6] =	dma.local [hbm:s5], $0x13C0  }
0x13: {  	_ =	swait.ge [sflag:s12], $0x13C0  }
0x14: {  	[sflag:s12] =	ssyncset.done $0x0  }
0x15: {  	[sflag:s12] =	ssyncadd.s32 $0xFFFFEC40  }
0x16: {  	[tilespmem:s3], [sflag:$0x3] =	stream.linear.gather [hbm4b:s7+s3], $0x2710, $0x38;
	[tilespmem:$0x1B420] =	vst v63  }
0x17: {  	_ =	swait.ge [sflag:s12], $0x2710  }
0x18: {  	[sflag:s12] =	ssyncset.done $0x0  }
0x19: {  	s0 =	simm.s32 $0x2710;
	[sflag:s12] =	ssyncadd.s32 $0xFFFFD8F0  }
0x1a: {  	[tilespmem:s0], [sflag:$0x3] =	stream.linear.gather [hbm4b:s8+s3], $0x2710, $0x38;
	[tilespmem:$0x1B420] =	vst v63  }
0x1b: {  	_ =	swait.ge [sflag:s12], $0x2710  }
0x1c: {  	[sflag:s12] =	ssyncset.done $0x0  }
0x1d: {  	[sflag:s12] =	ssyncadd.s32 $0xFFFFD8F0  }
0x1e: {  	[bflag:$0x0] =	sbarrier.arrive $0xFFFF  }
0x1f: {  	[tilespmem:s15], [sflag:$0x1] =	stream.indirect.gather [hbm4b:s4+s14], $0x40, s3, s14, $0xb8;
	[tilespmem:$0x1B420] =	vst v63  }
0x20: {  	_ = 	snop  }
0x21: {  	[tilespmem:s16], [sflag:$0x1] =	stream.indirect.gather [hbm4b:s4+s14], $0x40, s14, s14, $0xb8;
	[tilespmem:$0x1B420] =	vst v63  }
0x22: {  	s13 =	simm.s32 $0xA0  }
0x23: {  	[tilespmem:s18], [sflag:$0x1] =	stream.indirect.gather [hbm4b:s4+s14], $0x40, s13, s14, $0xb8;
	[tilespmem:$0x1B420] =	vst v63  }
0x24: {  	s21 =	simm.s32 $0xF0  }
0x25: {  	[tilespmem:s20], [sflag:$0x1] =	stream.indirect.gather [hbm4b:s4+s14], $0x40, s21, s14, $0xb8;
	[tilespmem:$0x1B420] =	vst v63  }
0x26: {  	s1 =	simm.s32 $0x140  }
0x27: {  	[tilespmem:s22], [sflag:$0x1] =	stream.indirect.gather [hbm4b:s4+s14], $0x40, s1, s14, $0xb8;
	[tilespmem:$0x1B420] =	vst v63  }
0x28: {  	s13 =	simm.s32 $0x190  }
0x29: {  	[tilespmem:s23], [sflag:$0x2] =	stream.indirect.gather [hbm4b:s4+s14], $0x40, s13, s14, $0xb8;
	[tilespmem:$0x1B420] =	vst v63  }
0x2a: {  	s21 =	simm.s32 $0x1E0  }
0x2b: {  	[tilespmem:s24], [sflag:$0x2] =	stream.indirect.gather [hbm4b:s4+s14], $0x40, s21, s14, $0xb8;
	[tilespmem:$0x1B420] =	vst v63  }
0x2c: {  	s1 =	simm.s32 $0x230  }
0x2d: {  	[tilespmem:s25], [sflag:$0x2] =	stream.indirect.gather [hbm4b:s4+s14], $0x40, s1, s14, $0xb8;
	[tilespmem:$0x1B420] =	vst v63  }
0x2e: {  	s13 =	simm.s32 $0x280  }
0x2f: {  	[tilespmem:s26], [sflag:$0x2] =	stream.indirect.gather [hbm4b:s4+s14], $0x40, s13, s14, $0xb8;
	[tilespmem:$0x1B420] =	vst v63  }
0x30: {  	s21 =	simm.s32 $0x2D0  }
0x31: {  	[tilespmem:s28], [sflag:$0x2] =	stream.indirect.gather [hbm4b:s4+s14], $0x40, s21, s14, $0xb8;
	[tilespmem:$0x1B420] =	vst v63  }
0x32: {  	_ =	swait.ge [sflag:s29], $0x6400  }
0x33: {  	[sflag:s29] =	ssyncset.done $0x0  }
0x34: {  	s1 =	simm.s32 $0x2710;
	[sflag:s29] =	ssyncadd.s32 $0xFFFF9C00  }
0x35: {  	[spmem:s2] =	stream.indirect.scatter.add.f32 [tilespmem:s15], [sflag:$0x3], $0x40, s1, s14, $0xb8;
	[tilespmem:$0x1B420] =	vst v63  }
0x36: {  	_ =	swait.ge [sflag:s12], $0x1400  }
0x37: {  	[sflag:s12] =	ssyncset.done $0x0  }
0x38: {  	s13 =	simm.s32 $0x2760;
	[sflag:s12] =	ssyncadd.s32 $0xFFFFEC00  }
0x39: {  	[spmem:s2] =	stream.indirect.scatter.add.f32 [tilespmem:s16], [sflag:$0x3], $0x40, s13, s14, $0xb8;
	[tilespmem:$0x1B420] =	vst v63  }
0x3a: {  	_ =	swait.ge [sflag:s12], $0x1400  }
0x3b: {  	[sflag:s12] =	ssyncset.done $0x0  }
0x3c: {  	s21 =	simm.s32 $0x27B0;
	[sflag:s12] =	ssyncadd.s32 $0xFFFFEC00  }
0x3d: {  	[spmem:s2] =	stream.indirect.scatter.add.f32 [tilespmem:s18], [sflag:$0x3], $0x40, s21, s14, $0xb8;
	[tilespmem:$0x1B420] =	vst v63  }
0x3e: {  	_ =	swait.ge [sflag:s12], $0x1400  }
0x3f: {  	[sflag:s12] =	ssyncset.done $0x0  }
0x40: {  	s1 =	simm.s32 $0x2800;
	[sflag:s12] =	ssyncadd.s32 $0xFFFFEC00  }
0x41: {  	[spmem:s2] =	stream.indirect.scatter.add.f32 [tilespmem:s20], [sflag:$0x3], $0x40, s1, s14, $0xb8;
	[tilespmem:$0x1B420] =	vst v63  }
0x42: {  	_ =	swait.ge [sflag:s12], $0x1400  }
0x43: {  	[sflag:s12] =	ssyncset.done $0x0  }
0x44: {  	s13 =	simm.s32 $0x2850;
	[sflag:s12] =	ssyncadd.s32 $0xFFFFEC00  }
0x45: {  	[spmem:s2] =	stream.indirect.scatter.add.f32 [tilespmem:s22], [sflag:$0x3], $0x40, s13, s14, $0xb8;
	[tilespmem:$0x1B420] =	vst v63  }
0x46: {  	_ =	swait.ge [sflag:s12], $0x1400  }
0x47: {  	[sflag:s12] =	ssyncset.done $0x0  }
0x48: {  	s21 =	simm.s32 $0x320;
	[sflag:s12] =	ssyncadd.s32 $0xFFFFEC00  }
0x49: {  	[tilespmem:s15], [sflag:$0x1] =	stream.indirect.gather [hbm4b:s4+s14], $0x40, s21, s14, $0xb8;
	[tilespmem:$0x1B420] =	vst v63  }
0x4a: {  	s1 =	simm.s32 $0x370  }
0x4b: {  	[tilespmem:s16], [sflag:$0x1] =	stream.indirect.gather [hbm4b:s4+s14], $0x40, s1, s14, $0xb8;
	[tilespmem:$0x1B420] =	vst v63  }
0x4c: {  	s13 =	simm.s32 $0x3C0  }
0x4d: {  	[tilespmem:s18], [sflag:$0x1] =	stream.indirect.gather [hbm4b:s4+s14], $0x40, s13, s14, $0xb8;
	[tilespmem:$0x1B420] =	vst v63  }
0x4e: {  	s21 =	simm.s32 $0x410  }
0x4f: {  	[tilespmem:s20], [sflag:$0x1] =	stream.indirect.gather [hbm4b:s4+s14], $0x40, s21, s14, $0xb8;
	[tilespmem:$0x1B420] =	vst v63  }
0x50: {  	s1 =	simm.s32 $0x460  }
0x51: {  	[tilespmem:s22], [sflag:$0x1] =	stream.indirect.gather [hbm4b:s4+s14], $0x40, s1, s14, $0xb8;
	[tilespmem:$0x1B420] =	vst v63  }
0x52: {  	_ =	swait.ge [sflag:s30], $0x6400  }
0x53: {  	[sflag:s30] =	ssyncset.done $0x0  }
0x54: {  	s13 =	simm.s32 $0x28A0;
	[sflag:s30] =	ssyncadd.s32 $0xFFFF9C00  }
0x55: {  	[spmem:s2] =	stream.indirect.scatter.add.f32 [tilespmem:s23], [sflag:$0x3], $0x40, s13, s14, $0xb8;
	[tilespmem:$0x1B420] =	vst v63  }
0x56: {  	_ =	swait.ge [sflag:s12], $0x1400  }
0x57: {  	[sflag:s12] =	ssyncset.done $0x0  }
0x58: {  	s21 =	simm.s32 $0x28F0;
	[sflag:s12] =	ssyncadd.s32 $0xFFFFEC00  }
0x59: {  	[spmem:s2] =	stream.indirect.scatter.add.f32 [tilespmem:s24], [sflag:$0x3], $0x40, s21, s14, $0xb8;
	[tilespmem:$0x1B420] =	vst v63  }
0x5a: {  	_ =	swait.ge [sflag:s12], $0x1400  }
0x5b: {  	[sflag:s12] =	ssyncset.done $0x0  }
0x5c: {  	s1 =	simm.s32 $0x2940;
	[sflag:s12] =	ssyncadd.s32 $0xFFFFEC00  }
0x5d: {  	[spmem:s2] =	stream.indirect.scatter.add.f32 [tilespmem:s25], [sflag:$0x3], $0x40, s1, s14, $0xb8;
	[tilespmem:$0x1B420] =	vst v63  }
0x5e: {  	_ =	swait.ge [sflag:s12], $0x1400  }
0x5f: {  	[sflag:s12] =	ssyncset.done $0x0  }
0x60: {  	s13 =	simm.s32 $0x2990;
	[sflag:s12] =	ssyncadd.s32 $0xFFFFEC00  }
0x61: {  	[spmem:s2] =	stream.indirect.scatter.add.f32 [tilespmem:s26], [sflag:$0x3], $0x40, s13, s14, $0xb8;
	[tilespmem:$0x1B420] =	vst v63  }
0x62: {  	_ =	swait.ge [sflag:s12], $0x1400  }
0x63: {  	[sflag:s12] =	ssyncset.done $0x0  }
0x64: {  	s21 =	simm.s32 $0x29E0;
	[sflag:s12] =	ssyncadd.s32 $0xFFFFEC00  }
0x65: {  	[spmem:s2] =	stream.indirect.scatter.add.f32 [tilespmem:s28], [sflag:$0x3], $0x40, s21, s14, $0xb8;
	[tilespmem:$0x1B420] =	vst v63  }
0x66: {  	_ =	swait.ge [sflag:s12], $0x1400  }
0x67: {  	s31 =	simm.s32 $0x1900;
	s21 =	simm.s32 $0x320;
	[sflag:s12] =	ssyncset.done $0x0  }
.LBB2_2:
0x68: {  	s13 =	sadd.s32 $0x190, s21  }
0x69: {  	[sflag:s12] =	ssyncadd.s32 $0xFFFFEC00;
	s1 =	smov.u32 s31;
	s0 =	sadd.s32 $0xC80, s31  }
0x6a: {  	[tilespmem:s23], [sflag:$0x2] =	stream.indirect.gather [hbm4b:s4+s14], $0x40, s13, s14, $0xb8;
	[tilespmem:$0x1B420] =	vst v63  }
0x6b: {  	p0 =	sne.s32 s31, $0x8980;
	s13 =	sadd.s32 $0x1E0, s21  }
0x6c: {  	[tilespmem:s24], [sflag:$0x2] =	stream.indirect.gather [hbm4b:s4+s14], $0x40, s13, s14, $0xb8;
	[tilespmem:$0x1B420] =	vst v63  }
0x6d: {  	s13 =	sadd.s32 $0x230, s21  }
0x6e: {  	[tilespmem:s25], [sflag:$0x2] =	stream.indirect.gather [hbm4b:s4+s14], $0x40, s13, s14, $0xb8;
	[tilespmem:$0x1B420] =	vst v63  }
0x6f: {  	s13 =	sadd.s32 $0x280, s21  }
0x70: {  	[tilespmem:s26], [sflag:$0x2] =	stream.indirect.gather [hbm4b:s4+s14], $0x40, s13, s14, $0xb8;
	[tilespmem:$0x1B420] =	vst v63  }
0x71: {  	s13 =	sadd.s32 $0x2D0, s21  }
0x72: {  	[tilespmem:s28], [sflag:$0x2] =	stream.indirect.gather [hbm4b:s4+s14], $0x40, s13, s14, $0xb8;
	[tilespmem:$0x1B420] =	vst v63  }
0x73: {  	_ =	swait.ge [sflag:s29], $0x6400  }
0x74: {  	[sflag:s29] =	ssyncset.done $0x0  }
0x75: {  	s13 =	sadd.s32 $0x2710, s21;
	[sflag:s29] =	ssyncadd.s32 $0xFFFF9C00  }
0x76: {  	[spmem:s2] =	stream.indirect.scatter.add.f32 [tilespmem:s15], [sflag:$0x3], $0x40, s13, s14, $0xb8;
	[tilespmem:$0x1B420] =	vst v63  }
0x77: {  	_ =	swait.ge [sflag:s12], $0x1400  }
0x78: {  	[sflag:s12] =	ssyncset.done $0x0  }
0x79: {  	s13 =	sadd.s32 $0x2760, s21;
	[sflag:s12] =	ssyncadd.s32 $0xFFFFEC00  }
0x7a: {  	[spmem:s2] =	stream.indirect.scatter.add.f32 [tilespmem:s16], [sflag:$0x3], $0x40, s13, s14, $0xb8;
	[tilespmem:$0x1B420] =	vst v63  }
0x7b: {  	_ =	swait.ge [sflag:s12], $0x1400  }
0x7c: {  	[sflag:s12] =	ssyncset.done $0x0  }
0x7d: {  	s13 =	sadd.s32 $0x27B0, s21;
	[sflag:s12] =	ssyncadd.s32 $0xFFFFEC00  }
0x7e: {  	[spmem:s2] =	stream.indirect.scatter.add.f32 [tilespmem:s18], [sflag:$0x3], $0x40, s13, s14, $0xb8;
	[tilespmem:$0x1B420] =	vst v63  }
0x7f: {  	_ =	swait.ge [sflag:s12], $0x1400  }
0x80: {  	[sflag:s12] =	ssyncset.done $0x0  }
0x81: {  	s13 =	sadd.s32 $0x2800, s21;
	[sflag:s12] =	ssyncadd.s32 $0xFFFFEC00  }
0x82: {  	[spmem:s2] =	stream.indirect.scatter.add.f32 [tilespmem:s20], [sflag:$0x3], $0x40, s13, s14, $0xb8;
	[tilespmem:$0x1B420] =	vst v63  }
0x83: {  	_ =	swait.ge [sflag:s12], $0x1400  }
0x84: {  	[sflag:s12] =	ssyncset.done $0x0  }
0x85: {  	s13 =	sadd.s32 $0x2850, s21;
	[sflag:s12] =	ssyncadd.s32 $0xFFFFEC00  }
0x86: {  	[spmem:s2] =	stream.indirect.scatter.add.f32 [tilespmem:s22], [sflag:$0x3], $0x40, s13, s14, $0xb8;
	[tilespmem:$0x1B420] =	vst v63  }
0x87: {  	_ =	swait.ge [sflag:s12], $0x1400  }
0x88: {  	[sflag:s12] =	ssyncset.done $0x0  }
0x89: {  	s13 =	sadd.s32 $0x320, s21;
	[sflag:s12] =	ssyncadd.s32 $0xFFFFEC00  }
0x8a: {  	[tilespmem:s15], [sflag:$0x1] =	stream.indirect.gather [hbm4b:s4+s14], $0x40, s13, s14, $0xb8;
	[tilespmem:$0x1B420] =	vst v63  }
0x8b: {  	s13 =	sadd.s32 $0x370, s21  }
0x8c: {  	[tilespmem:s16], [sflag:$0x1] =	stream.indirect.gather [hbm4b:s4+s14], $0x40, s13, s14, $0xb8;
	[tilespmem:$0x1B420] =	vst v63  }
0x8d: {  	s13 =	sadd.s32 $0x3C0, s21  }
0x8e: {  	[tilespmem:s18], [sflag:$0x1] =	stream.indirect.gather [hbm4b:s4+s14], $0x40, s13, s14, $0xb8;
	[tilespmem:$0x1B420] =	vst v63  }
0x8f: {  	s13 =	sadd.s32 $0x410, s21  }
0x90: {  	[tilespmem:s20], [sflag:$0x1] =	stream.indirect.gather [hbm4b:s4+s14], $0x40, s13, s14, $0xb8;
	[tilespmem:$0x1B420] =	vst v63  }
0x91: {  	s13 =	sadd.s32 $0x460, s21  }
0x92: {  	[tilespmem:s22], [sflag:$0x1] =	stream.indirect.gather [hbm4b:s4+s14], $0x40, s13, s14, $0xb8;
	[tilespmem:$0x1B420] =	vst v63  }
0x93: {  	_ =	swait.ge [sflag:s30], $0x6400  }
0x94: {  	[sflag:s30] =	ssyncset.done $0x0  }
0x95: {  	s13 =	sadd.s32 $0x28A0, s21;
	[sflag:s30] =	ssyncadd.s32 $0xFFFF9C00  }
0x96: {  	[spmem:s2] =	stream.indirect.scatter.add.f32 [tilespmem:s23], [sflag:$0x3], $0x40, s13, s14, $0xb8;
	[tilespmem:$0x1B420] =	vst v63  }
0x97: {  	_ =	swait.ge [sflag:s12], $0x1400  }
0x98: {  	[sflag:s12] =	ssyncset.done $0x0  }
0x99: {  	s13 =	sadd.s32 $0x28F0, s21;
	[sflag:s12] =	ssyncadd.s32 $0xFFFFEC00  }
0x9a: {  	[spmem:s2] =	stream.indirect.scatter.add.f32 [tilespmem:s24], [sflag:$0x3], $0x40, s13, s14, $0xb8;
	[tilespmem:$0x1B420] =	vst v63  }
0x9b: {  	_ =	swait.ge [sflag:s12], $0x1400  }
0x9c: {  	[sflag:s12] =	ssyncset.done $0x0  }
0x9d: {  	s13 =	sadd.s32 $0x2940, s21;
	[sflag:s12] =	ssyncadd.s32 $0xFFFFEC00  }
0x9e: {  	[spmem:s2] =	stream.indirect.scatter.add.f32 [tilespmem:s25], [sflag:$0x3], $0x40, s13, s14, $0xb8;
	[tilespmem:$0x1B420] =	vst v63  }
0x9f: {  	_ =	swait.ge [sflag:s12], $0x1400  }
0xa0: {  	[sflag:s12] =	ssyncset.done $0x0  }
0xa1: {  	s13 =	sadd.s32 $0x2990, s21;
	[sflag:s12] =	ssyncadd.s32 $0xFFFFEC00  }
0xa2: {  	[spmem:s2] =	stream.indirect.scatter.add.f32 [tilespmem:s26], [sflag:$0x3], $0x40, s13, s14, $0xb8;
	[tilespmem:$0x1B420] =	vst v63  }
0xa3: {  	_ =	swait.ge [sflag:s12], $0x1400  }
.Ltmp0:
0xa4: {  	[sflag:s12] =	ssyncset.done $0x0;
	(pc) =	sbr.rel @p0 .LBB2_2-.Ltmp0, $4  }
0xa5: {  	s13 =	sadd.s32 $0x29E0, s21;
	[sflag:s12] =	ssyncadd.s32 $0xFFFFEC00  }
0xa6: {  	[spmem:s2] =	stream.indirect.scatter.add.f32 [tilespmem:s28], [sflag:$0x3], $0x40, s13, s14, $0xb8;
	[tilespmem:$0x1B420] =	vst v63  }
0xa7: {  	_ =	swait.ge [sflag:s12], $0x1400  }
0xa8: {  	s31 =	smov.u32 s0;
	s21 =	sshra.s32 s1, $0x2;
	[sflag:s12] =	ssyncset.done $0x0  }
0xa9: {  	s0 =	sadd.s32 $0x190, s21;
	[sflag:s12] =	ssyncadd.s32 $0xFFFFEC00  }
0xaa: {  	[tilespmem:s23], [sflag:$0x2] =	stream.indirect.gather [hbm4b:s4+s14], $0x40, s0, s14, $0xb8;
	[tilespmem:$0x1B420] =	vst v63  }
0xab: {  	s31 =	sadd.s32 $0x1E0, s21  }
0xac: {  	[tilespmem:s24], [sflag:$0x2] =	stream.indirect.gather [hbm4b:s4+s14], $0x40, s31, s14, $0xb8;
	[tilespmem:$0x1B420] =	vst v63  }
0xad: {  	s1 =	sadd.s32 $0x230, s21  }
0xae: {  	[tilespmem:s25], [sflag:$0x2] =	stream.indirect.gather [hbm4b:s4+s14], $0x40, s1, s14, $0xb8;
	[tilespmem:$0x1B420] =	vst v63  }
0xaf: {  	s13 =	sadd.s32 $0x280, s21  }
0xb0: {  	[tilespmem:s26], [sflag:$0x2] =	stream.indirect.gather [hbm4b:s4+s14], $0x40, s13, s14, $0xb8;
	[tilespmem:$0x1B420] =	vst v63  }
0xb1: {  	s31 =	sadd.s32 $0x2D0, s21  }
0xb2: {  	[tilespmem:s28], [sflag:$0x2] =	stream.indirect.gather [hbm4b:s4+s14], $0x40, s31, s14, $0xb8;
	[tilespmem:$0x1B420] =	vst v63  }
0xb3: {  	_ =	swait.ge [sflag:s29], $0x6400  }
0xb4: {  	[sflag:s29] =	ssyncset.done $0x0  }
0xb5: {  	s1 =	sadd.s32 $0x2710, s21;
	[sflag:s29] =	ssyncadd.s32 $0xFFFF9C00  }
0xb6: {  	[spmem:s2] =	stream.indirect.scatter.add.f32 [tilespmem:s15], [sflag:$0x3], $0x40, s1, s14, $0xb8;
	[tilespmem:$0x1B420] =	vst v63  }
0xb7: {  	_ =	swait.ge [sflag:s12], $0x1400  }
0xb8: {  	[sflag:s12] =	ssyncset.done $0x0  }
0xb9: {  	s13 =	sadd.s32 $0x2760, s21;
	[sflag:s12] =	ssyncadd.s32 $0xFFFFEC00  }
0xba: {  	[spmem:s2] =	stream.indirect.scatter.add.f32 [tilespmem:s16], [sflag:$0x3], $0x40, s13, s14, $0xb8;
	[tilespmem:$0x1B420] =	vst v63  }
0xbb: {  	_ =	swait.ge [sflag:s12], $0x1400  }
0xbc: {  	[sflag:s12] =	ssyncset.done $0x0  }
0xbd: {  	s31 =	sadd.s32 $0x27B0, s21;
	[sflag:s12] =	ssyncadd.s32 $0xFFFFEC00  }
0xbe: {  	[spmem:s2] =	stream.indirect.scatter.add.f32 [tilespmem:s18], [sflag:$0x3], $0x40, s31, s14, $0xb8;
	[tilespmem:$0x1B420] =	vst v63  }
0xbf: {  	_ =	swait.ge [sflag:s12], $0x1400  }
0xc0: {  	[sflag:s12] =	ssyncset.done $0x0  }
0xc1: {  	s1 =	sadd.s32 $0x2800, s21;
	[sflag:s12] =	ssyncadd.s32 $0xFFFFEC00  }
0xc2: {  	[spmem:s2] =	stream.indirect.scatter.add.f32 [tilespmem:s20], [sflag:$0x3], $0x40, s1, s14, $0xb8;
	[tilespmem:$0x1B420] =	vst v63  }
0xc3: {  	_ =	swait.ge [sflag:s12], $0x1400  }
0xc4: {  	[sflag:s12] =	ssyncset.done $0x0  }
0xc5: {  	s13 =	sadd.s32 $0x2850, s21;
	[sflag:s12] =	ssyncadd.s32 $0xFFFFEC00  }
0xc6: {  	[spmem:s2] =	stream.indirect.scatter.add.f32 [tilespmem:s22], [sflag:$0x3], $0x40, s13, s14, $0xb8;
	[tilespmem:$0x1B420] =	vst v63  }
0xc7: {  	_ =	swait.ge [sflag:s12], $0x1400  }
0xc8: {  	[sflag:s12] =	ssyncset.done $0x0  }
0xc9: {  	s31 =	sadd.s32 $0x320, s21;
	[sflag:s12] =	ssyncadd.s32 $0xFFFFEC00  }
0xca: {  	[tilespmem:s15], [sflag:$0x1] =	stream.indirect.gather [hbm4b:s4+s14], $0x40, s31, s14, $0xb8;
	[tilespmem:$0x1B420] =	vst v63  }
0xcb: {  	s1 =	sadd.s32 $0x370, s21  }
0xcc: {  	[tilespmem:s16], [sflag:$0x1] =	stream.indirect.gather [hbm4b:s4+s14], $0x40, s1, s14, $0xb8;
	[tilespmem:$0x1B420] =	vst v63  }
0xcd: {  	s13 =	sadd.s32 $0x3C0, s21  }
0xce: {  	[tilespmem:s18], [sflag:$0x1] =	stream.indirect.gather [hbm4b:s4+s14], $0x40, s13, s14, $0xb8;
	[tilespmem:$0x1B420] =	vst v63  }
0xcf: {  	s31 =	sadd.s32 $0x410, s21  }
0xd0: {  	[tilespmem:s20], [sflag:$0x1] =	stream.indirect.gather [hbm4b:s4+s14], $0x40, s31, s14, $0xb8;
	[tilespmem:$0x1B420] =	vst v63  }
0xd1: {  	s1 =	sadd.s32 $0x460, s21  }
0xd2: {  	[tilespmem:s22], [sflag:$0x1] =	stream.indirect.gather [hbm4b:s4+s14], $0x40, s1, s14, $0xb8;
	[tilespmem:$0x1B420] =	vst v63  }
0xd3: {  	_ =	swait.ge [sflag:s30], $0x6400  }
0xd4: {  	[sflag:s30] =	ssyncset.done $0x0  }
0xd5: {  	s13 =	sadd.s32 $0x28A0, s21;
	[sflag:s30] =	ssyncadd.s32 $0xFFFF9C00  }
0xd6: {  	[spmem:s2] =	stream.indirect.scatter.add.f32 [tilespmem:s23], [sflag:$0x3], $0x40, s13, s14, $0xb8;
	[tilespmem:$0x1B420] =	vst v63  }
0xd7: {  	_ =	swait.ge [sflag:s12], $0x1400  }
0xd8: {  	[sflag:s12] =	ssyncset.done $0x0  }
0xd9: {  	s31 =	sadd.s32 $0x28F0, s21;
	[sflag:s12] =	ssyncadd.s32 $0xFFFFEC00  }
0xda: {  	[spmem:s2] =	stream.indirect.scatter.add.f32 [tilespmem:s24], [sflag:$0x3], $0x40, s31, s14, $0xb8;
	[tilespmem:$0x1B420] =	vst v63  }
0xdb: {  	_ =	swait.ge [sflag:s12], $0x1400  }
0xdc: {  	[sflag:s12] =	ssyncset.done $0x0  }
0xdd: {  	s1 =	sadd.s32 $0x2940, s21;
	[sflag:s12] =	ssyncadd.s32 $0xFFFFEC00  }
0xde: {  	[spmem:s2] =	stream.indirect.scatter.add.f32 [tilespmem:s25], [sflag:$0x3], $0x40, s1, s14, $0xb8;
	[tilespmem:$0x1B420] =	vst v63  }
0xdf: {  	_ =	swait.ge [sflag:s12], $0x1400  }
0xe0: {  	[sflag:s12] =	ssyncset.done $0x0  }
0xe1: {  	s13 =	sadd.s32 $0x2990, s21;
	[sflag:s12] =	ssyncadd.s32 $0xFFFFEC00  }
0xe2: {  	[spmem:s2] =	stream.indirect.scatter.add.f32 [tilespmem:s26], [sflag:$0x3], $0x40, s13, s14, $0xb8;
	[tilespmem:$0x1B420] =	vst v63  }
0xe3: {  	_ =	swait.ge [sflag:s12], $0x1400  }
0xe4: {  	[sflag:s12] =	ssyncset.done $0x0  }
0xe5: {  	s31 =	sadd.s32 $0x29E0, s21;
	[sflag:s12] =	ssyncadd.s32 $0xFFFFEC00  }
0xe6: {  	[spmem:s2] =	stream.indirect.scatter.add.f32 [tilespmem:s28], [sflag:$0x3], $0x40, s31, s14, $0xb8;
	[tilespmem:$0x1B420] =	vst v63  }
0xe7: {  	_ =	swait.ge [sflag:s12], $0x1400  }
0xe8: {  	[sflag:s12] =	ssyncset.done $0x0  }
0xe9: {  	[sflag:s12] =	ssyncadd.s32 $0xFFFFEC00  }
0xea: {  	_ =	swait.ge [sflag:s29], $0x6400  }
0xeb: {  	[sflag:s29] =	ssyncset.done $0x0  }
0xec: {  	s1 =	simm.s32 $0x4C90;
	[sflag:s29] =	ssyncadd.s32 $0xFFFF9C00  }
0xed: {  	[spmem:s2] =	stream.indirect.scatter.add.f32 [tilespmem:s15], [sflag:$0x3], $0x40, s1, s14, $0xb8;
	[tilespmem:$0x1B420] =	vst v63  }
0xee: {  	_ =	swait.ge [sflag:s12], $0x1400  }
0xef: {  	[sflag:s12] =	ssyncset.done $0x0  }
0xf0: {  	s13 =	simm.s32 $0x4CE0;
	[sflag:s12] =	ssyncadd.s32 $0xFFFFEC00  }
0xf1: {  	[spmem:s2] =	stream.indirect.scatter.add.f32 [tilespmem:s16], [sflag:$0x3], $0x40, s13, s14, $0xb8;
	[tilespmem:$0x1B420] =	vst v63  }
0xf2: {  	_ =	swait.ge [sflag:s12], $0x1400  }
0xf3: {  	[sflag:s12] =	ssyncset.done $0x0  }
0xf4: {  	s21 =	simm.s32 $0x4D30;
	[sflag:s12] =	ssyncadd.s32 $0xFFFFEC00  }
0xf5: {  	[spmem:s2] =	stream.indirect.scatter.add.f32 [tilespmem:s18], [sflag:$0x3], $0x40, s21, s14, $0xb8;
	[tilespmem:$0x1B420] =	vst v63  }
0xf6: {  	_ =	swait.ge [sflag:s12], $0x1400  }
0xf7: {  	[sflag:s12] =	ssyncset.done $0x0  }
0xf8: {  	s31 =	simm.s32 $0x4D80;
	[sflag:s12] =	ssyncadd.s32 $0xFFFFEC00  }
0xf9: {  	[spmem:s2] =	stream.indirect.scatter.add.f32 [tilespmem:s20], [sflag:$0x3], $0x40, s31, s14, $0xb8;
	[tilespmem:$0x1B420] =	vst v63  }
0xfa: {  	_ =	swait.ge [sflag:s12], $0x1400  }
0xfb: {  	[sflag:s12] =	ssyncset.done $0x0  }
0xfc: {  	[sflag:s12] =	ssyncadd.s32 $0xFFFFEC00  }
0xfd: {  	[spmem:s2] =	stream.indirect.scatter.add.f32 [tilespmem:s22], [sflag:$0x3], $0x40, s17, s14, $0xb8;
	[tilespmem:$0x1B420] =	vst v63  }
0xfe: {  	_ =	swait.ge [sflag:s12], $0x1400  }
0xff: {  	s19 =	sadd.s32 $0x1, s19;
	[sflag:s12] =	ssyncset.done $0x0  }
0x100: {  	p0 =	sne.s32 s19, s10;
	[sflag:s12] =	ssyncadd.s32 $0xFFFFEC00  }
.Ltmp1:
0x101: {  	[bflag:$0x0] =	sbarrier.arrive $0xFFFF;
	(pc) =	sbr.rel @p0 .LBB2_1-.Ltmp1, $4  }
0x102: {  	[hbm:s9], [sflag:s6] =	dma.local [spmem:s11], $0x13C0  }
0x103: {  	_ =	swait.ge [sflag:s12], $0x13C0  }
0x104: {  	[sflag:s12] =	ssyncset.done $0x0  }
0x105: {  	[sflag:s12] =	ssyncadd.s32 $0xFFFFEC40  }
0x106: {  	_ =	sfence.sel $0x180000  }
0x107: {  	[bflag:$0x0] =	sbarrier.arrive $0xFFFF  }
0x108: {  	_ =	strace $0x9000004A  }
0x109: {  	s0 =	stileid.u32;
	[bflag:$0x2] =	sbarrier.arrive $0xFFFF  }
0x10a: {  	p0 =	sne.s32 s0, $0x0;
	s0 =	rddreg [dreg:$0x2]  }
0x10b: {  	s0 =	sadd.s32 @!p0 $0x100000, s0  }
0x10c: {  	[sflag:s0] =	ssyncadd.tile.s32 @!p0 $0x1;
	_ =	shalt  }
.Lfunc_end2:
_tile_overlayer_lowered:
.L_overlay_start_2:
0x10d: {  	(tag) =	ssettag $0x2  }
0x10e: {  	s0 =	rddreg [dreg:$0x0];
	s2 =	stileid.u32  }
0x10f: {  	s1 =	rddreg [dreg:$0x1];
	p0 =	sne.s32 s2, $0x0  }
0x110: {  	s3 =	rddreg [dreg:$0x2];
	[bflag:$0x3] =	sbarrier.arrive $0xFFFF;
	s2 =	simm.s32 @!p0 $0x1C03  }
0x111: {  	[timem:s3], [sflag:s2] =	dma.local @!p0 [hbm:s0], s1  }
0x112: {  	s0 =	simm.s32 @!p0 $0x3  }
0x113: {  	_ =	swait.ge @!p0 [sflag:s0], s1  }
0x114: {  	s1 =	ssub.s32 @!p0 $0x0, s1;
	[sflag:s0] =	ssyncset.done @!p0 $0x0  }
0x115: {  	[sflag:s0] =	ssyncadd.s32 @!p0 s1  }
0x116: {  	[bflag:$0x3] =	sbarrier.arrive $0xFFFF  }
0x117: {  	_ =	shalt  }

// kernel: kernel.14.cloned.1.call-start
scs
__scs_entry_jumppad:
0x0: {  	(pc) =	sbr.rel $0x88, $3  }
0x1: {  	(tag) =	ssettag $0x0;
	lr =	simm.s32 $0x1  }
0x2: {  	[smem:$0x3F97] =	sst lr;
	_ =	strace $0xD0000000  }
0x3: {  	_ = 	snop  }
0x4: {  	_ = 	snop  }
0x5: {  	_ = 	snop  }
0x6: {  	_ = 	snop  }
0x7: {  	_ = 	snop  }
__scs_overlays_trampoline_lowered:
0x8: {  	[smem:$0x3FA6] =	sst s0  }
0x9: {  	[smem:$0x3FA7] =	sst s1  }
0xa: {  	[smem:$0x3FA8] =	sst s2  }
0xb: {  	[smem:$0x3FA9] =	sst s3  }
0xc: {  	[smem:$0x3FAA] =	sst s4  }
0xd: {  	[smem:$0x3FAB] =	sst s5  }
0xe: {  	[smem:$0x3FAC] =	sst s6  }
0xf: {  	[smem:$0x3FAD] =	sst s7  }
0x10: {  	[smem:$0x3FAE] =	sst s8  }
0x11: {  	[smem:$0x3FAF] =	sst s9;
	s0 =	simm.s32 @!p0 $0x0  }
0x12: {  	s1 =	sld [smem:$0x3F95];
	s0 =	simm.s32 @p0 $0x1  }
0x13: {  	[smem:$0x3FB0] =	sst s0;
	s0 =	simm.s32 @!p1 $0x0  }
0x14: {  	s2 =	sld [smem:$0x3F94];
	s0 =	simm.s32 @p1 $0x1  }
0x15: {  	[smem:$0x3FB1] =	sst s0;
	s0 =	simm.s32 @!p2 $0x0  }
0x16: {  	s3 =	sld [smem:$0x3FDB];
	s0 =	simm.s32 @p2 $0x1  }
0x17: {  	s4 =	simm.s32 $0x1BF5;
	[smem:$0x3FB3] =	sst s0  }
0x18: {  	s0 =	sld [smem:$0x3F96];
	_ =	swait.ge [sflag:s4], $0x0  }
0x19: {  	s7 =	sld [smem:$0x3F97]  }
0x1a: {  	s8 =	sadd.s32 $0xFFFFE003, lr  }
0x1b: {  	s9 =	sadd.s32 $0xFFFFFEF7, lr;
	s5 =	simm.s32 $0xFFFFFFFF;
	p2 =	slt.u32 s8, $0xFFFFF086  }
0x1c: {  	p1 =	slt.u32 s9, $0xF7A;
	s5 =	simm.s32 @!p2 $0x0  }
0x1d: {  	s5 =	simm.s32 @p1 $0x1;
	p0 =	seq.s32 s7, s2  }
0x1e: {  	s7 =	smul.u32 @!p0 $0xF7A, s2;
	p2 =	seq.s32 @!p0 s5, $0x0  }
0x1f: {  	s9 =	smul.u32 $0xF7A, s1;
	s8 =	simm.s32 @!p0 $0x1BF5;
	p2 =	por !p2, p0  }
0x20: {  	[sflag:s8] =	ssyncset.s32 @!p0 $0xFFFFF086;
	s6 =	sadd.s32 @!p0 s3, s7;
	s7 =	simm.s32 @!p0 $0x108  }
0x21: {  	s3 =	sadd.s32 s3, s9;
	s6 =	sadd.s32 @!p0 $0x88, s6;
	s7 =	simm.s32 @p2 $0x1082  }
0x22: {  	[simem:s7], [sflag:s8] =	dma.local @!p0 [hbm:s6], $0xF7A  }
0x23: {  	s9 =	sor.u32 $0xD0000000, s2;
	s6 =	simm.s32 $0x108;
	_ =	swait.ge @!p0 [sflag:s8], $0x0  }
0x24: {  	s3 =	sadd.s32 $0x88, s3;
	s6 =	simm.s32 @!p1 $0x1082;
	[sflag:s4] =	ssyncset.s32 $0xFFFFF086  }
0x25: {  	[simem:s6], [sflag:s4] =	dma.local [hbm:s3], $0xF7A  }
0x26: {  	[smem:$0x3F97] =	sst s1;
	(tag) =	ssettag s2;
	_ =	strace s9  }
0x27: {  	s1 =	sld [smem:$0x3FA7]  }
0x28: {  	s2 =	sld [smem:$0x3FA8]  }
0x29: {  	s4 =	sld [smem:$0x3FAA]  }
0x2a: {  	p0 =	seq.s32 s5, $0x0;
	s5 =	sld [smem:$0x3FAB]  }
0x2b: {  	s6 =	sld [smem:$0x3FAC]  }
0x2c: {  	s7 =	sld [smem:$0x3FAD]  }
0x2d: {  	s3 =	simm.s32 $0x108;
	s8 =	sld [smem:$0x3FAE]  }
0x2e: {  	s3 =	simm.s32 @!p0 $0x1082;
	s9 =	sld [smem:$0x3FAF]  }
0x2f: {  	lr =	sadd.s32 s0, s3;
	s0 =	sld [smem:$0x3FA6]  }
0x30: {  	s3 =	sld [smem:$0x3FA9]  }
0x31: {  	[smem:$0x3FB2] =	sst s10  }
0x32: {  	s10 =	sld [smem:$0x3FB0];
	_ =	sdelay $0x3  }
0x33: {  	p0 =	seq.s32 s10, $0x1;
	s10 =	sld [smem:$0x3FB2];
	_ =	sdelay $0x3  }
0x34: {  	[smem:$0x3FB2] =	sst s10  }
0x35: {  	s10 =	sld [smem:$0x3FB1];
	_ =	sdelay $0x3  }
0x36: {  	p1 =	seq.s32 s10, $0x1;
	s10 =	sld [smem:$0x3FB2];
	_ =	sdelay $0x3  }
0x37: {  	[smem:$0x3FB2] =	sst s10  }
0x38: {  	s10 =	sld [smem:$0x3FB3]  }
0x39: {  	_ = 	snop;
	(pc) =	sbr.ind lr, $3  }
0x3a: {  	_ = 	snop  }
0x3b: {  	_ = 	snop  }
0x3c: {  	p2 =	seq.s32 s10, $0x1;
	s10 =	sld [smem:$0x3FB2]  }
0x3d: {  	_ =	shalt  }
0x3e: {  	_ =	shalt  }
0x3f: {  	_ =	shalt  }
0x40: {  	_ =	shalt  }
0x41: {  	_ =	shalt  }
0x42: {  	_ =	shalt  }
0x43: {  	_ =	shalt  }
0x44: {  	_ =	shalt  }
0x45: {  	_ =	shalt  }
0x46: {  	_ =	shalt  }
0x47: {  	_ =	shalt  }
0x48: {  	_ =	shalt  }
0x49: {  	_ =	shalt  }
0x4a: {  	_ =	shalt  }
0x4b: {  	_ =	shalt  }
0x4c: {  	_ =	shalt  }
0x4d: {  	_ =	shalt  }
0x4e: {  	_ =	shalt  }
0x4f: {  	_ =	shalt  }
0x50: {  	_ =	shalt  }
0x51: {  	_ =	shalt  }
0x52: {  	_ =	shalt  }
0x53: {  	_ =	shalt  }
0x54: {  	_ =	shalt  }
0x55: {  	_ =	shalt  }
0x56: {  	_ =	shalt  }
0x57: {  	_ =	shalt  }
0x58: {  	_ =	shalt  }
0x59: {  	_ =	shalt  }
0x5a: {  	_ =	shalt  }
0x5b: {  	_ =	shalt  }
0x5c: {  	_ =	shalt  }
0x5d: {  	_ =	shalt  }
0x5e: {  	_ =	shalt  }
0x5f: {  	_ =	shalt  }
0x60: {  	_ =	shalt  }
0x61: {  	_ =	shalt  }
0x62: {  	_ =	shalt  }
0x63: {  	_ =	shalt  }
0x64: {  	_ =	shalt  }
0x65: {  	_ =	shalt  }
0x66: {  	_ =	shalt  }
0x67: {  	_ =	shalt  }
0x68: {  	_ =	shalt  }
0x69: {  	_ =	shalt  }
0x6a: {  	_ =	shalt  }
0x6b: {  	_ =	shalt  }
0x6c: {  	_ =	shalt  }
0x6d: {  	_ =	shalt  }
0x6e: {  	_ =	shalt  }
0x6f: {  	_ =	shalt  }
0x70: {  	_ =	shalt  }
0x71: {  	_ =	shalt  }
0x72: {  	_ =	shalt  }
0x73: {  	_ =	shalt  }
0x74: {  	_ =	shalt  }
0x75: {  	_ =	shalt  }
0x76: {  	_ =	shalt  }
0x77: {  	_ =	shalt  }
0x78: {  	_ =	shalt  }
0x79: {  	_ =	shalt  }
0x7a: {  	_ =	shalt  }
0x7b: {  	_ =	shalt  }
0x7c: {  	_ =	shalt  }
0x7d: {  	_ =	shalt  }
0x7e: {  	_ =	shalt  }
0x7f: {  	_ =	shalt  }
0x80: {  	_ =	shalt  }
0x81: {  	_ =	shalt  }
0x82: {  	_ =	shalt  }
0x83: {  	_ =	shalt  }
0x84: {  	_ =	shalt  }
0x85: {  	_ =	shalt  }
0x86: {  	_ =	shalt  }
0x87: {  	_ =	shalt  }
.Lfunc_end0:
.L_simem_size_0:
called_computation.2_lowered:
.L_overlay_start_0:
0x88: {  	s2 =	sld [smem:$0x3FD9]  }
0x89: {  	s3 =	sld [smem:$0x3FFE];
	_ =	sdelay $0x1  }
0x8a: {  	s1 =	srdreg.scid  }
0x8b: {  	s0 =	sand.u32 $0x1, s1  }
0x8c: {  	s16 =	sshll.u32 s0, $0xA;
	s2 =	sadd.s32 s3, s2  }
0x8d: {  	s2 =	sadd.s32 s2, s16  }
0x8e: {  	[smem:$0x3FBE] =	sst s2  }
0x8f: {  	_ = 	snop  }
0x90: {  	(tm) =	ssettm $0x1  }
0x91: {  	s17 =	sld [smem:$0x3FFB];
	_ =	sdelay $0x3  }
0x92: {  	_ =	strace s17  }
0x93: {  	s2 =	sld [smem:$0x3FFC];
	_ =	sdelay $0x3  }
0x94: {  	_ =	strace s2  }
0x95: {  	s2 =	sld [smem:$0x3FFD];
	_ =	sdelay $0x3  }
0x96: {  	_ =	strace s2  }
0x97: {  	_ =	strace $0x8FFFFFFF  }
0x98: {  	s18 =	sld [smem:$0x3FDB];
	_ =	sdelay $0x1  }
0x99: {  	s19 =	simm.s32 $_scs_section_size  }
0x9a: {  	s4 =	simm.s32 $_size__tile_overlayer_lowered;
	s5 =	simm.s32 $_tile_overlayer_lowered  }
0x9b: {  	s22 =	simm.s32 $0x1BFF;
	s21 =	sshll.u32 s5, $0x1;
	s2 =	sadd.s32 s19, s18  }
0x9c: {  	s6 =	simm.s32 $0x0;
	s20 =	sshll.u32 s4, $0x1;
	s4 =	sadd.s32 s21, s2  }
0x9d: {  	[timem:s6], [sflag:s22] =	dma.local [hbm:s4], s20  }
0x9e: {  	_ =	swait.ge [sflag:s22], s20  }
0x9f: {  	s3 =	ssub.s32 $0x0, s20;
	[sflag:s22] =	ssyncset.done $0x0  }
0xa0: {  	[sflag:s22] =	ssyncadd.s32 s3;
	_ =	sdelay $0x1  }
0xa1: {  	s23 =	simm.s32 $0x1B8B  }
0xa2: {  	_ =	swait.ge [sflag:s23], $0x1  }
0xa3: {  	[sflag:s23] =	ssyncset.done $0x0  }
0xa4: {  	s25 =	simm.s32 $0x1B8E;
	s24 =	sld [smem:$0x3FFE];
	[sflag:s23] =	ssyncadd.s32 $0xFFFFFFFF  }
0xa5: {  	s26 =	simm.s32 $execute0_lowered;
	[smem:$0x3FD2] =	sst s25  }
0xa6: {  	s4 =	sshll.u32 s26, $0x1;
	_ =	strace $0x8000004C;
	[dreg:$0x1] =	wrdreg $0xFFFFFFFF  }
0xa7: {  	s28 =	simm.s32 $_size_execute0_lowered;
	s2 =	sadd.s32 s2, s4;
	[dreg:$0x0] =	wrdreg $0x0  }
0xa8: {  	s4 =	sshll.u32 s28, $0x1;
	[dreg:$0x2] =	wrdreg s2  }
0xa9: {  	[dreg:$0x3] =	wrdreg s4  }
0xaa: {  	[dreg:$0x4] =	wrdreg $0xC0  }
0xab: {  	_ =	task [dreg:s6], $0x5FFFF  }
0xac: {  	[dreg:$0x1] =	wrdreg $0xFFFFFFFF  }
0xad: {  	[dreg:$0x0] =	wrdreg $0x60  }
0xae: {  	[dreg:$0x2] =	wrdreg s24  }
0xaf: {  	[dreg:$0x3] =	wrdreg $0x116200  }
0xb0: {  	[dreg:$0x4] =	wrdreg $0x9  }
0xb1: {  	_ =	task.clear_ibuf [dreg:s6], $0x5FFFF;
	_ =	strace $0x9000004C  }
0xb2: {  	s29 =	simm.s32 $0x9;
	_ =	strace $0x8000004E  }
0xb3: {  	_ =	swait.ge [sflag:s29], $0x1  }
0xb4: {  	[sflag:s29] =	ssyncadd.s32 $0xFFFFFFFF  }
0xb5: {  	_ =	strace $0x9000004E  }
0xb6: {  	_ =	sfence  }
0xb7: {  	s30 =	sld [smem:$0x0];
	_ =	sdelay $0x2  }
0xb8: {  	s31 =	sshll.u32 s1, $0xD;
	s1 =	sshrl.u32 s1, $0x2  }
0xb9: {  	s3 =	sand.u32 $0x4000, s31;
	s1 =	sadd.s32 s1, s30  }
0xba: {  	s0 =	sor.u32 s3, s0;
	s1 =	sshll.u32 s1, $0x11  }
0xbb: {  	s0 =	sor.u32 s1, s0  }
0xbc: {  	s0 =	sadd.s32 $0x8F2B, s0  }
0xbd: {  	[sflag:s0] =	ssyncadd.remote.s32 $0x1  }
0xbe: {  	_ =	sfence.sel $0xFFFF  }
0xbf: {  	[dreg:$0x0] =	wrdreg $0xFFFFFFFF;
	(pc) =	sbr.abs _section_cstart, $3  }
0xc0: {  	[dreg:$0x1] =	wrdreg $0xFFFFFFFF  }
0xc1: {  	_ =	task.clear_ibuf [dreg:s6], $0x2FFFF;
	_ =	strace $0x9FFFFFFF  }
0xc2: {  	(tm) =	ssettm $0x7FFFFFFF  }
0xc3: {  	_ =	shalt  }
tec
execute0_lowered:
.L_overlay_start_1:
0x0: {  	(tag) =	ssettag $0x1  }
0x1: {  	s0 =	srdreg.scid;
	s5 =	rddreg [dreg:$0x0]  }
0x2: {  	s12 =	stileid.u32;
	s2 =	rddreg [dreg:$0x1]  }
0x3: {  	s3 =	simm.s32 $0x0;
	s14 =	simm.s32 $0x50;
	s15 =	simm.s32 $0x4E20  }
0x4: {  	s16 =	simm.s32 $0x6220;
	s18 =	simm.s32 $0x7620;
	s20 =	simm.s32 $0x8A20  }
0x5: {  	s22 =	simm.s32 $0x9E20;
	s23 =	simm.s32 $0xB220;
	s24 =	simm.s32 $0xC620  }
0x6: {  	s25 =	simm.s32 $0xDA20;
	s26 =	simm.s32 $0xEE20;
	s28 =	simm.s32 $0x10220  }
0x7: {  	s29 =	simm.s32 $0x1;
	s30 =	simm.s32 $0x2;
	s17 =	simm.s32 $0x4DD0  }
0x8: {  	s19 =	simm.s32 $0x0;
	s0 =	sand.u32 $0x1, s0;
	s6 =	smul.u32 $0x9E00, s12  }
0x9: {  	[smem:$0x7FF] =	sst s3;
	s4 =	sadd.s32 $0x64A00, s5;
	s31 =	sshll.u32 s12, $0x6  }
0xa: {  	s1 =	sshll.u32 s0, $0x4;
	s7 =	smul.u32 $0x9E000, s0;
	_ =	strace $0x8000004D  }
0xb: {  	s0 =	ssub.s32 $0x2, s0;
	s1 =	sor.u32 s12, s1;
	s8 =	sshrl.u32 s6, $0x3  }
0xc: {  	s9 =	sshrl.u32 s0, $0x1;
	s11 =	sadd.s32 s6, s2;
	s12 =	simm.s32 $0x3  }
0xd: {  	s1 =	smul.u32 $0x2710, s1;
	s7 =	sadd.s32 s6, s7;
	s8 =	sadd.s32 s8, s5  }
0xe: {  	s0 =	ssub.s32 s0, s9;
	s6 =	sor.u32 $0x1C03, s31;
	s7 =	sshrl.u32 s7, $0x3  }
0xf: {  	s11 =	sshrl.u32 s11, $0x3;
	s1 =	sshrl.u32 s1, $0x3;
	s10 =	sadd.s32 s7, s5  }
0x10: {  	s1 =	sadd.s32 s1, s5;
	s5 =	sadd.s32 $0x78400, s8;
	s9 =	sadd.s32 $0x8C000, s10  }
0x11: {  	s10 =	smax.u32 s0, $0x1;
	s7 =	sadd.s32 $0x2000, s1;
	s8 =	sadd.s32 $0xBC40, s1  }
.LBB2_1:
0x12: {  	[spmem:s11], [sflag:s6] =	dma.local [hbm:s5], $0x13C0  }
0x13: {  	_ =	swait.ge [sflag:s12], $0x13C0  }
0x14: {  	[sflag:s12] =	ssyncset.done $0x0  }
0x15: {  	[sflag:s12] =	ssyncadd.s32 $0xFFFFEC40  }
0x16: {  	[tilespmem:s3], [sflag:$0x3] =	stream.linear.gather [hbm4b:s7+s3], $0x2710, $0x38;
	[tilespmem:$0x1B420] =	vst v63  }
0x17: {  	_ =	swait.ge [sflag:s12], $0x2710  }
0x18: {  	[sflag:s12] =	ssyncset.done $0x0  }
0x19: {  	s0 =	simm.s32 $0x2710;
	[sflag:s12] =	ssyncadd.s32 $0xFFFFD8F0  }
0x1a: {  	[tilespmem:s0], [sflag:$0x3] =	stream.linear.gather [hbm4b:s8+s3], $0x2710, $0x38;
	[tilespmem:$0x1B420] =	vst v63  }
0x1b: {  	_ =	swait.ge [sflag:s12], $0x2710  }
0x1c: {  	[sflag:s12] =	ssyncset.done $0x0  }
0x1d: {  	[sflag:s12] =	ssyncadd.s32 $0xFFFFD8F0  }
0x1e: {  	[bflag:$0x0] =	sbarrier.arrive $0xFFFF  }
0x1f: {  	[tilespmem:s15], [sflag:$0x1] =	stream.indirect.gather [hbm4b:s4+s14], $0x40, s3, s14, $0xb8;
	[tilespmem:$0x1B420] =	vst v63  }
0x20: {  	_ = 	snop  }
0x21: {  	[tilespmem:s16], [sflag:$0x1] =	stream.indirect.gather [hbm4b:s4+s14], $0x40, s14, s14, $0xb8;
	[tilespmem:$0x1B420] =	vst v63  }
0x22: {  	s13 =	simm.s32 $0xA0  }
0x23: {  	[tilespmem:s18], [sflag:$0x1] =	stream.indirect.gather [hbm4b:s4+s14], $0x40, s13, s14, $0xb8;
	[tilespmem:$0x1B420] =	vst v63  }
0x24: {  	s21 =	simm.s32 $0xF0  }
0x25: {  	[tilespmem:s20], [sflag:$0x1] =	stream.indirect.gather [hbm4b:s4+s14], $0x40, s21, s14, $0xb8;
	[tilespmem:$0x1B420] =	vst v63  }
0x26: {  	s1 =	simm.s32 $0x140  }
0x27: {  	[tilespmem:s22], [sflag:$0x1] =	stream.indirect.gather [hbm4b:s4+s14], $0x40, s1, s14, $0xb8;
	[tilespmem:$0x1B420] =	vst v63  }
0x28: {  	s13 =	simm.s32 $0x190  }
0x29: {  	[tilespmem:s23], [sflag:$0x2] =	stream.indirect.gather [hbm4b:s4+s14], $0x40, s13, s14, $0xb8;
	[tilespmem:$0x1B420] =	vst v63  }
0x2a: {  	s21 =	simm.s32 $0x1E0  }
0x2b: {  	[tilespmem:s24], [sflag:$0x2] =	stream.indirect.gather [hbm4b:s4+s14], $0x40, s21, s14, $0xb8;
	[tilespmem:$0x1B420] =	vst v63  }
0x2c: {  	s1 =	simm.s32 $0x230  }
0x2d: {  	[tilespmem:s25], [sflag:$0x2] =	stream.indirect.gather [hbm4b:s4+s14], $0x40, s1, s14, $0xb8;
	[tilespmem:$0x1B420] =	vst v63  }
0x2e: {  	s13 =	simm.s32 $0x280  }
0x2f: {  	[tilespmem:s26], [sflag:$0x2] =	stream.indirect.gather [hbm4b:s4+s14], $0x40, s13, s14, $0xb8;
	[tilespmem:$0x1B420] =	vst v63  }
0x30: {  	s21 =	simm.s32 $0x2D0  }
0x31: {  	[tilespmem:s28], [sflag:$0x2] =	stream.indirect.gather [hbm4b:s4+s14], $0x40, s21, s14, $0xb8;
	[tilespmem:$0x1B420] =	vst v63  }
0x32: {  	_ =	swait.ge [sflag:s29], $0x6400  }
0x33: {  	[sflag:s29] =	ssyncset.done $0x0  }
0x34: {  	s1 =	simm.s32 $0x2710;
	[sflag:s29] =	ssyncadd.s32 $0xFFFF9C00  }
0x35: {  	[spmem:s2] =	stream.indirect.scatter.add.f32 [tilespmem:s15], [sflag:$0x3], $0x40, s1, s14, $0xb8;
	[tilespmem:$0x1B420] =	vst v63  }
0x36: {  	_ =	swait.ge [sflag:s12], $0x1400  }
0x37: {  	[sflag:s12] =	ssyncset.done $0x0  }
0x38: {  	s13 =	simm.s32 $0x2760;
	[sflag:s12] =	ssyncadd.s32 $0xFFFFEC00  }
0x39: {  	[spmem:s2] =	stream.indirect.scatter.add.f32 [tilespmem:s16], [sflag:$0x3], $0x40, s13, s14, $0xb8;
	[tilespmem:$0x1B420] =	vst v63  }
0x3a: {  	_ =	swait.ge [sflag:s12], $0x1400  }
0x3b: {  	[sflag:s12] =	ssyncset.done $0x0  }
0x3c: {  	s21 =	simm.s32 $0x27B0;
	[sflag:s12] =	ssyncadd.s32 $0xFFFFEC00  }
0x3d: {  	[spmem:s2] =	stream.indirect.scatter.add.f32 [tilespmem:s18], [sflag:$0x3], $0x40, s21, s14, $0xb8;
	[tilespmem:$0x1B420] =	vst v63  }
0x3e: {  	_ =	swait.ge [sflag:s12], $0x1400  }
0x3f: {  	[sflag:s12] =	ssyncset.done $0x0  }
0x40: {  	s1 =	simm.s32 $0x2800;
	[sflag:s12] =	ssyncadd.s32 $0xFFFFEC00  }
0x41: {  	[spmem:s2] =	stream.indirect.scatter.add.f32 [tilespmem:s20], [sflag:$0x3], $0x40, s1, s14, $0xb8;
	[tilespmem:$0x1B420] =	vst v63  }
0x42: {  	_ =	swait.ge [sflag:s12], $0x1400  }
0x43: {  	[sflag:s12] =	ssyncset.done $0x0  }
0x44: {  	s13 =	simm.s32 $0x2850;
	[sflag:s12] =	ssyncadd.s32 $0xFFFFEC00  }
0x45: {  	[spmem:s2] =	stream.indirect.scatter.add.f32 [tilespmem:s22], [sflag:$0x3], $0x40, s13, s14, $0xb8;
	[tilespmem:$0x1B420] =	vst v63  }
0x46: {  	_ =	swait.ge [sflag:s12], $0x1400  }
0x47: {  	[sflag:s12] =	ssyncset.done $0x0  }
0x48: {  	s21 =	simm.s32 $0x320;
	[sflag:s12] =	ssyncadd.s32 $0xFFFFEC00  }
0x49: {  	[tilespmem:s15], [sflag:$0x1] =	stream.indirect.gather [hbm4b:s4+s14], $0x40, s21, s14, $0xb8;
	[tilespmem:$0x1B420] =	vst v63  }
0x4a: {  	s1 =	simm.s32 $0x370  }
0x4b: {  	[tilespmem:s16], [sflag:$0x1] =	stream.indirect.gather [hbm4b:s4+s14], $0x40, s1, s14, $0xb8;
	[tilespmem:$0x1B420] =	vst v63  }
0x4c: {  	s13 =	simm.s32 $0x3C0  }
0x4d: {  	[tilespmem:s18], [sflag:$0x1] =	stream.indirect.gather [hbm4b:s4+s14], $0x40, s13, s14, $0xb8;
	[tilespmem:$0x1B420] =	vst v63  }
0x4e: {  	s21 =	simm.s32 $0x410  }
0x4f: {  	[tilespmem:s20], [sflag:$0x1] =	stream.indirect.gather [hbm4b:s4+s14], $0x40, s21, s14, $0xb8;
	[tilespmem:$0x1B420] =	vst v63  }
0x50: {  	s1 =	simm.s32 $0x460  }
0x51: {  	[tilespmem:s22], [sflag:$0x1] =	stream.indirect.gather [hbm4b:s4+s14], $0x40, s1, s14, $0xb8;
	[tilespmem:$0x1B420] =	vst v63  }
0x52: {  	_ =	swait.ge [sflag:s30], $0x6400  }
0x53: {  	[sflag:s30] =	ssyncset.done $0x0  }
0x54: {  	s13 =	simm.s32 $0x28A0;
	[sflag:s30] =	ssyncadd.s32 $0xFFFF9C00  }
0x55: {  	[spmem:s2] =	stream.indirect.scatter.add.f32 [tilespmem:s23], [sflag:$0x3], $0x40, s13, s14, $0xb8;
	[tilespmem:$0x1B420] =	vst v63  }
0x56: {  	_ =	swait.ge [sflag:s12], $0x1400  }
0x57: {  	[sflag:s12] =	ssyncset.done $0x0  }
0x58: {  	s21 =	simm.s32 $0x28F0;
	[sflag:s12] =	ssyncadd.s32 $0xFFFFEC00  }
0x59: {  	[spmem:s2] =	stream.indirect.scatter.add.f32 [tilespmem:s24], [sflag:$0x3], $0x40, s21, s14, $0xb8;
	[tilespmem:$0x1B420] =	vst v63  }
0x5a: {  	_ =	swait.ge [sflag:s12], $0x1400  }
0x5b: {  	[sflag:s12] =	ssyncset.done $0x0  }
0x5c: {  	s1 =	simm.s32 $0x2940;
	[sflag:s12] =	ssyncadd.s32 $0xFFFFEC00  }
0x5d: {  	[spmem:s2] =	stream.indirect.scatter.add.f32 [tilespmem:s25], [sflag:$0x3], $0x40, s1, s14, $0xb8;
	[tilespmem:$0x1B420] =	vst v63  }
0x5e: {  	_ =	swait.ge [sflag:s12], $0x1400  }
0x5f: {  	[sflag:s12] =	ssyncset.done $0x0  }
0x60: {  	s13 =	simm.s32 $0x2990;
	[sflag:s12] =	ssyncadd.s32 $0xFFFFEC00  }
0x61: {  	[spmem:s2] =	stream.indirect.scatter.add.f32 [tilespmem:s26], [sflag:$0x3], $0x40, s13, s14, $0xb8;
	[tilespmem:$0x1B420] =	vst v63  }
0x62: {  	_ =	swait.ge [sflag:s12], $0x1400  }
0x63: {  	[sflag:s12] =	ssyncset.done $0x0  }
0x64: {  	s21 =	simm.s32 $0x29E0;
	[sflag:s12] =	ssyncadd.s32 $0xFFFFEC00  }
0x65: {  	[spmem:s2] =	stream.indirect.scatter.add.f32 [tilespmem:s28], [sflag:$0x3], $0x40, s21, s14, $0xb8;
	[tilespmem:$0x1B420] =	vst v63  }
0x66: {  	_ =	swait.ge [sflag:s12], $0x1400  }
0x67: {  	s31 =	simm.s32 $0x1900;
	s21 =	simm.s32 $0x320;
	[sflag:s12] =	ssyncset.done $0x0  }
.LBB2_2:
0x68: {  	s13 =	sadd.s32 $0x190, s21  }
0x69: {  	[sflag:s12] =	ssyncadd.s32 $0xFFFFEC00;
	s1 =	smov.u32 s31;
	s0 =	sadd.s32 $0xC80, s31  }
0x6a: {  	[tilespmem:s23], [sflag:$0x2] =	stream.indirect.gather [hbm4b:s4+s14], $0x40, s13, s14, $0xb8;
	[tilespmem:$0x1B420] =	vst v63  }
0x6b: {  	p0 =	sne.s32 s31, $0x8980;
	s13 =	sadd.s32 $0x1E0, s21  }
0x6c: {  	[tilespmem:s24], [sflag:$0x2] =	stream.indirect.gather [hbm4b:s4+s14], $0x40, s13, s14, $0xb8;
	[tilespmem:$0x1B420] =	vst v63  }
0x6d: {  	s13 =	sadd.s32 $0x230, s21  }
0x6e: {  	[tilespmem:s25], [sflag:$0x2] =	stream.indirect.gather [hbm4b:s4+s14], $0x40, s13, s14, $0xb8;
	[tilespmem:$0x1B420] =	vst v63  }
0x6f: {  	s13 =	sadd.s32 $0x280, s21  }
0x70: {  	[tilespmem:s26], [sflag:$0x2] =	stream.indirect.gather [hbm4b:s4+s14], $0x40, s13, s14, $0xb8;
	[tilespmem:$0x1B420] =	vst v63  }
0x71: {  	s13 =	sadd.s32 $0x2D0, s21  }
0x72: {  	[tilespmem:s28], [sflag:$0x2] =	stream.indirect.gather [hbm4b:s4+s14], $0x40, s13, s14, $0xb8;
	[tilespmem:$0x1B420] =	vst v63  }
0x73: {  	_ =	swait.ge [sflag:s29], $0x6400  }
0x74: {  	[sflag:s29] =	ssyncset.done $0x0  }
0x75: {  	s13 =	sadd.s32 $0x2710, s21;
	[sflag:s29] =	ssyncadd.s32 $0xFFFF9C00  }
0x76: {  	[spmem:s2] =	stream.indirect.scatter.add.f32 [tilespmem:s15], [sflag:$0x3], $0x40, s13, s14, $0xb8;
	[tilespmem:$0x1B420] =	vst v63  }
0x77: {  	_ =	swait.ge [sflag:s12], $0x1400  }
0x78: {  	[sflag:s12] =	ssyncset.done $0x0  }
0x79: {  	s13 =	sadd.s32 $0x2760, s21;
	[sflag:s12] =	ssyncadd.s32 $0xFFFFEC00  }
0x7a: {  	[spmem:s2] =	stream.indirect.scatter.add.f32 [tilespmem:s16], [sflag:$0x3], $0x40, s13, s14, $0xb8;
	[tilespmem:$0x1B420] =	vst v63  }
0x7b: {  	_ =	swait.ge [sflag:s12], $0x1400  }
0x7c: {  	[sflag:s12] =	ssyncset.done $0x0  }
0x7d: {  	s13 =	sadd.s32 $0x27B0, s21;
	[sflag:s12] =	ssyncadd.s32 $0xFFFFEC00  }
0x7e: {  	[spmem:s2] =	stream.indirect.scatter.add.f32 [tilespmem:s18], [sflag:$0x3], $0x40, s13, s14, $0xb8;
	[tilespmem:$0x1B420] =	vst v63  }
0x7f: {  	_ =	swait.ge [sflag:s12], $0x1400  }
0x80: {  	[sflag:s12] =	ssyncset.done $0x0  }
0x81: {  	s13 =	sadd.s32 $0x2800, s21;
	[sflag:s12] =	ssyncadd.s32 $0xFFFFEC00  }
0x82: {  	[spmem:s2] =	stream.indirect.scatter.add.f32 [tilespmem:s20], [sflag:$0x3], $0x40, s13, s14, $0xb8;
	[tilespmem:$0x1B420] =	vst v63  }
0x83: {  	_ =	swait.ge [sflag:s12], $0x1400  }
0x84: {  	[sflag:s12] =	ssyncset.done $0x0  }
0x85: {  	s13 =	sadd.s32 $0x2850, s21;
	[sflag:s12] =	ssyncadd.s32 $0xFFFFEC00  }
0x86: {  	[spmem:s2] =	stream.indirect.scatter.add.f32 [tilespmem:s22], [sflag:$0x3], $0x40, s13, s14, $0xb8;
	[tilespmem:$0x1B420] =	vst v63  }
0x87: {  	_ =	swait.ge [sflag:s12], $0x1400  }
0x88: {  	[sflag:s12] =	ssyncset.done $0x0  }
0x89: {  	s13 =	sadd.s32 $0x320, s21;
	[sflag:s12] =	ssyncadd.s32 $0xFFFFEC00  }
0x8a: {  	[tilespmem:s15], [sflag:$0x1] =	stream.indirect.gather [hbm4b:s4+s14], $0x40, s13, s14, $0xb8;
	[tilespmem:$0x1B420] =	vst v63  }
0x8b: {  	s13 =	sadd.s32 $0x370, s21  }
0x8c: {  	[tilespmem:s16], [sflag:$0x1] =	stream.indirect.gather [hbm4b:s4+s14], $0x40, s13, s14, $0xb8;
	[tilespmem:$0x1B420] =	vst v63  }
0x8d: {  	s13 =	sadd.s32 $0x3C0, s21  }
0x8e: {  	[tilespmem:s18], [sflag:$0x1] =	stream.indirect.gather [hbm4b:s4+s14], $0x40, s13, s14, $0xb8;
	[tilespmem:$0x1B420] =	vst v63  }
0x8f: {  	s13 =	sadd.s32 $0x410, s21  }
0x90: {  	[tilespmem:s20], [sflag:$0x1] =	stream.indirect.gather [hbm4b:s4+s14], $0x40, s13, s14, $0xb8;
	[tilespmem:$0x1B420] =	vst v63  }
0x91: {  	s13 =	sadd.s32 $0x460, s21  }
0x92: {  	[tilespmem:s22], [sflag:$0x1] =	stream.indirect.gather [hbm4b:s4+s14], $0x40, s13, s14, $0xb8;
	[tilespmem:$0x1B420] =	vst v63  }
0x93: {  	_ =	swait.ge [sflag:s30], $0x6400  }
0x94: {  	[sflag:s30] =	ssyncset.done $0x0  }
0x95: {  	s13 =	sadd.s32 $0x28A0, s21;
	[sflag:s30] =	ssyncadd.s32 $0xFFFF9C00  }
0x96: {  	[spmem:s2] =	stream.indirect.scatter.add.f32 [tilespmem:s23], [sflag:$0x3], $0x40, s13, s14, $0xb8;
	[tilespmem:$0x1B420] =	vst v63  }
0x97: {  	_ =	swait.ge [sflag:s12], $0x1400  }
0x98: {  	[sflag:s12] =	ssyncset.done $0x0  }
0x99: {  	s13 =	sadd.s32 $0x28F0, s21;
	[sflag:s12] =	ssyncadd.s32 $0xFFFFEC00  }
0x9a: {  	[spmem:s2] =	stream.indirect.scatter.add.f32 [tilespmem:s24], [sflag:$0x3], $0x40, s13, s14, $0xb8;
	[tilespmem:$0x1B420] =	vst v63  }
0x9b: {  	_ =	swait.ge [sflag:s12], $0x1400  }
0x9c: {  	[sflag:s12] =	ssyncset.done $0x0  }
0x9d: {  	s13 =	sadd.s32 $0x2940, s21;
	[sflag:s12] =	ssyncadd.s32 $0xFFFFEC00  }
0x9e: {  	[spmem:s2] =	stream.indirect.scatter.add.f32 [tilespmem:s25], [sflag:$0x3], $0x40, s13, s14, $0xb8;
	[tilespmem:$0x1B420] =	vst v63  }
0x9f: {  	_ =	swait.ge [sflag:s12], $0x1400  }
0xa0: {  	[sflag:s12] =	ssyncset.done $0x0  }
0xa1: {  	s13 =	sadd.s32 $0x2990, s21;
	[sflag:s12] =	ssyncadd.s32 $0xFFFFEC00  }
0xa2: {  	[spmem:s2] =	stream.indirect.scatter.add.f32 [tilespmem:s26], [sflag:$0x3], $0x40, s13, s14, $0xb8;
	[tilespmem:$0x1B420] =	vst v63  }
0xa3: {  	_ =	swait.ge [sflag:s12], $0x1400  }
.Ltmp0:
0xa4: {  	[sflag:s12] =	ssyncset.done $0x0;
	(pc) =	sbr.rel @p0 .LBB2_2-.Ltmp0, $4  }
0xa5: {  	s13 =	sadd.s32 $0x29E0, s21;
	[sflag:s12] =	ssyncadd.s32 $0xFFFFEC00  }
0xa6: {  	[spmem:s2] =	stream.indirect.scatter.add.f32 [tilespmem:s28], [sflag:$0x3], $0x40, s13, s14, $0xb8;
	[tilespmem:$0x1B420] =	vst v63  }
0xa7: {  	_ =	swait.ge [sflag:s12], $0x1400  }
0xa8: {  	s31 =	smov.u32 s0;
	s21 =	sshra.s32 s1, $0x2;
	[sflag:s12] =	ssyncset.done $0x0  }
0xa9: {  	s0 =	sadd.s32 $0x190, s21;
	[sflag:s12] =	ssyncadd.s32 $0xFFFFEC00  }
0xaa: {  	[tilespmem:s23], [sflag:$0x2] =	stream.indirect.gather [hbm4b:s4+s14], $0x40, s0, s14, $0xb8;
	[tilespmem:$0x1B420] =	vst v63  }
0xab: {  	s31 =	sadd.s32 $0x1E0, s21  }
0xac: {  	[tilespmem:s24], [sflag:$0x2] =	stream.indirect.gather [hbm4b:s4+s14], $0x40, s31, s14, $0xb8;
	[tilespmem:$0x1B420] =	vst v63  }
0xad: {  	s1 =	sadd.s32 $0x230, s21  }
0xae: {  	[tilespmem:s25], [sflag:$0x2] =	stream.indirect.gather [hbm4b:s4+s14], $0x40, s1, s14, $0xb8;
	[tilespmem:$0x1B420] =	vst v63  }
0xaf: {  	s13 =	sadd.s32 $0x280, s21  }
0xb0: {  	[tilespmem:s26], [sflag:$0x2] =	stream.indirect.gather [hbm4b:s4+s14], $0x40, s13, s14, $0xb8;
	[tilespmem:$0x1B420] =	vst v63  }
0xb1: {  	s31 =	sadd.s32 $0x2D0, s21  }
0xb2: {  	[tilespmem:s28], [sflag:$0x2] =	stream.indirect.gather [hbm4b:s4+s14], $0x40, s31, s14, $0xb8;
	[tilespmem:$0x1B420] =	vst v63  }
0xb3: {  	_ =	swait.ge [sflag:s29], $0x6400  }
0xb4: {  	[sflag:s29] =	ssyncset.done $0x0  }
0xb5: {  	s1 =	sadd.s32 $0x2710, s21;
	[sflag:s29] =	ssyncadd.s32 $0xFFFF9C00  }
0xb6: {  	[spmem:s2] =	stream.indirect.scatter.add.f32 [tilespmem:s15], [sflag:$0x3], $0x40, s1, s14, $0xb8;
	[tilespmem:$0x1B420] =	vst v63  }
0xb7: {  	_ =	swait.ge [sflag:s12], $0x1400  }
0xb8: {  	[sflag:s12] =	ssyncset.done $0x0  }
0xb9: {  	s13 =	sadd.s32 $0x2760, s21;
	[sflag:s12] =	ssyncadd.s32 $0xFFFFEC00  }
0xba: {  	[spmem:s2] =	stream.indirect.scatter.add.f32 [tilespmem:s16], [sflag:$0x3], $0x40, s13, s14, $0xb8;
	[tilespmem:$0x1B420] =	vst v63  }
0xbb: {  	_ =	swait.ge [sflag:s12], $0x1400  }
0xbc: {  	[sflag:s12] =	ssyncset.done $0x0  }
0xbd: {  	s31 =	sadd.s32 $0x27B0, s21;
	[sflag:s12] =	ssyncadd.s32 $0xFFFFEC00  }
0xbe: {  	[spmem:s2] =	stream.indirect.scatter.add.f32 [tilespmem:s18], [sflag:$0x3], $0x40, s31, s14, $0xb8;
	[tilespmem:$0x1B420] =	vst v63  }
0xbf: {  	_ =	swait.ge [sflag:s12], $0x1400  }
0xc0: {  	[sflag:s12] =	ssyncset.done $0x0  }
0xc1: {  	s1 =	sadd.s32 $0x2800, s21;
	[sflag:s12] =	ssyncadd.s32 $0xFFFFEC00  }
0xc2: {  	[spmem:s2] =	stream.indirect.scatter.add.f32 [tilespmem:s20], [sflag:$0x3], $0x40, s1, s14, $0xb8;
	[tilespmem:$0x1B420] =	vst v63  }
0xc3: {  	_ =	swait.ge [sflag:s12], $0x1400  }
0xc4: {  	[sflag:s12] =	ssyncset.done $0x0  }
0xc5: {  	s13 =	sadd.s32 $0x2850, s21;
	[sflag:s12] =	ssyncadd.s32 $0xFFFFEC00  }
0xc6: {  	[spmem:s2] =	stream.indirect.scatter.add.f32 [tilespmem:s22], [sflag:$0x3], $0x40, s13, s14, $0xb8;
	[tilespmem:$0x1B420] =	vst v63  }
0xc7: {  	_ =	swait.ge [sflag:s12], $0x1400  }
0xc8: {  	[sflag:s12] =	ssyncset.done $0x0  }
0xc9: {  	s31 =	sadd.s32 $0x320, s21;
	[sflag:s12] =	ssyncadd.s32 $0xFFFFEC00  }
0xca: {  	[tilespmem:s15], [sflag:$0x1] =	stream.indirect.gather [hbm4b:s4+s14], $0x40, s31, s14, $0xb8;
	[tilespmem:$0x1B420] =	vst v63  }
0xcb: {  	s1 =	sadd.s32 $0x370, s21  }
0xcc: {  	[tilespmem:s16], [sflag:$0x1] =	stream.indirect.gather [hbm4b:s4+s14], $0x40, s1, s14, $0xb8;
	[tilespmem:$0x1B420] =	vst v63  }
0xcd: {  	s13 =	sadd.s32 $0x3C0, s21  }
0xce: {  	[tilespmem:s18], [sflag:$0x1] =	stream.indirect.gather [hbm4b:s4+s14], $0x40, s13, s14, $0xb8;
	[tilespmem:$0x1B420] =	vst v63  }
0xcf: {  	s31 =	sadd.s32 $0x410, s21  }
0xd0: {  	[tilespmem:s20], [sflag:$0x1] =	stream.indirect.gather [hbm4b:s4+s14], $0x40, s31, s14, $0xb8;
	[tilespmem:$0x1B420] =	vst v63  }
0xd1: {  	s1 =	sadd.s32 $0x460, s21  }
0xd2: {  	[tilespmem:s22], [sflag:$0x1] =	stream.indirect.gather [hbm4b:s4+s14], $0x40, s1, s14, $0xb8;
	[tilespmem:$0x1B420] =	vst v63  }
0xd3: {  	_ =	swait.ge [sflag:s30], $0x6400  }
0xd4: {  	[sflag:s30] =	ssyncset.done $0x0  }
0xd5: {  	s13 =	sadd.s32 $0x28A0, s21;
	[sflag:s30] =	ssyncadd.s32 $0xFFFF9C00  }
0xd6: {  	[spmem:s2] =	stream.indirect.scatter.add.f32 [tilespmem:s23], [sflag:$0x3], $0x40, s13, s14, $0xb8;
	[tilespmem:$0x1B420] =	vst v63  }
0xd7: {  	_ =	swait.ge [sflag:s12], $0x1400  }
0xd8: {  	[sflag:s12] =	ssyncset.done $0x0  }
0xd9: {  	s31 =	sadd.s32 $0x28F0, s21;
	[sflag:s12] =	ssyncadd.s32 $0xFFFFEC00  }
0xda: {  	[spmem:s2] =	stream.indirect.scatter.add.f32 [tilespmem:s24], [sflag:$0x3], $0x40, s31, s14, $0xb8;
	[tilespmem:$0x1B420] =	vst v63  }
0xdb: {  	_ =	swait.ge [sflag:s12], $0x1400  }
0xdc: {  	[sflag:s12] =	ssyncset.done $0x0  }
0xdd: {  	s1 =	sadd.s32 $0x2940, s21;
	[sflag:s12] =	ssyncadd.s32 $0xFFFFEC00  }
0xde: {  	[spmem:s2] =	stream.indirect.scatter.add.f32 [tilespmem:s25], [sflag:$0x3], $0x40, s1, s14, $0xb8;
	[tilespmem:$0x1B420] =	vst v63  }
0xdf: {  	_ =	swait.ge [sflag:s12], $0x1400  }
0xe0: {  	[sflag:s12] =	ssyncset.done $0x0  }
0xe1: {  	s13 =	sadd.s32 $0x2990, s21;
	[sflag:s12] =	ssyncadd.s32 $0xFFFFEC00  }
0xe2: {  	[spmem:s2] =	stream.indirect.scatter.add.f32 [tilespmem:s26], [sflag:$0x3], $0x40, s13, s14, $0xb8;
	[tilespmem:$0x1B420] =	vst v63  }
0xe3: {  	_ =	swait.ge [sflag:s12], $0x1400  }
0xe4: {  	[sflag:s12] =	ssyncset.done $0x0  }
0xe5: {  	s31 =	sadd.s32 $0x29E0, s21;
	[sflag:s12] =	ssyncadd.s32 $0xFFFFEC00  }
0xe6: {  	[spmem:s2] =	stream.indirect.scatter.add.f32 [tilespmem:s28], [sflag:$0x3], $0x40, s31, s14, $0xb8;
	[tilespmem:$0x1B420] =	vst v63  }
0xe7: {  	_ =	swait.ge [sflag:s12], $0x1400  }
0xe8: {  	[sflag:s12] =	ssyncset.done $0x0  }
0xe9: {  	[sflag:s12] =	ssyncadd.s32 $0xFFFFEC00  }
0xea: {  	_ =	swait.ge [sflag:s29], $0x6400  }
0xeb: {  	[sflag:s29] =	ssyncset.done $0x0  }
0xec: {  	s1 =	simm.s32 $0x4C90;
	[sflag:s29] =	ssyncadd.s32 $0xFFFF9C00  }
0xed: {  	[spmem:s2] =	stream.indirect.scatter.add.f32 [tilespmem:s15], [sflag:$0x3], $0x40, s1, s14, $0xb8;
	[tilespmem:$0x1B420] =	vst v63  }
0xee: {  	_ =	swait.ge [sflag:s12], $0x1400  }
0xef: {  	[sflag:s12] =	ssyncset.done $0x0  }
0xf0: {  	s13 =	simm.s32 $0x4CE0;
	[sflag:s12] =	ssyncadd.s32 $0xFFFFEC00  }
0xf1: {  	[spmem:s2] =	stream.indirect.scatter.add.f32 [tilespmem:s16], [sflag:$0x3], $0x40, s13, s14, $0xb8;
	[tilespmem:$0x1B420] =	vst v63  }
0xf2: {  	_ =	swait.ge [sflag:s12], $0x1400  }
0xf3: {  	[sflag:s12] =	ssyncset.done $0x0  }
0xf4: {  	s21 =	simm.s32 $0x4D30;
	[sflag:s12] =	ssyncadd.s32 $0xFFFFEC00  }
0xf5: {  	[spmem:s2] =	stream.indirect.scatter.add.f32 [tilespmem:s18], [sflag:$0x3], $0x40, s21, s14, $0xb8;
	[tilespmem:$0x1B420] =	vst v63  }
0xf6: {  	_ =	swait.ge [sflag:s12], $0x1400  }
0xf7: {  	[sflag:s12] =	ssyncset.done $0x0  }
0xf8: {  	s31 =	simm.s32 $0x4D80;
	[sflag:s12] =	ssyncadd.s32 $0xFFFFEC00  }
0xf9: {  	[spmem:s2] =	stream.indirect.scatter.add.f32 [tilespmem:s20], [sflag:$0x3], $0x40, s31, s14, $0xb8;
	[tilespmem:$0x1B420] =	vst v63  }
0xfa: {  	_ =	swait.ge [sflag:s12], $0x1400  }
0xfb: {  	[sflag:s12] =	ssyncset.done $0x0  }
0xfc: {  	[sflag:s12] =	ssyncadd.s32 $0xFFFFEC00  }
0xfd: {  	[spmem:s2] =	stream.indirect.scatter.add.f32 [tilespmem:s22], [sflag:$0x3], $0x40, s17, s14, $0xb8;
	[tilespmem:$0x1B420] =	vst v63  }
0xfe: {  	_ =	swait.ge [sflag:s12], $0x1400  }
0xff: {  	s19 =	sadd.s32 $0x1, s19;
	[sflag:s12] =	ssyncset.done $0x0  }
0x100: {  	p0 =	sne.s32 s19, s10;
	[sflag:s12] =	ssyncadd.s32 $0xFFFFEC00  }
.Ltmp1:
0x101: {  	[bflag:$0x0] =	sbarrier.arrive $0xFFFF;
	(pc) =	sbr.rel @p0 .LBB2_1-.Ltmp1, $4  }
0x102: {  	[hbm:s9], [sflag:s6] =	dma.local [spmem:s11], $0x13C0  }
0x103: {  	_ =	swait.ge [sflag:s12], $0x13C0  }
0x104: {  	[sflag:s12] =	ssyncset.done $0x0  }
0x105: {  	[sflag:s12] =	ssyncadd.s32 $0xFFFFEC40  }
0x106: {  	_ =	sfence.sel $0x180000  }
0x107: {  	[bflag:$0x0] =	sbarrier.arrive $0xFFFF  }
0x108: {  	_ =	strace $0x9000004D  }
0x109: {  	s0 =	stileid.u32;
	[bflag:$0x2] =	sbarrier.arrive $0xFFFF  }
0x10a: {  	p0 =	sne.s32 s0, $0x0;
	s0 =	rddreg [dreg:$0x2]  }
0x10b: {  	s0 =	sadd.s32 @!p0 $0x100000, s0  }
0x10c: {  	[sflag:s0] =	ssyncadd.tile.s32 @!p0 $0x1;
	_ =	shalt  }
.Lfunc_end2:
_tile_overlayer_lowered:
.L_overlay_start_2:
0x10d: {  	(tag) =	ssettag $0x2  }
0x10e: {  	s0 =	rddreg [dreg:$0x0];
	s2 =	stileid.u32  }
0x10f: {  	s1 =	rddreg [dreg:$0x1];
	p0 =	sne.s32 s2, $0x0  }
0x110: {  	s3 =	rddreg [dreg:$0x2];
	[bflag:$0x3] =	sbarrier.arrive $0xFFFF;
	s2 =	simm.s32 @!p0 $0x1C03  }
0x111: {  	[timem:s3], [sflag:s2] =	dma.local @!p0 [hbm:s0], s1  }
0x112: {  	s0 =	simm.s32 @!p0 $0x3  }
0x113: {  	_ =	swait.ge @!p0 [sflag:s0], s1  }
0x114: {  	s1 =	ssub.s32 @!p0 $0x0, s1;
	[sflag:s0] =	ssyncset.done @!p0 $0x0  }
0x115: {  	[sflag:s0] =	ssyncadd.s32 @!p0 s1  }
0x116: {  	[bflag:$0x3] =	sbarrier.arrive $0xFFFF  }
0x117: {  	_ =	shalt  }

// kernel: kernel.8.cloned.1.call-start
scs
__scs_entry_jumppad:
0x0: {  	(pc) =	sbr.rel $0x88, $3  }
0x1: {  	(tag) =	ssettag $0x0;
	lr =	simm.s32 $0x1  }
0x2: {  	[smem:$0x3F97] =	sst lr;
	_ =	strace $0xD0000000  }
0x3: {  	_ = 	snop  }
0x4: {  	_ = 	snop  }
0x5: {  	_ = 	snop  }
0x6: {  	_ = 	snop  }
0x7: {  	_ = 	snop  }
__scs_overlays_trampoline_lowered:
0x8: {  	[smem:$0x3FA6] =	sst s0  }
0x9: {  	[smem:$0x3FA7] =	sst s1  }
0xa: {  	[smem:$0x3FA8] =	sst s2  }
0xb: {  	[smem:$0x3FA9] =	sst s3  }
0xc: {  	[smem:$0x3FAA] =	sst s4  }
0xd: {  	[smem:$0x3FAB] =	sst s5  }
0xe: {  	[smem:$0x3FAC] =	sst s6  }
0xf: {  	[smem:$0x3FAD] =	sst s7  }
0x10: {  	[smem:$0x3FAE] =	sst s8  }
0x11: {  	[smem:$0x3FAF] =	sst s9;
	s0 =	simm.s32 @!p0 $0x0  }
0x12: {  	s1 =	sld [smem:$0x3F95];
	s0 =	simm.s32 @p0 $0x1  }
0x13: {  	[smem:$0x3FB0] =	sst s0;
	s0 =	simm.s32 @!p1 $0x0  }
0x14: {  	s2 =	sld [smem:$0x3F94];
	s0 =	simm.s32 @p1 $0x1  }
0x15: {  	[smem:$0x3FB1] =	sst s0;
	s0 =	simm.s32 @!p2 $0x0  }
0x16: {  	s3 =	sld [smem:$0x3FDB];
	s0 =	simm.s32 @p2 $0x1  }
0x17: {  	s4 =	simm.s32 $0x1BF5;
	[smem:$0x3FB3] =	sst s0  }
0x18: {  	s0 =	sld [smem:$0x3F96];
	_ =	swait.ge [sflag:s4], $0x0  }
0x19: {  	s7 =	sld [smem:$0x3F97]  }
0x1a: {  	s8 =	sadd.s32 $0xFFFFE003, lr  }
0x1b: {  	s9 =	sadd.s32 $0xFFFFFEF7, lr;
	s5 =	simm.s32 $0xFFFFFFFF;
	p2 =	slt.u32 s8, $0xFFFFF086  }
0x1c: {  	p1 =	slt.u32 s9, $0xF7A;
	s5 =	simm.s32 @!p2 $0x0  }
0x1d: {  	s5 =	simm.s32 @p1 $0x1;
	p0 =	seq.s32 s7, s2  }
0x1e: {  	s7 =	smul.u32 @!p0 $0xF7A, s2;
	p2 =	seq.s32 @!p0 s5, $0x0  }
0x1f: {  	s9 =	smul.u32 $0xF7A, s1;
	s8 =	simm.s32 @!p0 $0x1BF5;
	p2 =	por !p2, p0  }
0x20: {  	[sflag:s8] =	ssyncset.s32 @!p0 $0xFFFFF086;
	s6 =	sadd.s32 @!p0 s3, s7;
	s7 =	simm.s32 @!p0 $0x108  }
0x21: {  	s3 =	sadd.s32 s3, s9;
	s6 =	sadd.s32 @!p0 $0x88, s6;
	s7 =	simm.s32 @p2 $0x1082  }
0x22: {  	[simem:s7], [sflag:s8] =	dma.local @!p0 [hbm:s6], $0xF7A  }
0x23: {  	s9 =	sor.u32 $0xD0000000, s2;
	s6 =	simm.s32 $0x108;
	_ =	swait.ge @!p0 [sflag:s8], $0x0  }
0x24: {  	s3 =	sadd.s32 $0x88, s3;
	s6 =	simm.s32 @!p1 $0x1082;
	[sflag:s4] =	ssyncset.s32 $0xFFFFF086  }
0x25: {  	[simem:s6], [sflag:s4] =	dma.local [hbm:s3], $0xF7A  }
0x26: {  	[smem:$0x3F97] =	sst s1;
	(tag) =	ssettag s2;
	_ =	strace s9  }
0x27: {  	s1 =	sld [smem:$0x3FA7]  }
0x28: {  	s2 =	sld [smem:$0x3FA8]  }
0x29: {  	s4 =	sld [smem:$0x3FAA]  }
0x2a: {  	p0 =	seq.s32 s5, $0x0;
	s5 =	sld [smem:$0x3FAB]  }
0x2b: {  	s6 =	sld [smem:$0x3FAC]  }
0x2c: {  	s7 =	sld [smem:$0x3FAD]  }
0x2d: {  	s3 =	simm.s32 $0x108;
	s8 =	sld [smem:$0x3FAE]  }
0x2e: {  	s3 =	simm.s32 @!p0 $0x1082;
	s9 =	sld [smem:$0x3FAF]  }
0x2f: {  	lr =	sadd.s32 s0, s3;
	s0 =	sld [smem:$0x3FA6]  }
0x30: {  	s3 =	sld [smem:$0x3FA9]  }
0x31: {  	[smem:$0x3FB2] =	sst s10  }
0x32: {  	s10 =	sld [smem:$0x3FB0];
	_ =	sdelay $0x3  }
0x33: {  	p0 =	seq.s32 s10, $0x1;
	s10 =	sld [smem:$0x3FB2];
	_ =	sdelay $0x3  }
0x34: {  	[smem:$0x3FB2] =	sst s10  }
0x35: {  	s10 =	sld [smem:$0x3FB1];
	_ =	sdelay $0x3  }
0x36: {  	p1 =	seq.s32 s10, $0x1;
	s10 =	sld [smem:$0x3FB2];
	_ =	sdelay $0x3  }
0x37: {  	[smem:$0x3FB2] =	sst s10  }
0x38: {  	s10 =	sld [smem:$0x3FB3]  }
0x39: {  	_ = 	snop;
	(pc) =	sbr.ind lr, $3  }
0x3a: {  	_ = 	snop  }
0x3b: {  	_ = 	snop  }
0x3c: {  	p2 =	seq.s32 s10, $0x1;
	s10 =	sld [smem:$0x3FB2]  }
0x3d: {  	_ =	shalt  }
0x3e: {  	_ =	shalt  }
0x3f: {  	_ =	shalt  }
0x40: {  	_ =	shalt  }
0x41: {  	_ =	shalt  }
0x42: {  	_ =	shalt  }
0x43: {  	_ =	shalt  }
0x44: {  	_ =	shalt  }
0x45: {  	_ =	shalt  }
0x46: {  	_ =	shalt  }
0x47: {  	_ =	shalt  }
0x48: {  	_ =	shalt  }
0x49: {  	_ =	shalt  }
0x4a: {  	_ =	shalt  }
0x4b: {  	_ =	shalt  }
0x4c: {  	_ =	shalt  }
0x4d: {  	_ =	shalt  }
0x4e: {  	_ =	shalt  }
0x4f: {  	_ =	shalt  }
0x50: {  	_ =	shalt  }
0x51: {  	_ =	shalt  }
0x52: {  	_ =	shalt  }
0x53: {  	_ =	shalt  }
0x54: {  	_ =	shalt  }
0x55: {  	_ =	shalt  }
0x56: {  	_ =	shalt  }
0x57: {  	_ =	shalt  }
0x58: {  	_ =	shalt  }
0x59: {  	_ =	shalt  }
0x5a: {  	_ =	shalt  }
0x5b: {  	_ =	shalt  }
0x5c: {  	_ =	shalt  }
0x5d: {  	_ =	shalt  }
0x5e: {  	_ =	shalt  }
0x5f: {  	_ =	shalt  }
0x60: {  	_ =	shalt  }
0x61: {  	_ =	shalt  }
0x62: {  	_ =	shalt  }
0x63: {  	_ =	shalt  }
0x64: {  	_ =	shalt  }
0x65: {  	_ =	shalt  }
0x66: {  	_ =	shalt  }
0x67: {  	_ =	shalt  }
0x68: {  	_ =	shalt  }
0x69: {  	_ =	shalt  }
0x6a: {  	_ =	shalt  }
0x6b: {  	_ =	shalt  }
0x6c: {  	_ =	shalt  }
0x6d: {  	_ =	shalt  }
0x6e: {  	_ =	shalt  }
0x6f: {  	_ =	shalt  }
0x70: {  	_ =	shalt  }
0x71: {  	_ =	shalt  }
0x72: {  	_ =	shalt  }
0x73: {  	_ =	shalt  }
0x74: {  	_ =	shalt  }
0x75: {  	_ =	shalt  }
0x76: {  	_ =	shalt  }
0x77: {  	_ =	shalt  }
0x78: {  	_ =	shalt  }
0x79: {  	_ =	shalt  }
0x7a: {  	_ =	shalt  }
0x7b: {  	_ =	shalt  }
0x7c: {  	_ =	shalt  }
0x7d: {  	_ =	shalt  }
0x7e: {  	_ =	shalt  }
0x7f: {  	_ =	shalt  }
0x80: {  	_ =	shalt  }
0x81: {  	_ =	shalt  }
0x82: {  	_ =	shalt  }
0x83: {  	_ =	shalt  }
0x84: {  	_ =	shalt  }
0x85: {  	_ =	shalt  }
0x86: {  	_ =	shalt  }
0x87: {  	_ =	shalt  }
.Lfunc_end0:
.L_simem_size_0:
called_computation_lowered:
.L_overlay_start_0:
0x88: {  	s2 =	sld [smem:$0x3FD9]  }
0x89: {  	s3 =	sld [smem:$0x3FFE];
	_ =	sdelay $0x1  }
0x8a: {  	s1 =	srdreg.scid  }
0x8b: {  	s0 =	sand.u32 $0x1, s1  }
0x8c: {  	s16 =	sshll.u32 s0, $0xA;
	s2 =	sadd.s32 s3, s2  }
0x8d: {  	s2 =	sadd.s32 s2, s16  }
0x8e: {  	[smem:$0x3FBE] =	sst s2  }
0x8f: {  	_ = 	snop  }
0x90: {  	(tm) =	ssettm $0x1  }
0x91: {  	s17 =	sld [smem:$0x3FFB];
	_ =	sdelay $0x3  }
0x92: {  	_ =	strace s17  }
0x93: {  	s2 =	sld [smem:$0x3FFC];
	_ =	sdelay $0x3  }
0x94: {  	_ =	strace s2  }
0x95: {  	s2 =	sld [smem:$0x3FFD];
	_ =	sdelay $0x3  }
0x96: {  	_ =	strace s2  }
0x97: {  	_ =	strace $0x8FFFFFFF  }
0x98: {  	s18 =	sld [smem:$0x3FDB];
	_ =	sdelay $0x1  }
0x99: {  	s19 =	simm.s32 $_scs_section_size  }
0x9a: {  	s4 =	simm.s32 $_size__tile_overlayer_lowered;
	s5 =	simm.s32 $_tile_overlayer_lowered  }
0x9b: {  	s22 =	simm.s32 $0x1BFF;
	s21 =	sshll.u32 s5, $0x1;
	s2 =	sadd.s32 s19, s18  }
0x9c: {  	s6 =	simm.s32 $0x0;
	s20 =	sshll.u32 s4, $0x1;
	s4 =	sadd.s32 s21, s2  }
0x9d: {  	[timem:s6], [sflag:s22] =	dma.local [hbm:s4], s20  }
0x9e: {  	_ =	swait.ge [sflag:s22], s20  }
0x9f: {  	s3 =	ssub.s32 $0x0, s20;
	[sflag:s22] =	ssyncset.done $0x0  }
0xa0: {  	[sflag:s22] =	ssyncadd.s32 s3;
	_ =	sdelay $0x1  }
0xa1: {  	s23 =	simm.s32 $0x1B8B  }
0xa2: {  	_ =	swait.ge [sflag:s23], $0x1  }
0xa3: {  	[sflag:s23] =	ssyncset.done $0x0  }
0xa4: {  	s25 =	simm.s32 $0x1B8E;
	s24 =	sld [smem:$0x3FFE];
	[sflag:s23] =	ssyncadd.s32 $0xFFFFFFFF  }
0xa5: {  	s26 =	simm.s32 $execute0_lowered;
	[smem:$0x3FD2] =	sst s25  }
0xa6: {  	s4 =	sshll.u32 s26, $0x1;
	_ =	strace $0x80000046;
	[dreg:$0x1] =	wrdreg $0xFFFFFFFF  }
0xa7: {  	s28 =	simm.s32 $_size_execute0_lowered;
	s2 =	sadd.s32 s2, s4;
	[dreg:$0x0] =	wrdreg $0x0  }
0xa8: {  	s4 =	sshll.u32 s28, $0x1;
	[dreg:$0x2] =	wrdreg s2  }
0xa9: {  	[dreg:$0x3] =	wrdreg s4  }
0xaa: {  	[dreg:$0x4] =	wrdreg $0xC0  }
0xab: {  	_ =	task [dreg:s6], $0x5FFFF  }
0xac: {  	[dreg:$0x1] =	wrdreg $0xFFFFFFFF  }
0xad: {  	[dreg:$0x0] =	wrdreg $0x60  }
0xae: {  	[dreg:$0x2] =	wrdreg s24  }
0xaf: {  	[dreg:$0x3] =	wrdreg $0x2C100  }
0xb0: {  	[dreg:$0x4] =	wrdreg $0x9  }
0xb1: {  	_ =	task.clear_ibuf [dreg:s6], $0x5FFFF;
	_ =	strace $0x90000046  }
0xb2: {  	s29 =	simm.s32 $0x9;
	_ =	strace $0x80000048  }
0xb3: {  	_ =	swait.ge [sflag:s29], $0x1  }
0xb4: {  	[sflag:s29] =	ssyncadd.s32 $0xFFFFFFFF  }
0xb5: {  	_ =	strace $0x90000048  }
0xb6: {  	_ =	sfence  }
0xb7: {  	s30 =	sld [smem:$0x0];
	_ =	sdelay $0x2  }
0xb8: {  	s31 =	sshll.u32 s1, $0xD;
	s1 =	sshrl.u32 s1, $0x2  }
0xb9: {  	s3 =	sand.u32 $0x4000, s31;
	s1 =	sadd.s32 s1, s30  }
0xba: {  	s0 =	sor.u32 s3, s0;
	s1 =	sshll.u32 s1, $0x11  }
0xbb: {  	s0 =	sor.u32 s1, s0  }
0xbc: {  	s0 =	sadd.s32 $0x8F2B, s0  }
0xbd: {  	[sflag:s0] =	ssyncadd.remote.s32 $0x1  }
0xbe: {  	_ =	sfence.sel $0xFFFF  }
0xbf: {  	[dreg:$0x0] =	wrdreg $0xFFFFFFFF;
	(pc) =	sbr.abs _section_cstart, $3  }
0xc0: {  	[dreg:$0x1] =	wrdreg $0xFFFFFFFF  }
0xc1: {  	_ =	task.clear_ibuf [dreg:s6], $0x2FFFF;
	_ =	strace $0x9FFFFFFF  }
0xc2: {  	(tm) =	ssettm $0x7FFFFFFF  }
0xc3: {  	_ =	shalt  }
tec
execute0_lowered:
.L_overlay_start_1:
0x0: {  	(tag) =	ssettag $0x1  }
0x1: {  	s4 =	rddreg [dreg:$0x0]  }
0x2: {  	s2 =	rddreg [dreg:$0x1]  }
0x3: {  	s0 =	rddreg [dreg:$0x2]  }
0x4: {  	s1 =	stileid.u32;
	s5 =	srdreg.scid  }
0x5: {  	s3 =	simm.s32 $0x0;
	s12 =	simm.s32 $0x2710;
	s6 =	smul.u32 $0x2780, s1  }
0x6: {  	s5 =	sand.u32 $0x1, s5;
	[smem:$0x7FF] =	sst s3;
	s31 =	sshll.u32 s1, $0x6  }
0x7: {  	s7 =	smul.u32 $0x27800, s5;
	s8 =	sshll.u32 s5, $0x4;
	_ =	strace $0x80000047  }
0x8: {  	s5 =	ssub.s32 $0x2, s5;
	s9 =	sshrl.u32 s6, $0x3;
	s8 =	sor.u32 s1, s8  }
0x9: {  	s10 =	sshrl.u32 s5, $0x1;
	s11 =	sadd.s32 s6, s2;
	s8 =	smul.u32 $0x2710, s8  }
0xa: {  	s7 =	sadd.s32 s6, s7;
	s9 =	sadd.s32 s9, s4;
	s10 =	ssub.s32 s5, s10  }
0xb: {  	s5 =	sor.u32 $0x1C01, s31;
	s7 =	sshrl.u32 s7, $0x3;
	s30 =	sshrl.u32 s8, $0x3  }
0xc: {  	s7 =	sadd.s32 s7, s4;
	s8 =	sadd.s32 s4, s30;
	s4 =	sadd.s32 $0x15A00, s9  }
0xd: {  	s7 =	sadd.s32 $0x1AA00, s7;
	s9 =	sshrl.u32 s11, $0x3;
	s11 =	simm.s32 $0x50  }
0xe: {  	v0 =	vimm.f32 $1.000000000e+00;
	s6 =	sadd.s32 $0xBC40, s8;
	s8 =	smax.u32 s10, $0x1;
	s10 =	simm.s32 $0x1  }
.LBB2_1:
0xf: {  	s13 =	simm.s32 $0x40;
	s14 =	simm.s32 $0x0  }
.LBB2_2:
0x10: {  	p0 =	sne.s32 s13, $0x13C0;
	[tilespmem:s14+$0x2710] =	vst v0;
	s14 =	smov.u32 s13;
	s13 =	sadd.s32 $0x40, s13  }
.Ltmp0:
0x11: {  	(pc) =	sbr.rel @p0 .LBB2_2-.Ltmp0, $2  }
0x12: {  	_ =	sdelay $0x2  }
0x13: {  	s14 =	sshra.s32 s14, $0x2  }
0x14: {  	[tilespmem:s14+$0x2710] =	vst v0  }
0x15: {  	[spmem:s9], [sflag:s5] =	dma.local [hbm:s4], $0x4F0  }
0x16: {  	_ =	swait.ge [sflag:s10], $0x4F0  }
0x17: {  	[sflag:s10] =	ssyncset.done $0x0  }
0x18: {  	s13 =	simm.s32 $0x0;
	[sflag:s10] =	ssyncadd.s32 $0xFFFFFB10  }
0x19: {  	[tilespmem:s13], [sflag:$0x1] =	stream.linear.gather [hbm4b:s6+s13], $0x2710, $0x38;
	[tilespmem:$0x5390] =	vst v63  }
0x1a: {  	_ =	swait.ge [sflag:s10], $0x2710  }
0x1b: {  	[sflag:s10] =	ssyncset.done $0x0  }
0x1c: {  	[sflag:s10] =	ssyncadd.s32 $0xFFFFD8F0  }
0x1d: {  	s31 =	simm.s32 $0x0;
	[bflag:$0x0] =	sbarrier.arrive $0xFFFF  }
0x1e: {  	[spmem:s2] =	stream.indirect.scatter.add.f32 [tilespmem:s12], [sflag:$0x1], $0x10, s31, s11, $0xb8;
	[tilespmem:$0x5390] =	vst v63  }
0x1f: {  	_ =	swait.ge [sflag:s10], $0x500  }
0x20: {  	s13 =	simm.s32 $0x140;
	[sflag:s10] =	ssyncset.done $0x0  }
.LBB2_4:
0x21: {  	s14 =	sshra.s32 s13, $0x2;
	[sflag:s10] =	ssyncadd.s32 $0xFFFFFB00;
	p0 =	sne.s32 s13, $0x9B00  }
0x22: {  	[spmem:s2] =	stream.indirect.scatter.add.f32 [tilespmem:s12], [sflag:$0x1], $0x10, s14, s11, $0xb8;
	[tilespmem:$0x5390] =	vst v63  }
.Ltmp1:
0x23: {  	_ = 	snop;
	(pc) =	sbr.rel @p0 .LBB2_4-.Ltmp1, $4  }
0x24: {  	_ = 	snop  }
0x25: {  	s13 =	sadd.s32 $0x140, s13  }
0x26: {  	_ =	swait.ge [sflag:s10], $0x500  }
0x27: {  	[sflag:s10] =	ssyncset.done $0x0  }
0x28: {  	s3 =	sadd.s32 $0x1, s3  }
0x29: {  	[sflag:s10] =	ssyncadd.s32 $0xFFFFFB00;
	p0 =	sne.s32 s3, s8  }
.Ltmp2:
0x2a: {  	[bflag:$0x0] =	sbarrier.arrive $0xFFFF;
	(pc) =	sbr.rel @p0 .LBB2_1-.Ltmp2, $4  }
0x2b: {  	[hbm:s7], [sflag:s5] =	dma.local [spmem:s9], $0x4F0  }
0x2c: {  	_ =	swait.ge [sflag:s10], $0x4F0  }
0x2d: {  	[sflag:s10] =	ssyncset.done $0x0  }
0x2e: {  	[sflag:s10] =	ssyncadd.s32 $0xFFFFFB10  }
0x2f: {  	_ =	sfence.sel $0x180000  }
0x30: {  	[bflag:$0x0] =	sbarrier.arrive $0xFFFF  }
0x31: {  	p0 =	sne.s32 s1, $0x0;
	_ =	strace $0x90000047  }
0x32: {  	s0 =	sadd.s32 @!p0 $0x100000, s0;
	[bflag:$0x2] =	sbarrier.arrive $0xFFFF  }
0x33: {  	[sflag:s0] =	ssyncadd.tile.s32 @!p0 $0x1;
	_ =	shalt  }
.Lfunc_end2:
_tile_overlayer_lowered:
.L_overlay_start_2:
0x34: {  	(tag) =	ssettag $0x2  }
0x35: {  	s0 =	rddreg [dreg:$0x0];
	s2 =	stileid.u32  }
0x36: {  	s1 =	rddreg [dreg:$0x1];
	p0 =	sne.s32 s2, $0x0  }
0x37: {  	s3 =	rddreg [dreg:$0x2];
	[bflag:$0x3] =	sbarrier.arrive $0xFFFF;
	s2 =	simm.s32 @!p0 $0x1C01  }
0x38: {  	[timem:s3], [sflag:s2] =	dma.local @!p0 [hbm:s0], s1  }
0x39: {  	s0 =	simm.s32 @!p0 $0x1  }
0x3a: {  	_ =	swait.ge @!p0 [sflag:s0], s1  }
0x3b: {  	s1 =	ssub.s32 @!p0 $0x0, s1;
	[sflag:s0] =	ssyncset.done @!p0 $0x0  }
0x3c: {  	[sflag:s0] =	ssyncadd.s32 @!p0 s1  }
0x3d: {  	[bflag:$0x3] =	sbarrier.arrive $0xFFFF  }
0x3e: {  	_ =	shalt  }

</sc_bundles>
